<compile_context>
chip_gen: v7x
topology: tpu7x:2x2x1
jax: 0.10.2.dev20260603
libtpu: 0.0.44.dev20260713+nightly
codegen_flags: <defaults>
</compile_context>

<pallas_src>
import functools

import jax
import jax.numpy as jnp
from jax import lax
from jax.experimental import pallas as pl
from jax.experimental.pallas import tpu as pltpu
from jax.experimental.pallas import tpu_sc as plsc

N_LABELS = 16384
VOCAB = 17
D = 128

NS = 16
L = 16

PER_W = N_LABELS // NS
NVEC = PER_W // L
NCOL = D // L


@functools.partial(
    pl.kernel,
    out_type=jax.ShapeDtypeStruct((NCOL, L), jnp.float32),
    mesh=plsc.VectorSubcoreMesh(
        core_axis_name="c", subcore_axis_name="s", num_cores=1, num_subcores=NS
    ),
    compiler_params=pltpu.CompilerParams(needs_layout_passes=False),
    scratch_types=[
        pltpu.VMEM((PER_W,), jnp.int32),
        pltpu.VMEM((D,), jnp.float32),
        pltpu.VMEM((NS, D), jnp.float32),
        pltpu.VMEM((VOCAB, D), jnp.float32),
        pltpu.VMEM((D, D), jnp.float32),
        pltpu.VMEM((L,), jnp.float32),
        pltpu.VMEM_SHARED((NS, D), jnp.float32),
        pltpu.SemaphoreType.DMA,
        pltpu.SemaphoreType.DMA,
    ],
)
def _sc_contract(idx_hbm, table_hbm, w_hbm, out_hbm,
                 idx_v, hist_v, hists_v, table_v, w_v, outst_v,
                 sh_hists, tsem, wsem):
    s = lax.axis_index("s")
    base = s * PER_W

    zeros = jnp.zeros((L,), jnp.float32)

    @pl.when(s < NCOL)
    def _prefetch():
        pltpu.async_copy(table_hbm, table_v, tsem)
        pltpu.async_copy(w_hbm, w_v, wsem)

    hist_v[pl.ds(0, L)] = zeros
    hist_v[pl.ds(L, L)] = zeros
    pltpu.sync_copy(idx_hbm.at[pl.ds(base, PER_W)], idx_v)
    ones = jnp.full((L,), 1.0 / N_LABELS, jnp.float32)
    for i in range(NVEC):
        iv = idx_v[pl.ds(i * L, L)]
        plsc.addupdate_scatter(hist_v, [iv], ones)
    pltpu.sync_copy(hist_v, sh_hists.at[s])

    plsc.subcore_barrier()

    @pl.when(s < NCOL)
    def _stage():
        pltpu.sync_copy(sh_hists, hists_v)
        tot0 = zeros
        tot1 = zeros
        for w in range(NS):
            tot0 = tot0 + hists_v[w, pl.ds(0, L)]
            tot1 = tot1 + hists_v[w, pl.ds(L, L)]
        w0 = [tot0[v] for v in range(L)]
        w16 = tot1[0]

        pltpu.make_async_copy(table_hbm, table_v, tsem).wait()
        pooled = []
        for kc in range(NCOL):
            acc = zeros
            for v in range(L):
                acc = acc + w0[v] * table_v[v, pl.ds(kc * L, L)]
            acc = acc + w16 * table_v[L, pl.ds(kc * L, L)]
            pooled.append(acc)

        pltpu.make_async_copy(w_hbm, w_v, wsem).wait()
        col = s * L
        acc = zeros
        for kc in range(NCOL):
            tp = pooled[kc]
            for kl in range(L):
                acc = acc + tp[kl] * w_v[kc * L + kl, pl.ds(col, L)]
        outst_v[...] = acc
        pltpu.sync_copy(outst_v, out_hbm.at[s])


def kernel(indices, table, W):
    parts = _sc_contract(indices.astype(jnp.int32), table, W)
    return parts.reshape(D)

# --- scband reference (transcript-rebuilt; emitter-appended) ---
"""Pipeline reference for scband-upicontract-with-semantics-35966056137143 (READ-ONLY COPY).

The authoritative reference and input builder live on the scoring server;
editing this copy changes nothing except your own understanding.
"""

import jax, jax.numpy as jnp
import numpy as np

VOCAB_SIZE = 17
EMBED_DIM = 128
N_LABELS = 16384

def setup_inputs(seed: int = 0) -> dict:
    key = jax.random.key(seed)
    k1, k2, k3 = jax.random.split(key, 3)
    # label indices (int-encoded physical labels), values in [0, vocab_size)
    indices = jax.random.randint(k1, (N_LABELS,), 0, VOCAB_SIZE, dtype=jnp.int64 if jax.config.jax_enable_x64 else jnp.int32)
    # learned embedding table (nn.Embedding weight)
    table = jax.random.normal(k2, (VOCAB_SIZE, EMBED_DIM), dtype=jnp.float32)
    # label_mapping_matrix parameter: initialized as eye * 0.1 in the torch module
    W = jnp.eye(EMBED_DIM, dtype=jnp.float32) * 0.1
    return {"indices": indices, "table": table, "W": W}

def reference(indices, table, W):
    # get_semantic_embedding: base = Embedding(idx); semantic = base @ W; return semantic.mean(dim=0)
    base = jnp.take(table, indices, axis=0)          # gather: [N, D]
    semantic = base @ W                               # [N, D]
    return semantic.mean(axis=0)                      # [D]

if __name__ == "__main__":
    import jax
    _d = setup_inputs()
    print(jax.jit(kernel)(*tuple(_d.values())))

</pallas_src>

<mosaic_0001>
#map = affine_map<(d0, d1) -> (0)>
#map1 = affine_map<(d0, d1) -> (0, 0)>
module attributes {stable_mosaic.version = 14 : i64} {
  func.func @_sc_contract(%arg0: i32, %arg1: i32, %arg2: memref<16384xi32, #tpu.memory_space<hbm>>, %arg3: memref<17x128xf32, #tpu.memory_space<hbm>>, %arg4: memref<128x128xf32, #tpu.memory_space<hbm>>, %arg5: memref<8x16xf32, #tpu.memory_space<hbm>>, %arg6: memref<1024xi32, #tpu.memory_space<vmem>>, %arg7: memref<128xf32, #tpu.memory_space<vmem>>, %arg8: memref<16x128xf32, #tpu.memory_space<vmem>>, %arg9: memref<17x128xf32, #tpu.memory_space<vmem>>, %arg10: memref<128x128xf32, #tpu.memory_space<vmem>>, %arg11: memref<16xf32, #tpu.memory_space<vmem>>, %arg12: memref<16x128xf32, #tpu.memory_space<vmem_shared>>, %arg13: memref<!tpu.dma_semaphore, #tpu.memory_space<semaphore_mem>>, %arg14: memref<!tpu.dma_semaphore, #tpu.memory_space<semaphore_mem>>) attributes {dimension_semantics = [#tpu.dimension_semantics<core_parallel>, #tpu.dimension_semantics<subcore_parallel>], iteration_bounds = array<i64: 1, 16>, scalar_prefetch = 0 : i64, scratch_operands = 9 : i64, tpu.core_type = #tpu.core_type<sc_vector_subcore>, window_params = [{transform_indices = #map}, {transform_indices = #map1}, {transform_indices = #map1}, {transform_indices = #map1}]} {
    %mul3A = arith.constant 1024 : i32
    %mul3A_0 = arith.muli %arg1, %mul3A : i32
    %broadcast_in_dim3A = arith.constant 0.000000e+00 : f32
    %broadcast_in_dim3A_1 = vector.broadcast %broadcast_in_dim3A : f32 to vector<16xf32>
    %lt3A = arith.constant 8 : i32
    %lt3A_2 = arith.cmpi slt, %arg1, %lt3A : i32
    %convert_element_type3A = arith.extui %lt3A_2 : i1 to i32
    %cond3A = arith.constant 0 : i32
    %cond3A_3 = arith.cmpi ne, %convert_element_type3A, %cond3A : i32
    scf.if %cond3A_3 {
      tpu.enqueue_dma source(%arg3 : memref<17x128xf32, #tpu.memory_space<hbm>>) target(%arg9 : memref<17x128xf32, #tpu.memory_space<vmem>>) target_semaphore(%arg13 : memref<!tpu.dma_semaphore, #tpu.memory_space<semaphore_mem>>)
      tpu.enqueue_dma source(%arg4 : memref<128x128xf32, #tpu.memory_space<hbm>>) target(%arg10 : memref<128x128xf32, #tpu.memory_space<vmem>>) target_semaphore(%arg14 : memref<!tpu.dma_semaphore, #tpu.memory_space<semaphore_mem>>)
    } else {
    }
    %swap3A = arith.constant 0 : index
    %swap3A_4 = tpu.vector_load %arg7[%swap3A] {strides = array<i32>} : memref<128xf32, #tpu.memory_space<vmem>>, vector<16xf32>,
    tpu.vector_store %arg7[%swap3A], %broadcast_in_dim3A_1 {strides = array<i32>} : memref<128xf32, #tpu.memory_space<vmem>>, vector<16xf32>,
    %swap3A_5 = arith.constant 16 : index
    %swap3A_6 = tpu.vector_load %arg7[%swap3A_5] {strides = array<i32>} : memref<128xf32, #tpu.memory_space<vmem>>, vector<16xf32>,
    tpu.vector_store %arg7[%swap3A_5], %broadcast_in_dim3A_1 {strides = array<i32>} : memref<128xf32, #tpu.memory_space<vmem>>, vector<16xf32>,
    "tpu.region"() ({
      %run_scoped3A = tpu.sem_alloc : memref<!tpu.dma_semaphore, #tpu.memory_space<semaphore_mem>>
      %dma_start3A = tpu.memref_slice %arg2[%mul3A_0] : memref<16384xi32, #tpu.memory_space<hbm>> -> memref<1024xi32, #tpu.memory_space<hbm>>
      %dma_start3A_141 = tpu.memref_slice %arg2[%mul3A_0] : memref<16384xi32, #tpu.memory_space<hbm>> -> memref<1024xi32, #tpu.memory_space<hbm>>
      tpu.enqueue_dma source(%dma_start3A_141 : memref<1024xi32, #tpu.memory_space<hbm>>) target(%arg6 : memref<1024xi32, #tpu.memory_space<vmem>>) target_semaphore(%run_scoped3A : memref<!tpu.dma_semaphore, #tpu.memory_space<semaphore_mem>>)
      %dma_wait3A = tpu.memref_slice %arg2[%mul3A_0] : memref<16384xi32, #tpu.memory_space<hbm>> -> memref<1024xi32, #tpu.memory_space<hbm>>
      %dma_wait3A_142 = tpu.memref_slice %arg2[%mul3A_0] : memref<16384xi32, #tpu.memory_space<hbm>> -> memref<1024xi32, #tpu.memory_space<hbm>>
      tpu.wait_dma2 semaphore(%run_scoped3A : memref<!tpu.dma_semaphore, #tpu.memory_space<semaphore_mem>>) src(%dma_wait3A_142 : memref<1024xi32, #tpu.memory_space<hbm>>) dst(%arg6 : memref<1024xi32, #tpu.memory_space<vmem>>)
      tpu.yield
    }) : () -> ()
    %broadcast_in_dim3A_7 = arith.constant 6.10351563E-5 : f32
    %broadcast_in_dim3A_8 = vector.broadcast %broadcast_in_dim3A_7 : f32 to vector<16xf32>
    %get3A = arith.constant 0 : index
    %get3A_9 = tpu.vector_load %arg6[%get3A] {strides = array<i32>} : memref<1024xi32, #tpu.memory_space<vmem>>, vector<16xi32>,
    tpu.vector_store_idx %arg7[%get3A_9], %broadcast_in_dim3A_8 {add = true} : memref<128xf32, #tpu.memory_space<vmem>>[vector<16xi32>], vector<16xf32>,
    %get3A_10 = arith.constant 16 : index
    %get3A_11 = tpu.vector_load %arg6[%get3A_10] {strides = array<i32>} : memref<1024xi32, #tpu.memory_space<vmem>>, vector<16xi32>,
    tpu.vector_store_idx %arg7[%get3A_11], %broadcast_in_dim3A_8 {add = true} : memref<128xf32, #tpu.memory_space<vmem>>[vector<16xi32>], vector<16xf32>,
    %get3A_12 = arith.constant 32 : index
    %get3A_13 = tpu.vector_load %arg6[%get3A_12] {strides = array<i32>} : memref<1024xi32, #tpu.memory_space<vmem>>, vector<16xi32>,
    tpu.vector_store_idx %arg7[%get3A_13], %broadcast_in_dim3A_8 {add = true} : memref<128xf32, #tpu.memory_space<vmem>>[vector<16xi32>], vector<16xf32>,
    %get3A_14 = arith.constant 48 : index
    %get3A_15 = tpu.vector_load %arg6[%get3A_14] {strides = array<i32>} : memref<1024xi32, #tpu.memory_space<vmem>>, vector<16xi32>,
    tpu.vector_store_idx %arg7[%get3A_15], %broadcast_in_dim3A_8 {add = true} : memref<128xf32, #tpu.memory_space<vmem>>[vector<16xi32>], vector<16xf32>,
    %get3A_16 = arith.constant 64 : index
    %get3A_17 = tpu.vector_load %arg6[%get3A_16] {strides = array<i32>} : memref<1024xi32, #tpu.memory_space<vmem>>, vector<16xi32>,
    tpu.vector_store_idx %arg7[%get3A_17], %broadcast_in_dim3A_8 {add = true} : memref<128xf32, #tpu.memory_space<vmem>>[vector<16xi32>], vector<16xf32>,
    %get3A_18 = arith.constant 80 : index
    %get3A_19 = tpu.vector_load %arg6[%get3A_18] {strides = array<i32>} : memref<1024xi32, #tpu.memory_space<vmem>>, vector<16xi32>,
    tpu.vector_store_idx %arg7[%get3A_19], %broadcast_in_dim3A_8 {add = true} : memref<128xf32, #tpu.memory_space<vmem>>[vector<16xi32>], vector<16xf32>,
    %get3A_20 = arith.constant 96 : index
    %get3A_21 = tpu.vector_load %arg6[%get3A_20] {strides = array<i32>} : memref<1024xi32, #tpu.memory_space<vmem>>, vector<16xi32>,
    tpu.vector_store_idx %arg7[%get3A_21], %broadcast_in_dim3A_8 {add = true} : memref<128xf32, #tpu.memory_space<vmem>>[vector<16xi32>], vector<16xf32>,
    %get3A_22 = arith.constant 112 : index
    %get3A_23 = tpu.vector_load %arg6[%get3A_22] {strides = array<i32>} : memref<1024xi32, #tpu.memory_space<vmem>>, vector<16xi32>,
    tpu.vector_store_idx %arg7[%get3A_23], %broadcast_in_dim3A_8 {add = true} : memref<128xf32, #tpu.memory_space<vmem>>[vector<16xi32>], vector<16xf32>,
    %get3A_24 = arith.constant 128 : index
    %get3A_25 = tpu.vector_load %arg6[%get3A_24] {strides = array<i32>} : memref<1024xi32, #tpu.memory_space<vmem>>, vector<16xi32>,
    tpu.vector_store_idx %arg7[%get3A_25], %broadcast_in_dim3A_8 {add = true} : memref<128xf32, #tpu.memory_space<vmem>>[vector<16xi32>], vector<16xf32>,
    %get3A_26 = arith.constant 144 : index
    %get3A_27 = tpu.vector_load %arg6[%get3A_26] {strides = array<i32>} : memref<1024xi32, #tpu.memory_space<vmem>>, vector<16xi32>,
    tpu.vector_store_idx %arg7[%get3A_27], %broadcast_in_dim3A_8 {add = true} : memref<128xf32, #tpu.memory_space<vmem>>[vector<16xi32>], vector<16xf32>,
    %get3A_28 = arith.constant 160 : index
    %get3A_29 = tpu.vector_load %arg6[%get3A_28] {strides = array<i32>} : memref<1024xi32, #tpu.memory_space<vmem>>, vector<16xi32>,
    tpu.vector_store_idx %arg7[%get3A_29], %broadcast_in_dim3A_8 {add = true} : memref<128xf32, #tpu.memory_space<vmem>>[vector<16xi32>], vector<16xf32>,
    %get3A_30 = arith.constant 176 : index
    %get3A_31 = tpu.vector_load %arg6[%get3A_30] {strides = array<i32>} : memref<1024xi32, #tpu.memory_space<vmem>>, vector<16xi32>,
    tpu.vector_store_idx %arg7[%get3A_31], %broadcast_in_dim3A_8 {add = true} : memref<128xf32, #tpu.memory_space<vmem>>[vector<16xi32>], vector<16xf32>,
    %get3A_32 = arith.constant 192 : index
    %get3A_33 = tpu.vector_load %arg6[%get3A_32] {strides = array<i32>} : memref<1024xi32, #tpu.memory_space<vmem>>, vector<16xi32>,
    tpu.vector_store_idx %arg7[%get3A_33], %broadcast_in_dim3A_8 {add = true} : memref<128xf32, #tpu.memory_space<vmem>>[vector<16xi32>], vector<16xf32>,
    %get3A_34 = arith.constant 208 : index
    %get3A_35 = tpu.vector_load %arg6[%get3A_34] {strides = array<i32>} : memref<1024xi32, #tpu.memory_space<vmem>>, vector<16xi32>,
    tpu.vector_store_idx %arg7[%get3A_35], %broadcast_in_dim3A_8 {add = true} : memref<128xf32, #tpu.memory_space<vmem>>[vector<16xi32>], vector<16xf32>,
    %get3A_36 = arith.constant 224 : index
    %get3A_37 = tpu.vector_load %arg6[%get3A_36] {strides = array<i32>} : memref<1024xi32, #tpu.memory_space<vmem>>, vector<16xi32>,
    tpu.vector_store_idx %arg7[%get3A_37], %broadcast_in_dim3A_8 {add = true} : memref<128xf32, #tpu.memory_space<vmem>>[vector<16xi32>], vector<16xf32>,
    %get3A_38 = arith.constant 240 : index
    %get3A_39 = tpu.vector_load %arg6[%get3A_38] {strides = array<i32>} : memref<1024xi32, #tpu.memory_space<vmem>>, vector<16xi32>,
    tpu.vector_store_idx %arg7[%get3A_39], %broadcast_in_dim3A_8 {add = true} : memref<128xf32, #tpu.memory_space<vmem>>[vector<16xi32>], vector<16xf32>,
    %get3A_40 = arith.constant 256 : index
    %get3A_41 = tpu.vector_load %arg6[%get3A_40] {strides = array<i32>} : memref<1024xi32, #tpu.memory_space<vmem>>, vector<16xi32>,
    tpu.vector_store_idx %arg7[%get3A_41], %broadcast_in_dim3A_8 {add = true} : memref<128xf32, #tpu.memory_space<vmem>>[vector<16xi32>], vector<16xf32>,
    %get3A_42 = arith.constant 272 : index
    %get3A_43 = tpu.vector_load %arg6[%get3A_42] {strides = array<i32>} : memref<1024xi32, #tpu.memory_space<vmem>>, vector<16xi32>,
    tpu.vector_store_idx %arg7[%get3A_43], %broadcast_in_dim3A_8 {add = true} : memref<128xf32, #tpu.memory_space<vmem>>[vector<16xi32>], vector<16xf32>,
    %get3A_44 = arith.constant 288 : index
    %get3A_45 = tpu.vector_load %arg6[%get3A_44] {strides = array<i32>} : memref<1024xi32, #tpu.memory_space<vmem>>, vector<16xi32>,
    tpu.vector_store_idx %arg7[%get3A_45], %broadcast_in_dim3A_8 {add = true} : memref<128xf32, #tpu.memory_space<vmem>>[vector<16xi32>], vector<16xf32>,
    %get3A_46 = arith.constant 304 : index
    %get3A_47 = tpu.vector_load %arg6[%get3A_46] {strides = array<i32>} : memref<1024xi32, #tpu.memory_space<vmem>>, vector<16xi32>,
    tpu.vector_store_idx %arg7[%get3A_47], %broadcast_in_dim3A_8 {add = true} : memref<128xf32, #tpu.memory_space<vmem>>[vector<16xi32>], vector<16xf32>,
    %get3A_48 = arith.constant 320 : index
    %get3A_49 = tpu.vector_load %arg6[%get3A_48] {strides = array<i32>} : memref<1024xi32, #tpu.memory_space<vmem>>, vector<16xi32>,
    tpu.vector_store_idx %arg7[%get3A_49], %broadcast_in_dim3A_8 {add = true} : memref<128xf32, #tpu.memory_space<vmem>>[vector<16xi32>], vector<16xf32>,
    %get3A_50 = arith.constant 336 : index
    %get3A_51 = tpu.vector_load %arg6[%get3A_50] {strides = array<i32>} : memref<1024xi32, #tpu.memory_space<vmem>>, vector<16xi32>,
    tpu.vector_store_idx %arg7[%get3A_51], %broadcast_in_dim3A_8 {add = true} : memref<128xf32, #tpu.memory_space<vmem>>[vector<16xi32>], vector<16xf32>,
    %get3A_52 = arith.constant 352 : index
    %get3A_53 = tpu.vector_load %arg6[%get3A_52] {strides = array<i32>} : memref<1024xi32, #tpu.memory_space<vmem>>, vector<16xi32>,
    tpu.vector_store_idx %arg7[%get3A_53], %broadcast_in_dim3A_8 {add = true} : memref<128xf32, #tpu.memory_space<vmem>>[vector<16xi32>], vector<16xf32>,
    %get3A_54 = arith.constant 368 : index
    %get3A_55 = tpu.vector_load %arg6[%get3A_54] {strides = array<i32>} : memref<1024xi32, #tpu.memory_space<vmem>>, vector<16xi32>,
    tpu.vector_store_idx %arg7[%get3A_55], %broadcast_in_dim3A_8 {add = true} : memref<128xf32, #tpu.memory_space<vmem>>[vector<16xi32>], vector<16xf32>,
    %get3A_56 = arith.constant 384 : index
    %get3A_57 = tpu.vector_load %arg6[%get3A_56] {strides = array<i32>} : memref<1024xi32, #tpu.memory_space<vmem>>, vector<16xi32>,
    tpu.vector_store_idx %arg7[%get3A_57], %broadcast_in_dim3A_8 {add = true} : memref<128xf32, #tpu.memory_space<vmem>>[vector<16xi32>], vector<16xf32>,
    %get3A_58 = arith.constant 400 : index
    %get3A_59 = tpu.vector_load %arg6[%get3A_58] {strides = array<i32>} : memref<1024xi32, #tpu.memory_space<vmem>>, vector<16xi32>,
    tpu.vector_store_idx %arg7[%get3A_59], %broadcast_in_dim3A_8 {add = true} : memref<128xf32, #tpu.memory_space<vmem>>[vector<16xi32>], vector<16xf32>,
    %get3A_60 = arith.constant 416 : index
    %get3A_61 = tpu.vector_load %arg6[%get3A_60] {strides = array<i32>} : memref<1024xi32, #tpu.memory_space<vmem>>, vector<16xi32>,
    tpu.vector_store_idx %arg7[%get3A_61], %broadcast_in_dim3A_8 {add = true} : memref<128xf32, #tpu.memory_space<vmem>>[vector<16xi32>], vector<16xf32>,
    %get3A_62 = arith.constant 432 : index
    %get3A_63 = tpu.vector_load %arg6[%get3A_62] {strides = array<i32>} : memref<1024xi32, #tpu.memory_space<vmem>>, vector<16xi32>,
    tpu.vector_store_idx %arg7[%get3A_63], %broadcast_in_dim3A_8 {add = true} : memref<128xf32, #tpu.memory_space<vmem>>[vector<16xi32>], vector<16xf32>,
    %get3A_64 = arith.constant 448 : index
    %get3A_65 = tpu.vector_load %arg6[%get3A_64] {strides = array<i32>} : memref<1024xi32, #tpu.memory_space<vmem>>, vector<16xi32>,
    tpu.vector_store_idx %arg7[%get3A_65], %broadcast_in_dim3A_8 {add = true} : memref<128xf32, #tpu.memory_space<vmem>>[vector<16xi32>], vector<16xf32>,
    %get3A_66 = arith.constant 464 : index
    %get3A_67 = tpu.vector_load %arg6[%get3A_66] {strides = array<i32>} : memref<1024xi32, #tpu.memory_space<vmem>>, vector<16xi32>,
    tpu.vector_store_idx %arg7[%get3A_67], %broadcast_in_dim3A_8 {add = true} : memref<128xf32, #tpu.memory_space<vmem>>[vector<16xi32>], vector<16xf32>,
    %get3A_68 = arith.constant 480 : index
    %get3A_69 = tpu.vector_load %arg6[%get3A_68] {strides = array<i32>} : memref<1024xi32, #tpu.memory_space<vmem>>, vector<16xi32>,
    tpu.vector_store_idx %arg7[%get3A_69], %broadcast_in_dim3A_8 {add = true} : memref<128xf32, #tpu.memory_space<vmem>>[vector<16xi32>], vector<16xf32>,
    %get3A_70 = arith.constant 496 : index
    %get3A_71 = tpu.vector_load %arg6[%get3A_70] {strides = array<i32>} : memref<1024xi32, #tpu.memory_space<vmem>>, vector<16xi32>,
    tpu.vector_store_idx %arg7[%get3A_71], %broadcast_in_dim3A_8 {add = true} : memref<128xf32, #tpu.memory_space<vmem>>[vector<16xi32>], vector<16xf32>,
    %get3A_72 = arith.constant 512 : index
    %get3A_73 = tpu.vector_load %arg6[%get3A_72] {strides = array<i32>} : memref<1024xi32, #tpu.memory_space<vmem>>, vector<16xi32>,
    tpu.vector_store_idx %arg7[%get3A_73], %broadcast_in_dim3A_8 {add = true} : memref<128xf32, #tpu.memory_space<vmem>>[vector<16xi32>], vector<16xf32>,
    %get3A_74 = arith.constant 528 : index
    %get3A_75 = tpu.vector_load %arg6[%get3A_74] {strides = array<i32>} : memref<1024xi32, #tpu.memory_space<vmem>>, vector<16xi32>,
    tpu.vector_store_idx %arg7[%get3A_75], %broadcast_in_dim3A_8 {add = true} : memref<128xf32, #tpu.memory_space<vmem>>[vector<16xi32>], vector<16xf32>,
    %get3A_76 = arith.constant 544 : index
    %get3A_77 = tpu.vector_load %arg6[%get3A_76] {strides = array<i32>} : memref<1024xi32, #tpu.memory_space<vmem>>, vector<16xi32>,
    tpu.vector_store_idx %arg7[%get3A_77], %broadcast_in_dim3A_8 {add = true} : memref<128xf32, #tpu.memory_space<vmem>>[vector<16xi32>], vector<16xf32>,
    %get3A_78 = arith.constant 560 : index
    %get3A_79 = tpu.vector_load %arg6[%get3A_78] {strides = array<i32>} : memref<1024xi32, #tpu.memory_space<vmem>>, vector<16xi32>,
    tpu.vector_store_idx %arg7[%get3A_79], %broadcast_in_dim3A_8 {add = true} : memref<128xf32, #tpu.memory_space<vmem>>[vector<16xi32>], vector<16xf32>,
    %get3A_80 = arith.constant 576 : index
    %get3A_81 = tpu.vector_load %arg6[%get3A_80] {strides = array<i32>} : memref<1024xi32, #tpu.memory_space<vmem>>, vector<16xi32>,
    tpu.vector_store_idx %arg7[%get3A_81], %broadcast_in_dim3A_8 {add = true} : memref<128xf32, #tpu.memory_space<vmem>>[vector<16xi32>], vector<16xf32>,
    %get3A_82 = arith.constant 592 : index
    %get3A_83 = tpu.vector_load %arg6[%get3A_82] {strides = array<i32>} : memref<1024xi32, #tpu.memory_space<vmem>>, vector<16xi32>,
    tpu.vector_store_idx %arg7[%get3A_83], %broadcast_in_dim3A_8 {add = true} : memref<128xf32, #tpu.memory_space<vmem>>[vector<16xi32>], vector<16xf32>,
    %get3A_84 = arith.constant 608 : index
    %get3A_85 = tpu.vector_load %arg6[%get3A_84] {strides = array<i32>} : memref<1024xi32, #tpu.memory_space<vmem>>, vector<16xi32>,
    tpu.vector_store_idx %arg7[%get3A_85], %broadcast_in_dim3A_8 {add = true} : memref<128xf32, #tpu.memory_space<vmem>>[vector<16xi32>], vector<16xf32>,
    %get3A_86 = arith.constant 624 : index
    %get3A_87 = tpu.vector_load %arg6[%get3A_86] {strides = array<i32>} : memref<1024xi32, #tpu.memory_space<vmem>>, vector<16xi32>,
    tpu.vector_store_idx %arg7[%get3A_87], %broadcast_in_dim3A_8 {add = true} : memref<128xf32, #tpu.memory_space<vmem>>[vector<16xi32>], vector<16xf32>,
    %get3A_88 = arith.constant 640 : index
    %get3A_89 = tpu.vector_load %arg6[%get3A_88] {strides = array<i32>} : memref<1024xi32, #tpu.memory_space<vmem>>, vector<16xi32>,
    tpu.vector_store_idx %arg7[%get3A_89], %broadcast_in_dim3A_8 {add = true} : memref<128xf32, #tpu.memory_space<vmem>>[vector<16xi32>], vector<16xf32>,
    %get3A_90 = arith.constant 656 : index
    %get3A_91 = tpu.vector_load %arg6[%get3A_90] {strides = array<i32>} : memref<1024xi32, #tpu.memory_space<vmem>>, vector<16xi32>,
    tpu.vector_store_idx %arg7[%get3A_91], %broadcast_in_dim3A_8 {add = true} : memref<128xf32, #tpu.memory_space<vmem>>[vector<16xi32>], vector<16xf32>,
    %get3A_92 = arith.constant 672 : index
    %get3A_93 = tpu.vector_load %arg6[%get3A_92] {strides = array<i32>} : memref<1024xi32, #tpu.memory_space<vmem>>, vector<16xi32>,
    tpu.vector_store_idx %arg7[%get3A_93], %broadcast_in_dim3A_8 {add = true} : memref<128xf32, #tpu.memory_space<vmem>>[vector<16xi32>], vector<16xf32>,
    %get3A_94 = arith.constant 688 : index
    %get3A_95 = tpu.vector_load %arg6[%get3A_94] {strides = array<i32>} : memref<1024xi32, #tpu.memory_space<vmem>>, vector<16xi32>,
    tpu.vector_store_idx %arg7[%get3A_95], %broadcast_in_dim3A_8 {add = true} : memref<128xf32, #tpu.memory_space<vmem>>[vector<16xi32>], vector<16xf32>,
    %get3A_96 = arith.constant 704 : index
    %get3A_97 = tpu.vector_load %arg6[%get3A_96] {strides = array<i32>} : memref<1024xi32, #tpu.memory_space<vmem>>, vector<16xi32>,
    tpu.vector_store_idx %arg7[%get3A_97], %broadcast_in_dim3A_8 {add = true} : memref<128xf32, #tpu.memory_space<vmem>>[vector<16xi32>], vector<16xf32>,
    %get3A_98 = arith.constant 720 : index
    %get3A_99 = tpu.vector_load %arg6[%get3A_98] {strides = array<i32>} : memref<1024xi32, #tpu.memory_space<vmem>>, vector<16xi32>,
    tpu.vector_store_idx %arg7[%get3A_99], %broadcast_in_dim3A_8 {add = true} : memref<128xf32, #tpu.memory_space<vmem>>[vector<16xi32>], vector<16xf32>,
    %get3A_100 = arith.constant 736 : index
    %get3A_101 = tpu.vector_load %arg6[%get3A_100] {strides = array<i32>} : memref<1024xi32, #tpu.memory_space<vmem>>, vector<16xi32>,
    tpu.vector_store_idx %arg7[%get3A_101], %broadcast_in_dim3A_8 {add = true} : memref<128xf32, #tpu.memory_space<vmem>>[vector<16xi32>], vector<16xf32>,
    %get3A_102 = arith.constant 752 : index
    %get3A_103 = tpu.vector_load %arg6[%get3A_102] {strides = array<i32>} : memref<1024xi32, #tpu.memory_space<vmem>>, vector<16xi32>,
    tpu.vector_store_idx %arg7[%get3A_103], %broadcast_in_dim3A_8 {add = true} : memref<128xf32, #tpu.memory_space<vmem>>[vector<16xi32>], vector<16xf32>,
    %get3A_104 = arith.constant 768 : index
    %get3A_105 = tpu.vector_load %arg6[%get3A_104] {strides = array<i32>} : memref<1024xi32, #tpu.memory_space<vmem>>, vector<16xi32>,
    tpu.vector_store_idx %arg7[%get3A_105], %broadcast_in_dim3A_8 {add = true} : memref<128xf32, #tpu.memory_space<vmem>>[vector<16xi32>], vector<16xf32>,
    %get3A_106 = arith.constant 784 : index
    %get3A_107 = tpu.vector_load %arg6[%get3A_106] {strides = array<i32>} : memref<1024xi32, #tpu.memory_space<vmem>>, vector<16xi32>,
    tpu.vector_store_idx %arg7[%get3A_107], %broadcast_in_dim3A_8 {add = true} : memref<128xf32, #tpu.memory_space<vmem>>[vector<16xi32>], vector<16xf32>,
    %get3A_108 = arith.constant 800 : index
    %get3A_109 = tpu.vector_load %arg6[%get3A_108] {strides = array<i32>} : memref<1024xi32, #tpu.memory_space<vmem>>, vector<16xi32>,
    tpu.vector_store_idx %arg7[%get3A_109], %broadcast_in_dim3A_8 {add = true} : memref<128xf32, #tpu.memory_space<vmem>>[vector<16xi32>], vector<16xf32>,
    %get3A_110 = arith.constant 816 : index
    %get3A_111 = tpu.vector_load %arg6[%get3A_110] {strides = array<i32>} : memref<1024xi32, #tpu.memory_space<vmem>>, vector<16xi32>,
    tpu.vector_store_idx %arg7[%get3A_111], %broadcast_in_dim3A_8 {add = true} : memref<128xf32, #tpu.memory_space<vmem>>[vector<16xi32>], vector<16xf32>,
    %get3A_112 = arith.constant 832 : index
    %get3A_113 = tpu.vector_load %arg6[%get3A_112] {strides = array<i32>} : memref<1024xi32, #tpu.memory_space<vmem>>, vector<16xi32>,
    tpu.vector_store_idx %arg7[%get3A_113], %broadcast_in_dim3A_8 {add = true} : memref<128xf32, #tpu.memory_space<vmem>>[vector<16xi32>], vector<16xf32>,
    %get3A_114 = arith.constant 848 : index
    %get3A_115 = tpu.vector_load %arg6[%get3A_114] {strides = array<i32>} : memref<1024xi32, #tpu.memory_space<vmem>>, vector<16xi32>,
    tpu.vector_store_idx %arg7[%get3A_115], %broadcast_in_dim3A_8 {add = true} : memref<128xf32, #tpu.memory_space<vmem>>[vector<16xi32>], vector<16xf32>,
    %get3A_116 = arith.constant 864 : index
    %get3A_117 = tpu.vector_load %arg6[%get3A_116] {strides = array<i32>} : memref<1024xi32, #tpu.memory_space<vmem>>, vector<16xi32>,
    tpu.vector_store_idx %arg7[%get3A_117], %broadcast_in_dim3A_8 {add = true} : memref<128xf32, #tpu.memory_space<vmem>>[vector<16xi32>], vector<16xf32>,
    %get3A_118 = arith.constant 880 : index
    %get3A_119 = tpu.vector_load %arg6[%get3A_118] {strides = array<i32>} : memref<1024xi32, #tpu.memory_space<vmem>>, vector<16xi32>,
    tpu.vector_store_idx %arg7[%get3A_119], %broadcast_in_dim3A_8 {add = true} : memref<128xf32, #tpu.memory_space<vmem>>[vector<16xi32>], vector<16xf32>,
    %get3A_120 = arith.constant 896 : index
    %get3A_121 = tpu.vector_load %arg6[%get3A_120] {strides = array<i32>} : memref<1024xi32, #tpu.memory_space<vmem>>, vector<16xi32>,
    tpu.vector_store_idx %arg7[%get3A_121], %broadcast_in_dim3A_8 {add = true} : memref<128xf32, #tpu.memory_space<vmem>>[vector<16xi32>], vector<16xf32>,
    %get3A_122 = arith.constant 912 : index
    %get3A_123 = tpu.vector_load %arg6[%get3A_122] {strides = array<i32>} : memref<1024xi32, #tpu.memory_space<vmem>>, vector<16xi32>,
    tpu.vector_store_idx %arg7[%get3A_123], %broadcast_in_dim3A_8 {add = true} : memref<128xf32, #tpu.memory_space<vmem>>[vector<16xi32>], vector<16xf32>,
    %get3A_124 = arith.constant 928 : index
    %get3A_125 = tpu.vector_load %arg6[%get3A_124] {strides = array<i32>} : memref<1024xi32, #tpu.memory_space<vmem>>, vector<16xi32>,
    tpu.vector_store_idx %arg7[%get3A_125], %broadcast_in_dim3A_8 {add = true} : memref<128xf32, #tpu.memory_space<vmem>>[vector<16xi32>], vector<16xf32>,
    %get3A_126 = arith.constant 944 : index
    %get3A_127 = tpu.vector_load %arg6[%get3A_126] {strides = array<i32>} : memref<1024xi32, #tpu.memory_space<vmem>>, vector<16xi32>,
    tpu.vector_store_idx %arg7[%get3A_127], %broadcast_in_dim3A_8 {add = true} : memref<128xf32, #tpu.memory_space<vmem>>[vector<16xi32>], vector<16xf32>,
    %get3A_128 = arith.constant 960 : index
    %get3A_129 = tpu.vector_load %arg6[%get3A_128] {strides = array<i32>} : memref<1024xi32, #tpu.memory_space<vmem>>, vector<16xi32>,
    tpu.vector_store_idx %arg7[%get3A_129], %broadcast_in_dim3A_8 {add = true} : memref<128xf32, #tpu.memory_space<vmem>>[vector<16xi32>], vector<16xf32>,
    %get3A_130 = arith.constant 976 : index
    %get3A_131 = tpu.vector_load %arg6[%get3A_130] {strides = array<i32>} : memref<1024xi32, #tpu.memory_space<vmem>>, vector<16xi32>,
    tpu.vector_store_idx %arg7[%get3A_131], %broadcast_in_dim3A_8 {add = true} : memref<128xf32, #tpu.memory_space<vmem>>[vector<16xi32>], vector<16xf32>,
    %get3A_132 = arith.constant 992 : index
    %get3A_133 = tpu.vector_load %arg6[%get3A_132] {strides = array<i32>} : memref<1024xi32, #tpu.memory_space<vmem>>, vector<16xi32>,
    tpu.vector_store_idx %arg7[%get3A_133], %broadcast_in_dim3A_8 {add = true} : memref<128xf32, #tpu.memory_space<vmem>>[vector<16xi32>], vector<16xf32>,
    %get3A_134 = arith.constant 1008 : index
    %get3A_135 = tpu.vector_load %arg6[%get3A_134] {strides = array<i32>} : memref<1024xi32, #tpu.memory_space<vmem>>, vector<16xi32>,
    tpu.vector_store_idx %arg7[%get3A_135], %broadcast_in_dim3A_8 {add = true} : memref<128xf32, #tpu.memory_space<vmem>>[vector<16xi32>], vector<16xf32>,
    "tpu.region"() ({
      %run_scoped3A = tpu.sem_alloc : memref<!tpu.dma_semaphore, #tpu.memory_space<semaphore_mem>>
      %dma_start3A = arith.constant 0 : i32
      %dma_start3A_141 = tpu.memref_slice %arg12[%arg1, %dma_start3A] : memref<16x128xf32, #tpu.memory_space<vmem_shared>> -> memref<1x128xf32, #tpu.memory_space<vmem_shared>>
      %dma_start3A_142 = tpu.memref_squeeze %dma_start3A_141 : memref<1x128xf32, #tpu.memory_space<vmem_shared>> -> memref<128xf32, #tpu.memory_space<vmem_shared>>
      %dma_start3A_143 = arith.constant 0 : i32
      %dma_start3A_144 = tpu.memref_slice %arg12[%arg1, %dma_start3A_143] : memref<16x128xf32, #tpu.memory_space<vmem_shared>> -> memref<1x128xf32, #tpu.memory_space<vmem_shared>>
      %dma_start3A_145 = tpu.memref_squeeze %dma_start3A_144 : memref<1x128xf32, #tpu.memory_space<vmem_shared>> -> memref<128xf32, #tpu.memory_space<vmem_shared>>
      tpu.enqueue_dma source(%arg7 : memref<128xf32, #tpu.memory_space<vmem>>) target(%dma_start3A_145 : memref<128xf32, #tpu.memory_space<vmem_shared>>) target_semaphore(%run_scoped3A : memref<!tpu.dma_semaphore, #tpu.memory_space<semaphore_mem>>)
      %dma_wait3A = arith.constant 0 : i32
      %dma_wait3A_146 = tpu.memref_slice %arg12[%arg1, %dma_wait3A] : memref<16x128xf32, #tpu.memory_space<vmem_shared>> -> memref<1x128xf32, #tpu.memory_space<vmem_shared>>
      %dma_wait3A_147 = tpu.memref_squeeze %dma_wait3A_146 : memref<1x128xf32, #tpu.memory_space<vmem_shared>> -> memref<128xf32, #tpu.memory_space<vmem_shared>>
      %dma_wait3A_148 = arith.constant 0 : i32
      %dma_wait3A_149 = tpu.memref_slice %arg12[%arg1, %dma_wait3A_148] : memref<16x128xf32, #tpu.memory_space<vmem_shared>> -> memref<1x128xf32, #tpu.memory_space<vmem_shared>>
      %dma_wait3A_150 = tpu.memref_squeeze %dma_wait3A_149 : memref<1x128xf32, #tpu.memory_space<vmem_shared>> -> memref<128xf32, #tpu.memory_space<vmem_shared>>
      tpu.wait_dma2 semaphore(%run_scoped3A : memref<!tpu.dma_semaphore, #tpu.memory_space<semaphore_mem>>) src(%arg7 : memref<128xf32, #tpu.memory_space<vmem>>) dst(%dma_wait3A_150 : memref<128xf32, #tpu.memory_space<vmem_shared>>)
      tpu.yield
    }) : () -> ()
    %barrier3A = arith.constant 0 : index
    tpu.barrier barrier_id(%barrier3A)
    %lt3A_136 = arith.constant 8 : i32
    %lt3A_137 = arith.cmpi slt, %arg1, %lt3A_136 : i32
    %convert_element_type3A_138 = arith.extui %lt3A_137 : i1 to i32
    %cond3A_139 = arith.constant 0 : i32
    %cond3A_140 = arith.cmpi ne, %convert_element_type3A_138, %cond3A_139 : i32
    scf.if %cond3A_140 {
      "tpu.region"() ({
        %run_scoped3A = tpu.sem_alloc : memref<!tpu.dma_semaphore, #tpu.memory_space<semaphore_mem>>
        tpu.enqueue_dma source(%arg12 : memref<16x128xf32, #tpu.memory_space<vmem_shared>>) target(%arg8 : memref<16x128xf32, #tpu.memory_space<vmem>>) target_semaphore(%run_scoped3A : memref<!tpu.dma_semaphore, #tpu.memory_space<semaphore_mem>>)
        tpu.wait_dma2 semaphore(%run_scoped3A : memref<!tpu.dma_semaphore, #tpu.memory_space<semaphore_mem>>) src(%arg12 : memref<16x128xf32, #tpu.memory_space<vmem_shared>>) dst(%arg8 : memref<16x128xf32, #tpu.memory_space<vmem>>)
        tpu.yield
      }) : () -> ()
      %get3A_141 = arith.constant 0 : i32
      %get3A_142 = arith.index_cast %get3A_141 : i32 to index
      %get3A_143 = arith.constant 0 : index
      %get3A_144 = tpu.vector_load %arg8[%get3A_142, %get3A_143] {strides = array<i32>} : memref<16x128xf32, #tpu.memory_space<vmem>>, vector<16xf32>,
      %add3A = arith.addf %broadcast_in_dim3A_1, %get3A_144 : vector<16xf32>
      %get3A_145 = arith.constant 0 : i32
      %get3A_146 = arith.index_cast %get3A_145 : i32 to index
      %get3A_147 = arith.constant 16 : index
      %get3A_148 = tpu.vector_load %arg8[%get3A_146, %get3A_147] {strides = array<i32>} : memref<16x128xf32, #tpu.memory_space<vmem>>, vector<16xf32>,
      %add3A_149 = arith.addf %broadcast_in_dim3A_1, %get3A_148 : vector<16xf32>
      %get3A_150 = arith.constant 1 : i32
      %get3A_151 = arith.index_cast %get3A_150 : i32 to index
      %get3A_152 = arith.constant 0 : index
      %get3A_153 = tpu.vector_load %arg8[%get3A_151, %get3A_152] {strides = array<i32>} : memref<16x128xf32, #tpu.memory_space<vmem>>, vector<16xf32>,
      %add3A_154 = arith.addf %add3A, %get3A_153 : vector<16xf32>
      %get3A_155 = arith.constant 1 : i32
      %get3A_156 = arith.index_cast %get3A_155 : i32 to index
      %get3A_157 = arith.constant 16 : index
      %get3A_158 = tpu.vector_load %arg8[%get3A_156, %get3A_157] {strides = array<i32>} : memref<16x128xf32, #tpu.memory_space<vmem>>, vector<16xf32>,
      %add3A_159 = arith.addf %add3A_149, %get3A_158 : vector<16xf32>
      %get3A_160 = arith.constant 2 : i32
      %get3A_161 = arith.index_cast %get3A_160 : i32 to index
      %get3A_162 = arith.constant 0 : index
      %get3A_163 = tpu.vector_load %arg8[%get3A_161, %get3A_162] {strides = array<i32>} : memref<16x128xf32, #tpu.memory_space<vmem>>, vector<16xf32>,
      %add3A_164 = arith.addf %add3A_154, %get3A_163 : vector<16xf32>
      %get3A_165 = arith.constant 2 : i32
      %get3A_166 = arith.index_cast %get3A_165 : i32 to index
      %get3A_167 = arith.constant 16 : index
      %get3A_168 = tpu.vector_load %arg8[%get3A_166, %get3A_167] {strides = array<i32>} : memref<16x128xf32, #tpu.memory_space<vmem>>, vector<16xf32>,
      %add3A_169 = arith.addf %add3A_159, %get3A_168 : vector<16xf32>
      %get3A_170 = arith.constant 3 : i32
      %get3A_171 = arith.index_cast %get3A_170 : i32 to index
      %get3A_172 = arith.constant 0 : index
      %get3A_173 = tpu.vector_load %arg8[%get3A_171, %get3A_172] {strides = array<i32>} : memref<16x128xf32, #tpu.memory_space<vmem>>, vector<16xf32>,
      %add3A_174 = arith.addf %add3A_164, %get3A_173 : vector<16xf32>
      %get3A_175 = arith.constant 3 : i32
      %get3A_176 = arith.index_cast %get3A_175 : i32 to index
      %get3A_177 = arith.constant 16 : index
      %get3A_178 = tpu.vector_load %arg8[%get3A_176, %get3A_177] {strides = array<i32>} : memref<16x128xf32, #tpu.memory_space<vmem>>, vector<16xf32>,
      %add3A_179 = arith.addf %add3A_169, %get3A_178 : vector<16xf32>
      %get3A_180 = arith.constant 4 : i32
      %get3A_181 = arith.index_cast %get3A_180 : i32 to index
      %get3A_182 = arith.constant 0 : index
      %get3A_183 = tpu.vector_load %arg8[%get3A_181, %get3A_182] {strides = array<i32>} : memref<16x128xf32, #tpu.memory_space<vmem>>, vector<16xf32>,
      %add3A_184 = arith.addf %add3A_174, %get3A_183 : vector<16xf32>
      %get3A_185 = arith.constant 4 : i32
      %get3A_186 = arith.index_cast %get3A_185 : i32 to index
      %get3A_187 = arith.constant 16 : index
      %get3A_188 = tpu.vector_load %arg8[%get3A_186, %get3A_187] {strides = array<i32>} : memref<16x128xf32, #tpu.memory_space<vmem>>, vector<16xf32>,
      %add3A_189 = arith.addf %add3A_179, %get3A_188 : vector<16xf32>
      %get3A_190 = arith.constant 5 : i32
      %get3A_191 = arith.index_cast %get3A_190 : i32 to index
      %get3A_192 = arith.constant 0 : index
      %get3A_193 = tpu.vector_load %arg8[%get3A_191, %get3A_192] {strides = array<i32>} : memref<16x128xf32, #tpu.memory_space<vmem>>, vector<16xf32>,
      %add3A_194 = arith.addf %add3A_184, %get3A_193 : vector<16xf32>
      %get3A_195 = arith.constant 5 : i32
      %get3A_196 = arith.index_cast %get3A_195 : i32 to index
      %get3A_197 = arith.constant 16 : index
      %get3A_198 = tpu.vector_load %arg8[%get3A_196, %get3A_197] {strides = array<i32>} : memref<16x128xf32, #tpu.memory_space<vmem>>, vector<16xf32>,
      %add3A_199 = arith.addf %add3A_189, %get3A_198 : vector<16xf32>
      %get3A_200 = arith.constant 6 : i32
      %get3A_201 = arith.index_cast %get3A_200 : i32 to index
      %get3A_202 = arith.constant 0 : index
      %get3A_203 = tpu.vector_load %arg8[%get3A_201, %get3A_202] {strides = array<i32>} : memref<16x128xf32, #tpu.memory_space<vmem>>, vector<16xf32>,
      %add3A_204 = arith.addf %add3A_194, %get3A_203 : vector<16xf32>
      %get3A_205 = arith.constant 6 : i32
      %get3A_206 = arith.index_cast %get3A_205 : i32 to index
      %get3A_207 = arith.constant 16 : index
      %get3A_208 = tpu.vector_load %arg8[%get3A_206, %get3A_207] {strides = array<i32>} : memref<16x128xf32, #tpu.memory_space<vmem>>, vector<16xf32>,
      %add3A_209 = arith.addf %add3A_199, %get3A_208 : vector<16xf32>
      %get3A_210 = arith.constant 7 : i32
      %get3A_211 = arith.index_cast %get3A_210 : i32 to index
      %get3A_212 = arith.constant 0 : index
      %get3A_213 = tpu.vector_load %arg8[%get3A_211, %get3A_212] {strides = array<i32>} : memref<16x128xf32, #tpu.memory_space<vmem>>, vector<16xf32>,
      %add3A_214 = arith.addf %add3A_204, %get3A_213 : vector<16xf32>
      %get3A_215 = arith.constant 7 : i32
      %get3A_216 = arith.index_cast %get3A_215 : i32 to index
      %get3A_217 = arith.constant 16 : index
      %get3A_218 = tpu.vector_load %arg8[%get3A_216, %get3A_217] {strides = array<i32>} : memref<16x128xf32, #tpu.memory_space<vmem>>, vector<16xf32>,
      %add3A_219 = arith.addf %add3A_209, %get3A_218 : vector<16xf32>
      %get3A_220 = arith.constant 8 : i32
      %get3A_221 = arith.index_cast %get3A_220 : i32 to index
      %get3A_222 = arith.constant 0 : index
      %get3A_223 = tpu.vector_load %arg8[%get3A_221, %get3A_222] {strides = array<i32>} : memref<16x128xf32, #tpu.memory_space<vmem>>, vector<16xf32>,
      %add3A_224 = arith.addf %add3A_214, %get3A_223 : vector<16xf32>
      %get3A_225 = arith.constant 8 : i32
      %get3A_226 = arith.index_cast %get3A_225 : i32 to index
      %get3A_227 = arith.constant 16 : index
      %get3A_228 = tpu.vector_load %arg8[%get3A_226, %get3A_227] {strides = array<i32>} : memref<16x128xf32, #tpu.memory_space<vmem>>, vector<16xf32>,
      %add3A_229 = arith.addf %add3A_219, %get3A_228 : vector<16xf32>
      %get3A_230 = arith.constant 9 : i32
      %get3A_231 = arith.index_cast %get3A_230 : i32 to index
      %get3A_232 = arith.constant 0 : index
      %get3A_233 = tpu.vector_load %arg8[%get3A_231, %get3A_232] {strides = array<i32>} : memref<16x128xf32, #tpu.memory_space<vmem>>, vector<16xf32>,
      %add3A_234 = arith.addf %add3A_224, %get3A_233 : vector<16xf32>
      %get3A_235 = arith.constant 9 : i32
      %get3A_236 = arith.index_cast %get3A_235 : i32 to index
      %get3A_237 = arith.constant 16 : index
      %get3A_238 = tpu.vector_load %arg8[%get3A_236, %get3A_237] {strides = array<i32>} : memref<16x128xf32, #tpu.memory_space<vmem>>, vector<16xf32>,
      %add3A_239 = arith.addf %add3A_229, %get3A_238 : vector<16xf32>
      %get3A_240 = arith.constant 10 : i32
      %get3A_241 = arith.index_cast %get3A_240 : i32 to index
      %get3A_242 = arith.constant 0 : index
      %get3A_243 = tpu.vector_load %arg8[%get3A_241, %get3A_242] {strides = array<i32>} : memref<16x128xf32, #tpu.memory_space<vmem>>, vector<16xf32>,
      %add3A_244 = arith.addf %add3A_234, %get3A_243 : vector<16xf32>
      %get3A_245 = arith.constant 10 : i32
      %get3A_246 = arith.index_cast %get3A_245 : i32 to index
      %get3A_247 = arith.constant 16 : index
      %get3A_248 = tpu.vector_load %arg8[%get3A_246, %get3A_247] {strides = array<i32>} : memref<16x128xf32, #tpu.memory_space<vmem>>, vector<16xf32>,
      %add3A_249 = arith.addf %add3A_239, %get3A_248 : vector<16xf32>
      %get3A_250 = arith.constant 11 : i32
      %get3A_251 = arith.index_cast %get3A_250 : i32 to index
      %get3A_252 = arith.constant 0 : index
      %get3A_253 = tpu.vector_load %arg8[%get3A_251, %get3A_252] {strides = array<i32>} : memref<16x128xf32, #tpu.memory_space<vmem>>, vector<16xf32>,
      %add3A_254 = arith.addf %add3A_244, %get3A_253 : vector<16xf32>
      %get3A_255 = arith.constant 11 : i32
      %get3A_256 = arith.index_cast %get3A_255 : i32 to index
      %get3A_257 = arith.constant 16 : index
      %get3A_258 = tpu.vector_load %arg8[%get3A_256, %get3A_257] {strides = array<i32>} : memref<16x128xf32, #tpu.memory_space<vmem>>, vector<16xf32>,
      %add3A_259 = arith.addf %add3A_249, %get3A_258 : vector<16xf32>
      %get3A_260 = arith.constant 12 : i32
      %get3A_261 = arith.index_cast %get3A_260 : i32 to index
      %get3A_262 = arith.constant 0 : index
      %get3A_263 = tpu.vector_load %arg8[%get3A_261, %get3A_262] {strides = array<i32>} : memref<16x128xf32, #tpu.memory_space<vmem>>, vector<16xf32>,
      %add3A_264 = arith.addf %add3A_254, %get3A_263 : vector<16xf32>
      %get3A_265 = arith.constant 12 : i32
      %get3A_266 = arith.index_cast %get3A_265 : i32 to index
      %get3A_267 = arith.constant 16 : index
      %get3A_268 = tpu.vector_load %arg8[%get3A_266, %get3A_267] {strides = array<i32>} : memref<16x128xf32, #tpu.memory_space<vmem>>, vector<16xf32>,
      %add3A_269 = arith.addf %add3A_259, %get3A_268 : vector<16xf32>
      %get3A_270 = arith.constant 13 : i32
      %get3A_271 = arith.index_cast %get3A_270 : i32 to index
      %get3A_272 = arith.constant 0 : index
      %get3A_273 = tpu.vector_load %arg8[%get3A_271, %get3A_272] {strides = array<i32>} : memref<16x128xf32, #tpu.memory_space<vmem>>, vector<16xf32>,
      %add3A_274 = arith.addf %add3A_264, %get3A_273 : vector<16xf32>
      %get3A_275 = arith.constant 13 : i32
      %get3A_276 = arith.index_cast %get3A_275 : i32 to index
      %get3A_277 = arith.constant 16 : index
      %get3A_278 = tpu.vector_load %arg8[%get3A_276, %get3A_277] {strides = array<i32>} : memref<16x128xf32, #tpu.memory_space<vmem>>, vector<16xf32>,
      %add3A_279 = arith.addf %add3A_269, %get3A_278 : vector<16xf32>
      %get3A_280 = arith.constant 14 : i32
      %get3A_281 = arith.index_cast %get3A_280 : i32 to index
      %get3A_282 = arith.constant 0 : index
      %get3A_283 = tpu.vector_load %arg8[%get3A_281, %get3A_282] {strides = array<i32>} : memref<16x128xf32, #tpu.memory_space<vmem>>, vector<16xf32>,
      %add3A_284 = arith.addf %add3A_274, %get3A_283 : vector<16xf32>
      %get3A_285 = arith.constant 14 : i32
      %get3A_286 = arith.index_cast %get3A_285 : i32 to index
      %get3A_287 = arith.constant 16 : index
      %get3A_288 = tpu.vector_load %arg8[%get3A_286, %get3A_287] {strides = array<i32>} : memref<16x128xf32, #tpu.memory_space<vmem>>, vector<16xf32>,
      %add3A_289 = arith.addf %add3A_279, %get3A_288 : vector<16xf32>
      %get3A_290 = arith.constant 15 : i32
      %get3A_291 = arith.index_cast %get3A_290 : i32 to index
      %get3A_292 = arith.constant 0 : index
      %get3A_293 = tpu.vector_load %arg8[%get3A_291, %get3A_292] {strides = array<i32>} : memref<16x128xf32, #tpu.memory_space<vmem>>, vector<16xf32>,
      %add3A_294 = arith.addf %add3A_284, %get3A_293 : vector<16xf32>
      %get3A_295 = arith.constant 15 : i32
      %get3A_296 = arith.index_cast %get3A_295 : i32 to index
      %get3A_297 = arith.constant 16 : index
      %get3A_298 = tpu.vector_load %arg8[%get3A_296, %get3A_297] {strides = array<i32>} : memref<16x128xf32, #tpu.memory_space<vmem>>, vector<16xf32>,
      %add3A_299 = arith.addf %add3A_289, %get3A_298 : vector<16xf32>
      %slice3A = vector.extract_strided_slice %add3A_294 {offsets = [0], sizes = [1], strides = [1]} : vector<16xf32> to vector<1xf32>
      %squeeze3A = vector.extract %slice3A[0] : f32 from vector<1xf32>
      %slice3A_300 = vector.extract_strided_slice %add3A_294 {offsets = [1], sizes = [1], strides = [1]} : vector<16xf32> to vector<1xf32>
      %squeeze3A_301 = vector.extract %slice3A_300[0] : f32 from vector<1xf32>
      %slice3A_302 = vector.extract_strided_slice %add3A_294 {offsets = [2], sizes = [1], strides = [1]} : vector<16xf32> to vector<1xf32>
      %squeeze3A_303 = vector.extract %slice3A_302[0] : f32 from vector<1xf32>
      %slice3A_304 = vector.extract_strided_slice %add3A_294 {offsets = [3], sizes = [1], strides = [1]} : vector<16xf32> to vector<1xf32>
      %squeeze3A_305 = vector.extract %slice3A_304[0] : f32 from vector<1xf32>
      %slice3A_306 = vector.extract_strided_slice %add3A_294 {offsets = [4], sizes = [1], strides = [1]} : vector<16xf32> to vector<1xf32>
      %squeeze3A_307 = vector.extract %slice3A_306[0] : f32 from vector<1xf32>
      %slice3A_308 = vector.extract_strided_slice %add3A_294 {offsets = [5], sizes = [1], strides = [1]} : vector<16xf32> to vector<1xf32>
      %squeeze3A_309 = vector.extract %slice3A_308[0] : f32 from vector<1xf32>
      %slice3A_310 = vector.extract_strided_slice %add3A_294 {offsets = [6], sizes = [1], strides = [1]} : vector<16xf32> to vector<1xf32>
      %squeeze3A_311 = vector.extract %slice3A_310[0] : f32 from vector<1xf32>
      %slice3A_312 = vector.extract_strided_slice %add3A_294 {offsets = [7], sizes = [1], strides = [1]} : vector<16xf32> to vector<1xf32>
      %squeeze3A_313 = vector.extract %slice3A_312[0] : f32 from vector<1xf32>
      %slice3A_314 = vector.extract_strided_slice %add3A_294 {offsets = [8], sizes = [1], strides = [1]} : vector<16xf32> to vector<1xf32>
      %squeeze3A_315 = vector.extract %slice3A_314[0] : f32 from vector<1xf32>
      %slice3A_316 = vector.extract_strided_slice %add3A_294 {offsets = [9], sizes = [1], strides = [1]} : vector<16xf32> to vector<1xf32>
      %squeeze3A_317 = vector.extract %slice3A_316[0] : f32 from vector<1xf32>
      %slice3A_318 = vector.extract_strided_slice %add3A_294 {offsets = [10], sizes = [1], strides = [1]} : vector<16xf32> to vector<1xf32>
      %squeeze3A_319 = vector.extract %slice3A_318[0] : f32 from vector<1xf32>
      %slice3A_320 = vector.extract_strided_slice %add3A_294 {offsets = [11], sizes = [1], strides = [1]} : vector<16xf32> to vector<1xf32>
      %squeeze3A_321 = vector.extract %slice3A_320[0] : f32 from vector<1xf32>
      %slice3A_322 = vector.extract_strided_slice %add3A_294 {offsets = [12], sizes = [1], strides = [1]} : vector<16xf32> to vector<1xf32>
      %squeeze3A_323 = vector.extract %slice3A_322[0] : f32 from vector<1xf32>
      %slice3A_324 = vector.extract_strided_slice %add3A_294 {offsets = [13], sizes = [1], strides = [1]} : vector<16xf32> to vector<1xf32>
      %squeeze3A_325 = vector.extract %slice3A_324[0] : f32 from vector<1xf32>
      %slice3A_326 = vector.extract_strided_slice %add3A_294 {offsets = [14], sizes = [1], strides = [1]} : vector<16xf32> to vector<1xf32>
      %squeeze3A_327 = vector.extract %slice3A_326[0] : f32 from vector<1xf32>
      %slice3A_328 = vector.extract_strided_slice %add3A_294 {offsets = [15], sizes = [1], strides = [1]} : vector<16xf32> to vector<1xf32>
      %squeeze3A_329 = vector.extract %slice3A_328[0] : f32 from vector<1xf32>
      %slice3A_330 = vector.extract_strided_slice %add3A_299 {offsets = [0], sizes = [1], strides = [1]} : vector<16xf32> to vector<1xf32>
      %squeeze3A_331 = vector.extract %slice3A_330[0] : f32 from vector<1xf32>
      tpu.wait_dma2 semaphore(%arg13 : memref<!tpu.dma_semaphore, #tpu.memory_space<semaphore_mem>>) src(%arg3 : memref<17x128xf32, #tpu.memory_space<hbm>>) dst(%arg9 : memref<17x128xf32, #tpu.memory_space<vmem>>)
      %get3A_332 = arith.constant 0 : i32
      %get3A_333 = arith.index_cast %get3A_332 : i32 to index
      %get3A_334 = arith.constant 0 : index
      %get3A_335 = tpu.vector_load %arg9[%get3A_333, %get3A_334] {strides = array<i32>} : memref<17x128xf32, #tpu.memory_space<vmem>>, vector<16xf32>,
      %mul3A_336 = vector.broadcast %squeeze3A : f32 to vector<16xf32>
      %mul3A_337 = arith.mulf %mul3A_336, %get3A_335 : vector<16xf32>
      %add3A_338 = arith.addf %broadcast_in_dim3A_1, %mul3A_337 : vector<16xf32>
      %get3A_339 = arith.constant 1 : i32
      %get3A_340 = arith.index_cast %get3A_339 : i32 to index
      %get3A_341 = arith.constant 0 : index
      %get3A_342 = tpu.vector_load %arg9[%get3A_340, %get3A_341] {strides = array<i32>} : memref<17x128xf32, #tpu.memory_space<vmem>>, vector<16xf32>,
      %mul3A_343 = vector.broadcast %squeeze3A_301 : f32 to vector<16xf32>
      %mul3A_344 = arith.mulf %mul3A_343, %get3A_342 : vector<16xf32>
      %add3A_345 = arith.addf %add3A_338, %mul3A_344 : vector<16xf32>
      %get3A_346 = arith.constant 2 : i32
      %get3A_347 = arith.index_cast %get3A_346 : i32 to index
      %get3A_348 = arith.constant 0 : index
      %get3A_349 = tpu.vector_load %arg9[%get3A_347, %get3A_348] {strides = array<i32>} : memref<17x128xf32, #tpu.memory_space<vmem>>, vector<16xf32>,
      %mul3A_350 = vector.broadcast %squeeze3A_303 : f32 to vector<16xf32>
      %mul3A_351 = arith.mulf %mul3A_350, %get3A_349 : vector<16xf32>
      %add3A_352 = arith.addf %add3A_345, %mul3A_351 : vector<16xf32>
      %get3A_353 = arith.constant 3 : i32
      %get3A_354 = arith.index_cast %get3A_353 : i32 to index
      %get3A_355 = arith.constant 0 : index
      %get3A_356 = tpu.vector_load %arg9[%get3A_354, %get3A_355] {strides = array<i32>} : memref<17x128xf32, #tpu.memory_space<vmem>>, vector<16xf32>,
      %mul3A_357 = vector.broadcast %squeeze3A_305 : f32 to vector<16xf32>
      %mul3A_358 = arith.mulf %mul3A_357, %get3A_356 : vector<16xf32>
      %add3A_359 = arith.addf %add3A_352, %mul3A_358 : vector<16xf32>
      %get3A_360 = arith.constant 4 : i32
      %get3A_361 = arith.index_cast %get3A_360 : i32 to index
      %get3A_362 = arith.constant 0 : index
      %get3A_363 = tpu.vector_load %arg9[%get3A_361, %get3A_362] {strides = array<i32>} : memref<17x128xf32, #tpu.memory_space<vmem>>, vector<16xf32>,
      %mul3A_364 = vector.broadcast %squeeze3A_307 : f32 to vector<16xf32>
      %mul3A_365 = arith.mulf %mul3A_364, %get3A_363 : vector<16xf32>
      %add3A_366 = arith.addf %add3A_359, %mul3A_365 : vector<16xf32>
      %get3A_367 = arith.constant 5 : i32
      %get3A_368 = arith.index_cast %get3A_367 : i32 to index
      %get3A_369 = arith.constant 0 : index
      %get3A_370 = tpu.vector_load %arg9[%get3A_368, %get3A_369] {strides = array<i32>} : memref<17x128xf32, #tpu.memory_space<vmem>>, vector<16xf32>,
      %mul3A_371 = vector.broadcast %squeeze3A_309 : f32 to vector<16xf32>
      %mul3A_372 = arith.mulf %mul3A_371, %get3A_370 : vector<16xf32>
      %add3A_373 = arith.addf %add3A_366, %mul3A_372 : vector<16xf32>
      %get3A_374 = arith.constant 6 : i32
      %get3A_375 = arith.index_cast %get3A_374 : i32 to index
      %get3A_376 = arith.constant 0 : index
      %get3A_377 = tpu.vector_load %arg9[%get3A_375, %get3A_376] {strides = array<i32>} : memref<17x128xf32, #tpu.memory_space<vmem>>, vector<16xf32>,
      %mul3A_378 = vector.broadcast %squeeze3A_311 : f32 to vector<16xf32>
      %mul3A_379 = arith.mulf %mul3A_378, %get3A_377 : vector<16xf32>
      %add3A_380 = arith.addf %add3A_373, %mul3A_379 : vector<16xf32>
      %get3A_381 = arith.constant 7 : i32
      %get3A_382 = arith.index_cast %get3A_381 : i32 to index
      %get3A_383 = arith.constant 0 : index
      %get3A_384 = tpu.vector_load %arg9[%get3A_382, %get3A_383] {strides = array<i32>} : memref<17x128xf32, #tpu.memory_space<vmem>>, vector<16xf32>,
      %mul3A_385 = vector.broadcast %squeeze3A_313 : f32 to vector<16xf32>
      %mul3A_386 = arith.mulf %mul3A_385, %get3A_384 : vector<16xf32>
      %add3A_387 = arith.addf %add3A_380, %mul3A_386 : vector<16xf32>
      %get3A_388 = arith.constant 8 : i32
      %get3A_389 = arith.index_cast %get3A_388 : i32 to index
      %get3A_390 = arith.constant 0 : index
      %get3A_391 = tpu.vector_load %arg9[%get3A_389, %get3A_390] {strides = array<i32>} : memref<17x128xf32, #tpu.memory_space<vmem>>, vector<16xf32>,
      %mul3A_392 = vector.broadcast %squeeze3A_315 : f32 to vector<16xf32>
      %mul3A_393 = arith.mulf %mul3A_392, %get3A_391 : vector<16xf32>
      %add3A_394 = arith.addf %add3A_387, %mul3A_393 : vector<16xf32>
      %get3A_395 = arith.constant 9 : i32
      %get3A_396 = arith.index_cast %get3A_395 : i32 to index
      %get3A_397 = arith.constant 0 : index
      %get3A_398 = tpu.vector_load %arg9[%get3A_396, %get3A_397] {strides = array<i32>} : memref<17x128xf32, #tpu.memory_space<vmem>>, vector<16xf32>,
      %mul3A_399 = vector.broadcast %squeeze3A_317 : f32 to vector<16xf32>
      %mul3A_400 = arith.mulf %mul3A_399, %get3A_398 : vector<16xf32>
      %add3A_401 = arith.addf %add3A_394, %mul3A_400 : vector<16xf32>
      %get3A_402 = arith.constant 10 : i32
      %get3A_403 = arith.index_cast %get3A_402 : i32 to index
      %get3A_404 = arith.constant 0 : index
      %get3A_405 = tpu.vector_load %arg9[%get3A_403, %get3A_404] {strides = array<i32>} : memref<17x128xf32, #tpu.memory_space<vmem>>, vector<16xf32>,
      %mul3A_406 = vector.broadcast %squeeze3A_319 : f32 to vector<16xf32>
      %mul3A_407 = arith.mulf %mul3A_406, %get3A_405 : vector<16xf32>
      %add3A_408 = arith.addf %add3A_401, %mul3A_407 : vector<16xf32>
      %get3A_409 = arith.constant 11 : i32
      %get3A_410 = arith.index_cast %get3A_409 : i32 to index
      %get3A_411 = arith.constant 0 : index
      %get3A_412 = tpu.vector_load %arg9[%get3A_410, %get3A_411] {strides = array<i32>} : memref<17x128xf32, #tpu.memory_space<vmem>>, vector<16xf32>,
      %mul3A_413 = vector.broadcast %squeeze3A_321 : f32 to vector<16xf32>
      %mul3A_414 = arith.mulf %mul3A_413, %get3A_412 : vector<16xf32>
      %add3A_415 = arith.addf %add3A_408, %mul3A_414 : vector<16xf32>
      %get3A_416 = arith.constant 12 : i32
      %get3A_417 = arith.index_cast %get3A_416 : i32 to index
      %get3A_418 = arith.constant 0 : index
      %get3A_419 = tpu.vector_load %arg9[%get3A_417, %get3A_418] {strides = array<i32>} : memref<17x128xf32, #tpu.memory_space<vmem>>, vector<16xf32>,
      %mul3A_420 = vector.broadcast %squeeze3A_323 : f32 to vector<16xf32>
      %mul3A_421 = arith.mulf %mul3A_420, %get3A_419 : vector<16xf32>
      %add3A_422 = arith.addf %add3A_415, %mul3A_421 : vector<16xf32>
      %get3A_423 = arith.constant 13 : i32
      %get3A_424 = arith.index_cast %get3A_423 : i32 to index
      %get3A_425 = arith.constant 0 : index
      %get3A_426 = tpu.vector_load %arg9[%get3A_424, %get3A_425] {strides = array<i32>} : memref<17x128xf32, #tpu.memory_space<vmem>>, vector<16xf32>,
      %mul3A_427 = vector.broadcast %squeeze3A_325 : f32 to vector<16xf32>
      %mul3A_428 = arith.mulf %mul3A_427, %get3A_426 : vector<16xf32>
      %add3A_429 = arith.addf %add3A_422, %mul3A_428 : vector<16xf32>
      %get3A_430 = arith.constant 14 : i32
      %get3A_431 = arith.index_cast %get3A_430 : i32 to index
      %get3A_432 = arith.constant 0 : index
      %get3A_433 = tpu.vector_load %arg9[%get3A_431, %get3A_432] {strides = array<i32>} : memref<17x128xf32, #tpu.memory_space<vmem>>, vector<16xf32>,
      %mul3A_434 = vector.broadcast %squeeze3A_327 : f32 to vector<16xf32>
      %mul3A_435 = arith.mulf %mul3A_434, %get3A_433 : vector<16xf32>
      %add3A_436 = arith.addf %add3A_429, %mul3A_435 : vector<16xf32>
      %get3A_437 = arith.constant 15 : i32
      %get3A_438 = arith.index_cast %get3A_437 : i32 to index
      %get3A_439 = arith.constant 0 : index
      %get3A_440 = tpu.vector_load %arg9[%get3A_438, %get3A_439] {strides = array<i32>} : memref<17x128xf32, #tpu.memory_space<vmem>>, vector<16xf32>,
      %mul3A_441 = vector.broadcast %squeeze3A_329 : f32 to vector<16xf32>
      %mul3A_442 = arith.mulf %mul3A_441, %get3A_440 : vector<16xf32>
      %add3A_443 = arith.addf %add3A_436, %mul3A_442 : vector<16xf32>
      %get3A_444 = arith.constant 16 : i32
      %get3A_445 = arith.index_cast %get3A_444 : i32 to index
      %get3A_446 = arith.constant 0 : index
      %get3A_447 = tpu.vector_load %arg9[%get3A_445, %get3A_446] {strides = array<i32>} : memref<17x128xf32, #tpu.memory_space<vmem>>, vector<16xf32>,
      %mul3A_448 = vector.broadcast %squeeze3A_331 : f32 to vector<16xf32>
      %mul3A_449 = arith.mulf %mul3A_448, %get3A_447 : vector<16xf32>
      %add3A_450 = arith.addf %add3A_443, %mul3A_449 : vector<16xf32>
      %get3A_451 = arith.constant 0 : i32
      %get3A_452 = arith.index_cast %get3A_451 : i32 to index
      %get3A_453 = arith.constant 16 : index
      %get3A_454 = tpu.vector_load %arg9[%get3A_452, %get3A_453] {strides = array<i32>} : memref<17x128xf32, #tpu.memory_space<vmem>>, vector<16xf32>,
      %mul3A_455 = vector.broadcast %squeeze3A : f32 to vector<16xf32>
      %mul3A_456 = arith.mulf %mul3A_455, %get3A_454 : vector<16xf32>
      %add3A_457 = arith.addf %broadcast_in_dim3A_1, %mul3A_456 : vector<16xf32>
      %get3A_458 = arith.constant 1 : i32
      %get3A_459 = arith.index_cast %get3A_458 : i32 to index
      %get3A_460 = arith.constant 16 : index
      %get3A_461 = tpu.vector_load %arg9[%get3A_459, %get3A_460] {strides = array<i32>} : memref<17x128xf32, #tpu.memory_space<vmem>>, vector<16xf32>,
      %mul3A_462 = vector.broadcast %squeeze3A_301 : f32 to vector<16xf32>
      %mul3A_463 = arith.mulf %mul3A_462, %get3A_461 : vector<16xf32>
      %add3A_464 = arith.addf %add3A_457, %mul3A_463 : vector<16xf32>
      %get3A_465 = arith.constant 2 : i32
      %get3A_466 = arith.index_cast %get3A_465 : i32 to index
      %get3A_467 = arith.constant 16 : index
      %get3A_468 = tpu.vector_load %arg9[%get3A_466, %get3A_467] {strides = array<i32>} : memref<17x128xf32, #tpu.memory_space<vmem>>, vector<16xf32>,
      %mul3A_469 = vector.broadcast %squeeze3A_303 : f32 to vector<16xf32>
      %mul3A_470 = arith.mulf %mul3A_469, %get3A_468 : vector<16xf32>
      %add3A_471 = arith.addf %add3A_464, %mul3A_470 : vector<16xf32>
      %get3A_472 = arith.constant 3 : i32
      %get3A_473 = arith.index_cast %get3A_472 : i32 to index
      %get3A_474 = arith.constant 16 : index
      %get3A_475 = tpu.vector_load %arg9[%get3A_473, %get3A_474] {strides = array<i32>} : memref<17x128xf32, #tpu.memory_space<vmem>>, vector<16xf32>,
      %mul3A_476 = vector.broadcast %squeeze3A_305 : f32 to vector<16xf32>
      %mul3A_477 = arith.mulf %mul3A_476, %get3A_475 : vector<16xf32>
      %add3A_478 = arith.addf %add3A_471, %mul3A_477 : vector<16xf32>
      %get3A_479 = arith.constant 4 : i32
      %get3A_480 = arith.index_cast %get3A_479 : i32 to index
      %get3A_481 = arith.constant 16 : index
      %get3A_482 = tpu.vector_load %arg9[%get3A_480, %get3A_481] {strides = array<i32>} : memref<17x128xf32, #tpu.memory_space<vmem>>, vector<16xf32>,
      %mul3A_483 = vector.broadcast %squeeze3A_307 : f32 to vector<16xf32>
      %mul3A_484 = arith.mulf %mul3A_483, %get3A_482 : vector<16xf32>
      %add3A_485 = arith.addf %add3A_478, %mul3A_484 : vector<16xf32>
      %get3A_486 = arith.constant 5 : i32
      %get3A_487 = arith.index_cast %get3A_486 : i32 to index
      %get3A_488 = arith.constant 16 : index
      %get3A_489 = tpu.vector_load %arg9[%get3A_487, %get3A_488] {strides = array<i32>} : memref<17x128xf32, #tpu.memory_space<vmem>>, vector<16xf32>,
      %mul3A_490 = vector.broadcast %squeeze3A_309 : f32 to vector<16xf32>
      %mul3A_491 = arith.mulf %mul3A_490, %get3A_489 : vector<16xf32>
      %add3A_492 = arith.addf %add3A_485, %mul3A_491 : vector<16xf32>
      %get3A_493 = arith.constant 6 : i32
      %get3A_494 = arith.index_cast %get3A_493 : i32 to index
      %get3A_495 = arith.constant 16 : index
      %get3A_496 = tpu.vector_load %arg9[%get3A_494, %get3A_495] {strides = array<i32>} : memref<17x128xf32, #tpu.memory_space<vmem>>, vector<16xf32>,
      %mul3A_497 = vector.broadcast %squeeze3A_311 : f32 to vector<16xf32>
      %mul3A_498 = arith.mulf %mul3A_497, %get3A_496 : vector<16xf32>
      %add3A_499 = arith.addf %add3A_492, %mul3A_498 : vector<16xf32>
      %get3A_500 = arith.constant 7 : i32
      %get3A_501 = arith.index_cast %get3A_500 : i32 to index
      %get3A_502 = arith.constant 16 : index
      %get3A_503 = tpu.vector_load %arg9[%get3A_501, %get3A_502] {strides = array<i32>} : memref<17x128xf32, #tpu.memory_space<vmem>>, vector<16xf32>,
      %mul3A_504 = vector.broadcast %squeeze3A_313 : f32 to vector<16xf32>
      %mul3A_505 = arith.mulf %mul3A_504, %get3A_503 : vector<16xf32>
      %add3A_506 = arith.addf %add3A_499, %mul3A_505 : vector<16xf32>
      %get3A_507 = arith.constant 8 : i32
      %get3A_508 = arith.index_cast %get3A_507 : i32 to index
      %get3A_509 = arith.constant 16 : index
      %get3A_510 = tpu.vector_load %arg9[%get3A_508, %get3A_509] {strides = array<i32>} : memref<17x128xf32, #tpu.memory_space<vmem>>, vector<16xf32>,
      %mul3A_511 = vector.broadcast %squeeze3A_315 : f32 to vector<16xf32>
      %mul3A_512 = arith.mulf %mul3A_511, %get3A_510 : vector<16xf32>
      %add3A_513 = arith.addf %add3A_506, %mul3A_512 : vector<16xf32>
      %get3A_514 = arith.constant 9 : i32
      %get3A_515 = arith.index_cast %get3A_514 : i32 to index
      %get3A_516 = arith.constant 16 : index
      %get3A_517 = tpu.vector_load %arg9[%get3A_515, %get3A_516] {strides = array<i32>} : memref<17x128xf32, #tpu.memory_space<vmem>>, vector<16xf32>,
      %mul3A_518 = vector.broadcast %squeeze3A_317 : f32 to vector<16xf32>
      %mul3A_519 = arith.mulf %mul3A_518, %get3A_517 : vector<16xf32>
      %add3A_520 = arith.addf %add3A_513, %mul3A_519 : vector<16xf32>
      %get3A_521 = arith.constant 10 : i32
      %get3A_522 = arith.index_cast %get3A_521 : i32 to index
      %get3A_523 = arith.constant 16 : index
      %get3A_524 = tpu.vector_load %arg9[%get3A_522, %get3A_523] {strides = array<i32>} : memref<17x128xf32, #tpu.memory_space<vmem>>, vector<16xf32>,
      %mul3A_525 = vector.broadcast %squeeze3A_319 : f32 to vector<16xf32>
      %mul3A_526 = arith.mulf %mul3A_525, %get3A_524 : vector<16xf32>
      %add3A_527 = arith.addf %add3A_520, %mul3A_526 : vector<16xf32>
      %get3A_528 = arith.constant 11 : i32
      %get3A_529 = arith.index_cast %get3A_528 : i32 to index
      %get3A_530 = arith.constant 16 : index
      %get3A_531 = tpu.vector_load %arg9[%get3A_529, %get3A_530] {strides = array<i32>} : memref<17x128xf32, #tpu.memory_space<vmem>>, vector<16xf32>,
      %mul3A_532 = vector.broadcast %squeeze3A_321 : f32 to vector<16xf32>
      %mul3A_533 = arith.mulf %mul3A_532, %get3A_531 : vector<16xf32>
      %add3A_534 = arith.addf %add3A_527, %mul3A_533 : vector<16xf32>
      %get3A_535 = arith.constant 12 : i32
      %get3A_536 = arith.index_cast %get3A_535 : i32 to index
      %get3A_537 = arith.constant 16 : index
      %get3A_538 = tpu.vector_load %arg9[%get3A_536, %get3A_537] {strides = array<i32>} : memref<17x128xf32, #tpu.memory_space<vmem>>, vector<16xf32>,
      %mul3A_539 = vector.broadcast %squeeze3A_323 : f32 to vector<16xf32>
      %mul3A_540 = arith.mulf %mul3A_539, %get3A_538 : vector<16xf32>
      %add3A_541 = arith.addf %add3A_534, %mul3A_540 : vector<16xf32>
      %get3A_542 = arith.constant 13 : i32
      %get3A_543 = arith.index_cast %get3A_542 : i32 to index
      %get3A_544 = arith.constant 16 : index
      %get3A_545 = tpu.vector_load %arg9[%get3A_543, %get3A_544] {strides = array<i32>} : memref<17x128xf32, #tpu.memory_space<vmem>>, vector<16xf32>,
      %mul3A_546 = vector.broadcast %squeeze3A_325 : f32 to vector<16xf32>
      %mul3A_547 = arith.mulf %mul3A_546, %get3A_545 : vector<16xf32>
      %add3A_548 = arith.addf %add3A_541, %mul3A_547 : vector<16xf32>
      %get3A_549 = arith.constant 14 : i32
      %get3A_550 = arith.index_cast %get3A_549 : i32 to index
      %get3A_551 = arith.constant 16 : index
      %get3A_552 = tpu.vector_load %arg9[%get3A_550, %get3A_551] {strides = array<i32>} : memref<17x128xf32, #tpu.memory_space<vmem>>, vector<16xf32>,
      %mul3A_553 = vector.broadcast %squeeze3A_327 : f32 to vector<16xf32>
      %mul3A_554 = arith.mulf %mul3A_553, %get3A_552 : vector<16xf32>
      %add3A_555 = arith.addf %add3A_548, %mul3A_554 : vector<16xf32>
      %get3A_556 = arith.constant 15 : i32
      %get3A_557 = arith.index_cast %get3A_556 : i32 to index
      %get3A_558 = arith.constant 16 : index
      %get3A_559 = tpu.vector_load %arg9[%get3A_557, %get3A_558] {strides = array<i32>} : memref<17x128xf32, #tpu.memory_space<vmem>>, vector<16xf32>,
      %mul3A_560 = vector.broadcast %squeeze3A_329 : f32 to vector<16xf32>
      %mul3A_561 = arith.mulf %mul3A_560, %get3A_559 : vector<16xf32>
      %add3A_562 = arith.addf %add3A_555, %mul3A_561 : vector<16xf32>
      %get3A_563 = arith.constant 16 : i32
      %get3A_564 = arith.index_cast %get3A_563 : i32 to index
      %get3A_565 = arith.constant 16 : index
      %get3A_566 = tpu.vector_load %arg9[%get3A_564, %get3A_565] {strides = array<i32>} : memref<17x128xf32, #tpu.memory_space<vmem>>, vector<16xf32>,
      %mul3A_567 = vector.broadcast %squeeze3A_331 : f32 to vector<16xf32>
      %mul3A_568 = arith.mulf %mul3A_567, %get3A_566 : vector<16xf32>
      %add3A_569 = arith.addf %add3A_562, %mul3A_568 : vector<16xf32>
      %get3A_570 = arith.constant 0 : i32
      %get3A_571 = arith.index_cast %get3A_570 : i32 to index
      %get3A_572 = arith.constant 32 : index
      %get3A_573 = tpu.vector_load %arg9[%get3A_571, %get3A_572] {strides = array<i32>} : memref<17x128xf32, #tpu.memory_space<vmem>>, vector<16xf32>,
      %mul3A_574 = vector.broadcast %squeeze3A : f32 to vector<16xf32>
      %mul3A_575 = arith.mulf %mul3A_574, %get3A_573 : vector<16xf32>
      %add3A_576 = arith.addf %broadcast_in_dim3A_1, %mul3A_575 : vector<16xf32>
      %get3A_577 = arith.constant 1 : i32
      %get3A_578 = arith.index_cast %get3A_577 : i32 to index
      %get3A_579 = arith.constant 32 : index
      %get3A_580 = tpu.vector_load %arg9[%get3A_578, %get3A_579] {strides = array<i32>} : memref<17x128xf32, #tpu.memory_space<vmem>>, vector<16xf32>,
      %mul3A_581 = vector.broadcast %squeeze3A_301 : f32 to vector<16xf32>
      %mul3A_582 = arith.mulf %mul3A_581, %get3A_580 : vector<16xf32>
      %add3A_583 = arith.addf %add3A_576, %mul3A_582 : vector<16xf32>
      %get3A_584 = arith.constant 2 : i32
      %get3A_585 = arith.index_cast %get3A_584 : i32 to index
      %get3A_586 = arith.constant 32 : index
      %get3A_587 = tpu.vector_load %arg9[%get3A_585, %get3A_586] {strides = array<i32>} : memref<17x128xf32, #tpu.memory_space<vmem>>, vector<16xf32>,
      %mul3A_588 = vector.broadcast %squeeze3A_303 : f32 to vector<16xf32>
      %mul3A_589 = arith.mulf %mul3A_588, %get3A_587 : vector<16xf32>
      %add3A_590 = arith.addf %add3A_583, %mul3A_589 : vector<16xf32>
      %get3A_591 = arith.constant 3 : i32
      %get3A_592 = arith.index_cast %get3A_591 : i32 to index
      %get3A_593 = arith.constant 32 : index
      %get3A_594 = tpu.vector_load %arg9[%get3A_592, %get3A_593] {strides = array<i32>} : memref<17x128xf32, #tpu.memory_space<vmem>>, vector<16xf32>,
      %mul3A_595 = vector.broadcast %squeeze3A_305 : f32 to vector<16xf32>
      %mul3A_596 = arith.mulf %mul3A_595, %get3A_594 : vector<16xf32>
      %add3A_597 = arith.addf %add3A_590, %mul3A_596 : vector<16xf32>
      %get3A_598 = arith.constant 4 : i32
      %get3A_599 = arith.index_cast %get3A_598 : i32 to index
      %get3A_600 = arith.constant 32 : index
      %get3A_601 = tpu.vector_load %arg9[%get3A_599, %get3A_600] {strides = array<i32>} : memref<17x128xf32, #tpu.memory_space<vmem>>, vector<16xf32>,
      %mul3A_602 = vector.broadcast %squeeze3A_307 : f32 to vector<16xf32>
      %mul3A_603 = arith.mulf %mul3A_602, %get3A_601 : vector<16xf32>
      %add3A_604 = arith.addf %add3A_597, %mul3A_603 : vector<16xf32>
      %get3A_605 = arith.constant 5 : i32
      %get3A_606 = arith.index_cast %get3A_605 : i32 to index
      %get3A_607 = arith.constant 32 : index
      %get3A_608 = tpu.vector_load %arg9[%get3A_606, %get3A_607] {strides = array<i32>} : memref<17x128xf32, #tpu.memory_space<vmem>>, vector<16xf32>,
      %mul3A_609 = vector.broadcast %squeeze3A_309 : f32 to vector<16xf32>
      %mul3A_610 = arith.mulf %mul3A_609, %get3A_608 : vector<16xf32>
      %add3A_611 = arith.addf %add3A_604, %mul3A_610 : vector<16xf32>
      %get3A_612 = arith.constant 6 : i32
      %get3A_613 = arith.index_cast %get3A_612 : i32 to index
      %get3A_614 = arith.constant 32 : index
      %get3A_615 = tpu.vector_load %arg9[%get3A_613, %get3A_614] {strides = array<i32>} : memref<17x128xf32, #tpu.memory_space<vmem>>, vector<16xf32>,
      %mul3A_616 = vector.broadcast %squeeze3A_311 : f32 to vector<16xf32>
      %mul3A_617 = arith.mulf %mul3A_616, %get3A_615 : vector<16xf32>
      %add3A_618 = arith.addf %add3A_611, %mul3A_617 : vector<16xf32>
      %get3A_619 = arith.constant 7 : i32
      %get3A_620 = arith.index_cast %get3A_619 : i32 to index
      %get3A_621 = arith.constant 32 : index
      %get3A_622 = tpu.vector_load %arg9[%get3A_620, %get3A_621] {strides = array<i32>} : memref<17x128xf32, #tpu.memory_space<vmem>>, vector<16xf32>,
      %mul3A_623 = vector.broadcast %squeeze3A_313 : f32 to vector<16xf32>
      %mul3A_624 = arith.mulf %mul3A_623, %get3A_622 : vector<16xf32>
      %add3A_625 = arith.addf %add3A_618, %mul3A_624 : vector<16xf32>
      %get3A_626 = arith.constant 8 : i32
      %get3A_627 = arith.index_cast %get3A_626 : i32 to index
      %get3A_628 = arith.constant 32 : index
      %get3A_629 = tpu.vector_load %arg9[%get3A_627, %get3A_628] {strides = array<i32>} : memref<17x128xf32, #tpu.memory_space<vmem>>, vector<16xf32>,
      %mul3A_630 = vector.broadcast %squeeze3A_315 : f32 to vector<16xf32>
      %mul3A_631 = arith.mulf %mul3A_630, %get3A_629 : vector<16xf32>
      %add3A_632 = arith.addf %add3A_625, %mul3A_631 : vector<16xf32>
      %get3A_633 = arith.constant 9 : i32
      %get3A_634 = arith.index_cast %get3A_633 : i32 to index
      %get3A_635 = arith.constant 32 : index
      %get3A_636 = tpu.vector_load %arg9[%get3A_634, %get3A_635] {strides = array<i32>} : memref<17x128xf32, #tpu.memory_space<vmem>>, vector<16xf32>,
      %mul3A_637 = vector.broadcast %squeeze3A_317 : f32 to vector<16xf32>
      %mul3A_638 = arith.mulf %mul3A_637, %get3A_636 : vector<16xf32>
      %add3A_639 = arith.addf %add3A_632, %mul3A_638 : vector<16xf32>
      %get3A_640 = arith.constant 10 : i32
      %get3A_641 = arith.index_cast %get3A_640 : i32 to index
      %get3A_642 = arith.constant 32 : index
      %get3A_643 = tpu.vector_load %arg9[%get3A_641, %get3A_642] {strides = array<i32>} : memref<17x128xf32, #tpu.memory_space<vmem>>, vector<16xf32>,
      %mul3A_644 = vector.broadcast %squeeze3A_319 : f32 to vector<16xf32>
      %mul3A_645 = arith.mulf %mul3A_644, %get3A_643 : vector<16xf32>
      %add3A_646 = arith.addf %add3A_639, %mul3A_645 : vector<16xf32>
      %get3A_647 = arith.constant 11 : i32
      %get3A_648 = arith.index_cast %get3A_647 : i32 to index
      %get3A_649 = arith.constant 32 : index
      %get3A_650 = tpu.vector_load %arg9[%get3A_648, %get3A_649] {strides = array<i32>} : memref<17x128xf32, #tpu.memory_space<vmem>>, vector<16xf32>,
      %mul3A_651 = vector.broadcast %squeeze3A_321 : f32 to vector<16xf32>
      %mul3A_652 = arith.mulf %mul3A_651, %get3A_650 : vector<16xf32>
      %add3A_653 = arith.addf %add3A_646, %mul3A_652 : vector<16xf32>
      %get3A_654 = arith.constant 12 : i32
      %get3A_655 = arith.index_cast %get3A_654 : i32 to index
      %get3A_656 = arith.constant 32 : index
      %get3A_657 = tpu.vector_load %arg9[%get3A_655, %get3A_656] {strides = array<i32>} : memref<17x128xf32, #tpu.memory_space<vmem>>, vector<16xf32>,
      %mul3A_658 = vector.broadcast %squeeze3A_323 : f32 to vector<16xf32>
      %mul3A_659 = arith.mulf %mul3A_658, %get3A_657 : vector<16xf32>
      %add3A_660 = arith.addf %add3A_653, %mul3A_659 : vector<16xf32>
      %get3A_661 = arith.constant 13 : i32
      %get3A_662 = arith.index_cast %get3A_661 : i32 to index
      %get3A_663 = arith.constant 32 : index
      %get3A_664 = tpu.vector_load %arg9[%get3A_662, %get3A_663] {strides = array<i32>} : memref<17x128xf32, #tpu.memory_space<vmem>>, vector<16xf32>,
      %mul3A_665 = vector.broadcast %squeeze3A_325 : f32 to vector<16xf32>
      %mul3A_666 = arith.mulf %mul3A_665, %get3A_664 : vector<16xf32>
      %add3A_667 = arith.addf %add3A_660, %mul3A_666 : vector<16xf32>
      %get3A_668 = arith.constant 14 : i32
      %get3A_669 = arith.index_cast %get3A_668 : i32 to index
      %get3A_670 = arith.constant 32 : index
      %get3A_671 = tpu.vector_load %arg9[%get3A_669, %get3A_670] {strides = array<i32>} : memref<17x128xf32, #tpu.memory_space<vmem>>, vector<16xf32>,
      %mul3A_672 = vector.broadcast %squeeze3A_327 : f32 to vector<16xf32>
      %mul3A_673 = arith.mulf %mul3A_672, %get3A_671 : vector<16xf32>
      %add3A_674 = arith.addf %add3A_667, %mul3A_673 : vector<16xf32>
      %get3A_675 = arith.constant 15 : i32
      %get3A_676 = arith.index_cast %get3A_675 : i32 to index
      %get3A_677 = arith.constant 32 : index
      %get3A_678 = tpu.vector_load %arg9[%get3A_676, %get3A_677] {strides = array<i32>} : memref<17x128xf32, #tpu.memory_space<vmem>>, vector<16xf32>,
      %mul3A_679 = vector.broadcast %squeeze3A_329 : f32 to vector<16xf32>
      %mul3A_680 = arith.mulf %mul3A_679, %get3A_678 : vector<16xf32>
      %add3A_681 = arith.addf %add3A_674, %mul3A_680 : vector<16xf32>
      %get3A_682 = arith.constant 16 : i32
      %get3A_683 = arith.index_cast %get3A_682 : i32 to index
      %get3A_684 = arith.constant 32 : index
      %get3A_685 = tpu.vector_load %arg9[%get3A_683, %get3A_684] {strides = array<i32>} : memref<17x128xf32, #tpu.memory_space<vmem>>, vector<16xf32>,
      %mul3A_686 = vector.broadcast %squeeze3A_331 : f32 to vector<16xf32>
      %mul3A_687 = arith.mulf %mul3A_686, %get3A_685 : vector<16xf32>
      %add3A_688 = arith.addf %add3A_681, %mul3A_687 : vector<16xf32>
      %get3A_689 = arith.constant 0 : i32
      %get3A_690 = arith.index_cast %get3A_689 : i32 to index
      %get3A_691 = arith.constant 48 : index
      %get3A_692 = tpu.vector_load %arg9[%get3A_690, %get3A_691] {strides = array<i32>} : memref<17x128xf32, #tpu.memory_space<vmem>>, vector<16xf32>,
      %mul3A_693 = vector.broadcast %squeeze3A : f32 to vector<16xf32>
      %mul3A_694 = arith.mulf %mul3A_693, %get3A_692 : vector<16xf32>
      %add3A_695 = arith.addf %broadcast_in_dim3A_1, %mul3A_694 : vector<16xf32>
      %get3A_696 = arith.constant 1 : i32
      %get3A_697 = arith.index_cast %get3A_696 : i32 to index
      %get3A_698 = arith.constant 48 : index
      %get3A_699 = tpu.vector_load %arg9[%get3A_697, %get3A_698] {strides = array<i32>} : memref<17x128xf32, #tpu.memory_space<vmem>>, vector<16xf32>,
      %mul3A_700 = vector.broadcast %squeeze3A_301 : f32 to vector<16xf32>
      %mul3A_701 = arith.mulf %mul3A_700, %get3A_699 : vector<16xf32>
      %add3A_702 = arith.addf %add3A_695, %mul3A_701 : vector<16xf32>
      %get3A_703 = arith.constant 2 : i32
      %get3A_704 = arith.index_cast %get3A_703 : i32 to index
      %get3A_705 = arith.constant 48 : index
      %get3A_706 = tpu.vector_load %arg9[%get3A_704, %get3A_705] {strides = array<i32>} : memref<17x128xf32, #tpu.memory_space<vmem>>, vector<16xf32>,
      %mul3A_707 = vector.broadcast %squeeze3A_303 : f32 to vector<16xf32>
      %mul3A_708 = arith.mulf %mul3A_707, %get3A_706 : vector<16xf32>
      %add3A_709 = arith.addf %add3A_702, %mul3A_708 : vector<16xf32>
      %get3A_710 = arith.constant 3 : i32
      %get3A_711 = arith.index_cast %get3A_710 : i32 to index
      %get3A_712 = arith.constant 48 : index
      %get3A_713 = tpu.vector_load %arg9[%get3A_711, %get3A_712] {strides = array<i32>} : memref<17x128xf32, #tpu.memory_space<vmem>>, vector<16xf32>,
      %mul3A_714 = vector.broadcast %squeeze3A_305 : f32 to vector<16xf32>
      %mul3A_715 = arith.mulf %mul3A_714, %get3A_713 : vector<16xf32>
      %add3A_716 = arith.addf %add3A_709, %mul3A_715 : vector<16xf32>
      %get3A_717 = arith.constant 4 : i32
      %get3A_718 = arith.index_cast %get3A_717 : i32 to index
      %get3A_719 = arith.constant 48 : index
      %get3A_720 = tpu.vector_load %arg9[%get3A_718, %get3A_719] {strides = array<i32>} : memref<17x128xf32, #tpu.memory_space<vmem>>, vector<16xf32>,
      %mul3A_721 = vector.broadcast %squeeze3A_307 : f32 to vector<16xf32>
      %mul3A_722 = arith.mulf %mul3A_721, %get3A_720 : vector<16xf32>
      %add3A_723 = arith.addf %add3A_716, %mul3A_722 : vector<16xf32>
      %get3A_724 = arith.constant 5 : i32
      %get3A_725 = arith.index_cast %get3A_724 : i32 to index
      %get3A_726 = arith.constant 48 : index
      %get3A_727 = tpu.vector_load %arg9[%get3A_725, %get3A_726] {strides = array<i32>} : memref<17x128xf32, #tpu.memory_space<vmem>>, vector<16xf32>,
      %mul3A_728 = vector.broadcast %squeeze3A_309 : f32 to vector<16xf32>
      %mul3A_729 = arith.mulf %mul3A_728, %get3A_727 : vector<16xf32>
      %add3A_730 = arith.addf %add3A_723, %mul3A_729 : vector<16xf32>
      %get3A_731 = arith.constant 6 : i32
      %get3A_732 = arith.index_cast %get3A_731 : i32 to index
      %get3A_733 = arith.constant 48 : index
      %get3A_734 = tpu.vector_load %arg9[%get3A_732, %get3A_733] {strides = array<i32>} : memref<17x128xf32, #tpu.memory_space<vmem>>, vector<16xf32>,
      %mul3A_735 = vector.broadcast %squeeze3A_311 : f32 to vector<16xf32>
      %mul3A_736 = arith.mulf %mul3A_735, %get3A_734 : vector<16xf32>
      %add3A_737 = arith.addf %add3A_730, %mul3A_736 : vector<16xf32>
      %get3A_738 = arith.constant 7 : i32
      %get3A_739 = arith.index_cast %get3A_738 : i32 to index
      %get3A_740 = arith.constant 48 : index
      %get3A_741 = tpu.vector_load %arg9[%get3A_739, %get3A_740] {strides = array<i32>} : memref<17x128xf32, #tpu.memory_space<vmem>>, vector<16xf32>,
      %mul3A_742 = vector.broadcast %squeeze3A_313 : f32 to vector<16xf32>
      %mul3A_743 = arith.mulf %mul3A_742, %get3A_741 : vector<16xf32>
      %add3A_744 = arith.addf %add3A_737, %mul3A_743 : vector<16xf32>
      %get3A_745 = arith.constant 8 : i32
      %get3A_746 = arith.index_cast %get3A_745 : i32 to index
      %get3A_747 = arith.constant 48 : index
      %get3A_748 = tpu.vector_load %arg9[%get3A_746, %get3A_747] {strides = array<i32>} : memref<17x128xf32, #tpu.memory_space<vmem>>, vector<16xf32>,
      %mul3A_749 = vector.broadcast %squeeze3A_315 : f32 to vector<16xf32>
      %mul3A_750 = arith.mulf %mul3A_749, %get3A_748 : vector<16xf32>
      %add3A_751 = arith.addf %add3A_744, %mul3A_750 : vector<16xf32>
      %get3A_752 = arith.constant 9 : i32
      %get3A_753 = arith.index_cast %get3A_752 : i32 to index
      %get3A_754 = arith.constant 48 : index
      %get3A_755 = tpu.vector_load %arg9[%get3A_753, %get3A_754] {strides = array<i32>} : memref<17x128xf32, #tpu.memory_space<vmem>>, vector<16xf32>,
      %mul3A_756 = vector.broadcast %squeeze3A_317 : f32 to vector<16xf32>
      %mul3A_757 = arith.mulf %mul3A_756, %get3A_755 : vector<16xf32>
      %add3A_758 = arith.addf %add3A_751, %mul3A_757 : vector<16xf32>
      %get3A_759 = arith.constant 10 : i32
      %get3A_760 = arith.index_cast %get3A_759 : i32 to index
      %get3A_761 = arith.constant 48 : index
      %get3A_762 = tpu.vector_load %arg9[%get3A_760, %get3A_761] {strides = array<i32>} : memref<17x128xf32, #tpu.memory_space<vmem>>, vector<16xf32>,
      %mul3A_763 = vector.broadcast %squeeze3A_319 : f32 to vector<16xf32>
      %mul3A_764 = arith.mulf %mul3A_763, %get3A_762 : vector<16xf32>
      %add3A_765 = arith.addf %add3A_758, %mul3A_764 : vector<16xf32>
      %get3A_766 = arith.constant 11 : i32
      %get3A_767 = arith.index_cast %get3A_766 : i32 to index
      %get3A_768 = arith.constant 48 : index
      %get3A_769 = tpu.vector_load %arg9[%get3A_767, %get3A_768] {strides = array<i32>} : memref<17x128xf32, #tpu.memory_space<vmem>>, vector<16xf32>,
      %mul3A_770 = vector.broadcast %squeeze3A_321 : f32 to vector<16xf32>
      %mul3A_771 = arith.mulf %mul3A_770, %get3A_769 : vector<16xf32>
      %add3A_772 = arith.addf %add3A_765, %mul3A_771 : vector<16xf32>
      %get3A_773 = arith.constant 12 : i32
      %get3A_774 = arith.index_cast %get3A_773 : i32 to index
      %get3A_775 = arith.constant 48 : index
      %get3A_776 = tpu.vector_load %arg9[%get3A_774, %get3A_775] {strides = array<i32>} : memref<17x128xf32, #tpu.memory_space<vmem>>, vector<16xf32>,
      %mul3A_777 = vector.broadcast %squeeze3A_323 : f32 to vector<16xf32>
      %mul3A_778 = arith.mulf %mul3A_777, %get3A_776 : vector<16xf32>
      %add3A_779 = arith.addf %add3A_772, %mul3A_778 : vector<16xf32>
      %get3A_780 = arith.constant 13 : i32
      %get3A_781 = arith.index_cast %get3A_780 : i32 to index
      %get3A_782 = arith.constant 48 : index
      %get3A_783 = tpu.vector_load %arg9[%get3A_781, %get3A_782] {strides = array<i32>} : memref<17x128xf32, #tpu.memory_space<vmem>>, vector<16xf32>,
      %mul3A_784 = vector.broadcast %squeeze3A_325 : f32 to vector<16xf32>
      %mul3A_785 = arith.mulf %mul3A_784, %get3A_783 : vector<16xf32>
      %add3A_786 = arith.addf %add3A_779, %mul3A_785 : vector<16xf32>
      %get3A_787 = arith.constant 14 : i32
      %get3A_788 = arith.index_cast %get3A_787 : i32 to index
      %get3A_789 = arith.constant 48 : index
      %get3A_790 = tpu.vector_load %arg9[%get3A_788, %get3A_789] {strides = array<i32>} : memref<17x128xf32, #tpu.memory_space<vmem>>, vector<16xf32>,
      %mul3A_791 = vector.broadcast %squeeze3A_327 : f32 to vector<16xf32>
      %mul3A_792 = arith.mulf %mul3A_791, %get3A_790 : vector<16xf32>
      %add3A_793 = arith.addf %add3A_786, %mul3A_792 : vector<16xf32>
      %get3A_794 = arith.constant 15 : i32
      %get3A_795 = arith.index_cast %get3A_794 : i32 to index
      %get3A_796 = arith.constant 48 : index
      %get3A_797 = tpu.vector_load %arg9[%get3A_795, %get3A_796] {strides = array<i32>} : memref<17x128xf32, #tpu.memory_space<vmem>>, vector<16xf32>,
      %mul3A_798 = vector.broadcast %squeeze3A_329 : f32 to vector<16xf32>
      %mul3A_799 = arith.mulf %mul3A_798, %get3A_797 : vector<16xf32>
      %add3A_800 = arith.addf %add3A_793, %mul3A_799 : vector<16xf32>
      %get3A_801 = arith.constant 16 : i32
      %get3A_802 = arith.index_cast %get3A_801 : i32 to index
      %get3A_803 = arith.constant 48 : index
      %get3A_804 = tpu.vector_load %arg9[%get3A_802, %get3A_803] {strides = array<i32>} : memref<17x128xf32, #tpu.memory_space<vmem>>, vector<16xf32>,
      %mul3A_805 = vector.broadcast %squeeze3A_331 : f32 to vector<16xf32>
      %mul3A_806 = arith.mulf %mul3A_805, %get3A_804 : vector<16xf32>
      %add3A_807 = arith.addf %add3A_800, %mul3A_806 : vector<16xf32>
      %get3A_808 = arith.constant 0 : i32
      %get3A_809 = arith.index_cast %get3A_808 : i32 to index
      %get3A_810 = arith.constant 64 : index
      %get3A_811 = tpu.vector_load %arg9[%get3A_809, %get3A_810] {strides = array<i32>} : memref<17x128xf32, #tpu.memory_space<vmem>>, vector<16xf32>,
      %mul3A_812 = vector.broadcast %squeeze3A : f32 to vector<16xf32>
      %mul3A_813 = arith.mulf %mul3A_812, %get3A_811 : vector<16xf32>
      %add3A_814 = arith.addf %broadcast_in_dim3A_1, %mul3A_813 : vector<16xf32>
      %get3A_815 = arith.constant 1 : i32
      %get3A_816 = arith.index_cast %get3A_815 : i32 to index
      %get3A_817 = arith.constant 64 : index
      %get3A_818 = tpu.vector_load %arg9[%get3A_816, %get3A_817] {strides = array<i32>} : memref<17x128xf32, #tpu.memory_space<vmem>>, vector<16xf32>,
      %mul3A_819 = vector.broadcast %squeeze3A_301 : f32 to vector<16xf32>
      %mul3A_820 = arith.mulf %mul3A_819, %get3A_818 : vector<16xf32>
      %add3A_821 = arith.addf %add3A_814, %mul3A_820 : vector<16xf32>
      %get3A_822 = arith.constant 2 : i32
      %get3A_823 = arith.index_cast %get3A_822 : i32 to index
      %get3A_824 = arith.constant 64 : index
      %get3A_825 = tpu.vector_load %arg9[%get3A_823, %get3A_824] {strides = array<i32>} : memref<17x128xf32, #tpu.memory_space<vmem>>, vector<16xf32>,
      %mul3A_826 = vector.broadcast %squeeze3A_303 : f32 to vector<16xf32>
      %mul3A_827 = arith.mulf %mul3A_826, %get3A_825 : vector<16xf32>
      %add3A_828 = arith.addf %add3A_821, %mul3A_827 : vector<16xf32>
      %get3A_829 = arith.constant 3 : i32
      %get3A_830 = arith.index_cast %get3A_829 : i32 to index
      %get3A_831 = arith.constant 64 : index
      %get3A_832 = tpu.vector_load %arg9[%get3A_830, %get3A_831] {strides = array<i32>} : memref<17x128xf32, #tpu.memory_space<vmem>>, vector<16xf32>,
      %mul3A_833 = vector.broadcast %squeeze3A_305 : f32 to vector<16xf32>
      %mul3A_834 = arith.mulf %mul3A_833, %get3A_832 : vector<16xf32>
      %add3A_835 = arith.addf %add3A_828, %mul3A_834 : vector<16xf32>
      %get3A_836 = arith.constant 4 : i32
      %get3A_837 = arith.index_cast %get3A_836 : i32 to index
      %get3A_838 = arith.constant 64 : index
      %get3A_839 = tpu.vector_load %arg9[%get3A_837, %get3A_838] {strides = array<i32>} : memref<17x128xf32, #tpu.memory_space<vmem>>, vector<16xf32>,
      %mul3A_840 = vector.broadcast %squeeze3A_307 : f32 to vector<16xf32>
      %mul3A_841 = arith.mulf %mul3A_840, %get3A_839 : vector<16xf32>
      %add3A_842 = arith.addf %add3A_835, %mul3A_841 : vector<16xf32>
      %get3A_843 = arith.constant 5 : i32
      %get3A_844 = arith.index_cast %get3A_843 : i32 to index
      %get3A_845 = arith.constant 64 : index
      %get3A_846 = tpu.vector_load %arg9[%get3A_844, %get3A_845] {strides = array<i32>} : memref<17x128xf32, #tpu.memory_space<vmem>>, vector<16xf32>,
      %mul3A_847 = vector.broadcast %squeeze3A_309 : f32 to vector<16xf32>
      %mul3A_848 = arith.mulf %mul3A_847, %get3A_846 : vector<16xf32>
      %add3A_849 = arith.addf %add3A_842, %mul3A_848 : vector<16xf32>
      %get3A_850 = arith.constant 6 : i32
      %get3A_851 = arith.index_cast %get3A_850 : i32 to index
      %get3A_852 = arith.constant 64 : index
      %get3A_853 = tpu.vector_load %arg9[%get3A_851, %get3A_852] {strides = array<i32>} : memref<17x128xf32, #tpu.memory_space<vmem>>, vector<16xf32>,
      %mul3A_854 = vector.broadcast %squeeze3A_311 : f32 to vector<16xf32>
      %mul3A_855 = arith.mulf %mul3A_854, %get3A_853 : vector<16xf32>
      %add3A_856 = arith.addf %add3A_849, %mul3A_855 : vector<16xf32>
      %get3A_857 = arith.constant 7 : i32
      %get3A_858 = arith.index_cast %get3A_857 : i32 to index
      %get3A_859 = arith.constant 64 : index
      %get3A_860 = tpu.vector_load %arg9[%get3A_858, %get3A_859] {strides = array<i32>} : memref<17x128xf32, #tpu.memory_space<vmem>>, vector<16xf32>,
      %mul3A_861 = vector.broadcast %squeeze3A_313 : f32 to vector<16xf32>
      %mul3A_862 = arith.mulf %mul3A_861, %get3A_860 : vector<16xf32>
      %add3A_863 = arith.addf %add3A_856, %mul3A_862 : vector<16xf32>
      %get3A_864 = arith.constant 8 : i32
      %get3A_865 = arith.index_cast %get3A_864 : i32 to index
      %get3A_866 = arith.constant 64 : index
      %get3A_867 = tpu.vector_load %arg9[%get3A_865, %get3A_866] {strides = array<i32>} : memref<17x128xf32, #tpu.memory_space<vmem>>, vector<16xf32>,
      %mul3A_868 = vector.broadcast %squeeze3A_315 : f32 to vector<16xf32>
      %mul3A_869 = arith.mulf %mul3A_868, %get3A_867 : vector<16xf32>
      %add3A_870 = arith.addf %add3A_863, %mul3A_869 : vector<16xf32>
      %get3A_871 = arith.constant 9 : i32
      %get3A_872 = arith.index_cast %get3A_871 : i32 to index
      %get3A_873 = arith.constant 64 : index
      %get3A_874 = tpu.vector_load %arg9[%get3A_872, %get3A_873] {strides = array<i32>} : memref<17x128xf32, #tpu.memory_space<vmem>>, vector<16xf32>,
      %mul3A_875 = vector.broadcast %squeeze3A_317 : f32 to vector<16xf32>
      %mul3A_876 = arith.mulf %mul3A_875, %get3A_874 : vector<16xf32>
      %add3A_877 = arith.addf %add3A_870, %mul3A_876 : vector<16xf32>
      %get3A_878 = arith.constant 10 : i32
      %get3A_879 = arith.index_cast %get3A_878 : i32 to index
      %get3A_880 = arith.constant 64 : index
      %get3A_881 = tpu.vector_load %arg9[%get3A_879, %get3A_880] {strides = array<i32>} : memref<17x128xf32, #tpu.memory_space<vmem>>, vector<16xf32>,
      %mul3A_882 = vector.broadcast %squeeze3A_319 : f32 to vector<16xf32>
      %mul3A_883 = arith.mulf %mul3A_882, %get3A_881 : vector<16xf32>
      %add3A_884 = arith.addf %add3A_877, %mul3A_883 : vector<16xf32>
      %get3A_885 = arith.constant 11 : i32
      %get3A_886 = arith.index_cast %get3A_885 : i32 to index
      %get3A_887 = arith.constant 64 : index
      %get3A_888 = tpu.vector_load %arg9[%get3A_886, %get3A_887] {strides = array<i32>} : memref<17x128xf32, #tpu.memory_space<vmem>>, vector<16xf32>,
      %mul3A_889 = vector.broadcast %squeeze3A_321 : f32 to vector<16xf32>
      %mul3A_890 = arith.mulf %mul3A_889, %get3A_888 : vector<16xf32>
      %add3A_891 = arith.addf %add3A_884, %mul3A_890 : vector<16xf32>
      %get3A_892 = arith.constant 12 : i32
      %get3A_893 = arith.index_cast %get3A_892 : i32 to index
      %get3A_894 = arith.constant 64 : index
      %get3A_895 = tpu.vector_load %arg9[%get3A_893, %get3A_894] {strides = array<i32>} : memref<17x128xf32, #tpu.memory_space<vmem>>, vector<16xf32>,
      %mul3A_896 = vector.broadcast %squeeze3A_323 : f32 to vector<16xf32>
      %mul3A_897 = arith.mulf %mul3A_896, %get3A_895 : vector<16xf32>
      %add3A_898 = arith.addf %add3A_891, %mul3A_897 : vector<16xf32>
      %get3A_899 = arith.constant 13 : i32
      %get3A_900 = arith.index_cast %get3A_899 : i32 to index
      %get3A_901 = arith.constant 64 : index
      %get3A_902 = tpu.vector_load %arg9[%get3A_900, %get3A_901] {strides = array<i32>} : memref<17x128xf32, #tpu.memory_space<vmem>>, vector<16xf32>,
      %mul3A_903 = vector.broadcast %squeeze3A_325 : f32 to vector<16xf32>
      %mul3A_904 = arith.mulf %mul3A_903, %get3A_902 : vector<16xf32>
      %add3A_905 = arith.addf %add3A_898, %mul3A_904 : vector<16xf32>
      %get3A_906 = arith.constant 14 : i32
      %get3A_907 = arith.index_cast %get3A_906 : i32 to index
      %get3A_908 = arith.constant 64 : index
      %get3A_909 = tpu.vector_load %arg9[%get3A_907, %get3A_908] {strides = array<i32>} : memref<17x128xf32, #tpu.memory_space<vmem>>, vector<16xf32>,
      %mul3A_910 = vector.broadcast %squeeze3A_327 : f32 to vector<16xf32>
      %mul3A_911 = arith.mulf %mul3A_910, %get3A_909 : vector<16xf32>
      %add3A_912 = arith.addf %add3A_905, %mul3A_911 : vector<16xf32>
      %get3A_913 = arith.constant 15 : i32
      %get3A_914 = arith.index_cast %get3A_913 : i32 to index
      %get3A_915 = arith.constant 64 : index
      %get3A_916 = tpu.vector_load %arg9[%get3A_914, %get3A_915] {strides = array<i32>} : memref<17x128xf32, #tpu.memory_space<vmem>>, vector<16xf32>,
      %mul3A_917 = vector.broadcast %squeeze3A_329 : f32 to vector<16xf32>
      %mul3A_918 = arith.mulf %mul3A_917, %get3A_916 : vector<16xf32>
      %add3A_919 = arith.addf %add3A_912, %mul3A_918 : vector<16xf32>
      %get3A_920 = arith.constant 16 : i32
      %get3A_921 = arith.index_cast %get3A_920 : i32 to index
      %get3A_922 = arith.constant 64 : index
      %get3A_923 = tpu.vector_load %arg9[%get3A_921, %get3A_922] {strides = array<i32>} : memref<17x128xf32, #tpu.memory_space<vmem>>, vector<16xf32>,
      %mul3A_924 = vector.broadcast %squeeze3A_331 : f32 to vector<16xf32>
      %mul3A_925 = arith.mulf %mul3A_924, %get3A_923 : vector<16xf32>
      %add3A_926 = arith.addf %add3A_919, %mul3A_925 : vector<16xf32>
      %get3A_927 = arith.constant 0 : i32
      %get3A_928 = arith.index_cast %get3A_927 : i32 to index
      %get3A_929 = arith.constant 80 : index
      %get3A_930 = tpu.vector_load %arg9[%get3A_928, %get3A_929] {strides = array<i32>} : memref<17x128xf32, #tpu.memory_space<vmem>>, vector<16xf32>,
      %mul3A_931 = vector.broadcast %squeeze3A : f32 to vector<16xf32>
      %mul3A_932 = arith.mulf %mul3A_931, %get3A_930 : vector<16xf32>
      %add3A_933 = arith.addf %broadcast_in_dim3A_1, %mul3A_932 : vector<16xf32>
      %get3A_934 = arith.constant 1 : i32
      %get3A_935 = arith.index_cast %get3A_934 : i32 to index
      %get3A_936 = arith.constant 80 : index
      %get3A_937 = tpu.vector_load %arg9[%get3A_935, %get3A_936] {strides = array<i32>} : memref<17x128xf32, #tpu.memory_space<vmem>>, vector<16xf32>,
      %mul3A_938 = vector.broadcast %squeeze3A_301 : f32 to vector<16xf32>
      %mul3A_939 = arith.mulf %mul3A_938, %get3A_937 : vector<16xf32>
      %add3A_940 = arith.addf %add3A_933, %mul3A_939 : vector<16xf32>
      %get3A_941 = arith.constant 2 : i32
      %get3A_942 = arith.index_cast %get3A_941 : i32 to index
      %get3A_943 = arith.constant 80 : index
      %get3A_944 = tpu.vector_load %arg9[%get3A_942, %get3A_943] {strides = array<i32>} : memref<17x128xf32, #tpu.memory_space<vmem>>, vector<16xf32>,
      %mul3A_945 = vector.broadcast %squeeze3A_303 : f32 to vector<16xf32>
      %mul3A_946 = arith.mulf %mul3A_945, %get3A_944 : vector<16xf32>
      %add3A_947 = arith.addf %add3A_940, %mul3A_946 : vector<16xf32>
      %get3A_948 = arith.constant 3 : i32
      %get3A_949 = arith.index_cast %get3A_948 : i32 to index
      %get3A_950 = arith.constant 80 : index
      %get3A_951 = tpu.vector_load %arg9[%get3A_949, %get3A_950] {strides = array<i32>} : memref<17x128xf32, #tpu.memory_space<vmem>>, vector<16xf32>,
      %mul3A_952 = vector.broadcast %squeeze3A_305 : f32 to vector<16xf32>
      %mul3A_953 = arith.mulf %mul3A_952, %get3A_951 : vector<16xf32>
      %add3A_954 = arith.addf %add3A_947, %mul3A_953 : vector<16xf32>
      %get3A_955 = arith.constant 4 : i32
      %get3A_956 = arith.index_cast %get3A_955 : i32 to index
      %get3A_957 = arith.constant 80 : index
      %get3A_958 = tpu.vector_load %arg9[%get3A_956, %get3A_957] {strides = array<i32>} : memref<17x128xf32, #tpu.memory_space<vmem>>, vector<16xf32>,
      %mul3A_959 = vector.broadcast %squeeze3A_307 : f32 to vector<16xf32>
      %mul3A_960 = arith.mulf %mul3A_959, %get3A_958 : vector<16xf32>
      %add3A_961 = arith.addf %add3A_954, %mul3A_960 : vector<16xf32>
      %get3A_962 = arith.constant 5 : i32
      %get3A_963 = arith.index_cast %get3A_962 : i32 to index
      %get3A_964 = arith.constant 80 : index
      %get3A_965 = tpu.vector_load %arg9[%get3A_963, %get3A_964] {strides = array<i32>} : memref<17x128xf32, #tpu.memory_space<vmem>>, vector<16xf32>,
      %mul3A_966 = vector.broadcast %squeeze3A_309 : f32 to vector<16xf32>
      %mul3A_967 = arith.mulf %mul3A_966, %get3A_965 : vector<16xf32>
      %add3A_968 = arith.addf %add3A_961, %mul3A_967 : vector<16xf32>
      %get3A_969 = arith.constant 6 : i32
      %get3A_970 = arith.index_cast %get3A_969 : i32 to index
      %get3A_971 = arith.constant 80 : index
      %get3A_972 = tpu.vector_load %arg9[%get3A_970, %get3A_971] {strides = array<i32>} : memref<17x128xf32, #tpu.memory_space<vmem>>, vector<16xf32>,
      %mul3A_973 = vector.broadcast %squeeze3A_311 : f32 to vector<16xf32>
      %mul3A_974 = arith.mulf %mul3A_973, %get3A_972 : vector<16xf32>
      %add3A_975 = arith.addf %add3A_968, %mul3A_974 : vector<16xf32>
      %get3A_976 = arith.constant 7 : i32
      %get3A_977 = arith.index_cast %get3A_976 : i32 to index
      %get3A_978 = arith.constant 80 : index
      %get3A_979 = tpu.vector_load %arg9[%get3A_977, %get3A_978] {strides = array<i32>} : memref<17x128xf32, #tpu.memory_space<vmem>>, vector<16xf32>,
      %mul3A_980 = vector.broadcast %squeeze3A_313 : f32 to vector<16xf32>
      %mul3A_981 = arith.mulf %mul3A_980, %get3A_979 : vector<16xf32>
      %add3A_982 = arith.addf %add3A_975, %mul3A_981 : vector<16xf32>
      %get3A_983 = arith.constant 8 : i32
      %get3A_984 = arith.index_cast %get3A_983 : i32 to index
      %get3A_985 = arith.constant 80 : index
      %get3A_986 = tpu.vector_load %arg9[%get3A_984, %get3A_985] {strides = array<i32>} : memref<17x128xf32, #tpu.memory_space<vmem>>, vector<16xf32>,
      %mul3A_987 = vector.broadcast %squeeze3A_315 : f32 to vector<16xf32>
      %mul3A_988 = arith.mulf %mul3A_987, %get3A_986 : vector<16xf32>
      %add3A_989 = arith.addf %add3A_982, %mul3A_988 : vector<16xf32>
      %get3A_990 = arith.constant 9 : i32
      %get3A_991 = arith.index_cast %get3A_990 : i32 to index
      %get3A_992 = arith.constant 80 : index
      %get3A_993 = tpu.vector_load %arg9[%get3A_991, %get3A_992] {strides = array<i32>} : memref<17x128xf32, #tpu.memory_space<vmem>>, vector<16xf32>,
      %mul3A_994 = vector.broadcast %squeeze3A_317 : f32 to vector<16xf32>
      %mul3A_995 = arith.mulf %mul3A_994, %get3A_993 : vector<16xf32>
      %add3A_996 = arith.addf %add3A_989, %mul3A_995 : vector<16xf32>
      %get3A_997 = arith.constant 10 : i32
      %get3A_998 = arith.index_cast %get3A_997 : i32 to index
      %get3A_999 = arith.constant 80 : index
      %get3A_1000 = tpu.vector_load %arg9[%get3A_998, %get3A_999] {strides = array<i32>} : memref<17x128xf32, #tpu.memory_space<vmem>>, vector<16xf32>,
      %mul3A_1001 = vector.broadcast %squeeze3A_319 : f32 to vector<16xf32>
      %mul3A_1002 = arith.mulf %mul3A_1001, %get3A_1000 : vector<16xf32>
      %add3A_1003 = arith.addf %add3A_996, %mul3A_1002 : vector<16xf32>
      %get3A_1004 = arith.constant 11 : i32
      %get3A_1005 = arith.index_cast %get3A_1004 : i32 to index
      %get3A_1006 = arith.constant 80 : index
      %get3A_1007 = tpu.vector_load %arg9[%get3A_1005, %get3A_1006] {strides = array<i32>} : memref<17x128xf32, #tpu.memory_space<vmem>>, vector<16xf32>,
      %mul3A_1008 = vector.broadcast %squeeze3A_321 : f32 to vector<16xf32>
      %mul3A_1009 = arith.mulf %mul3A_1008, %get3A_1007 : vector<16xf32>
      %add3A_1010 = arith.addf %add3A_1003, %mul3A_1009 : vector<16xf32>
      %get3A_1011 = arith.constant 12 : i32
      %get3A_1012 = arith.index_cast %get3A_1011 : i32 to index
      %get3A_1013 = arith.constant 80 : index
      %get3A_1014 = tpu.vector_load %arg9[%get3A_1012, %get3A_1013] {strides = array<i32>} : memref<17x128xf32, #tpu.memory_space<vmem>>, vector<16xf32>,
      %mul3A_1015 = vector.broadcast %squeeze3A_323 : f32 to vector<16xf32>
      %mul3A_1016 = arith.mulf %mul3A_1015, %get3A_1014 : vector<16xf32>
      %add3A_1017 = arith.addf %add3A_1010, %mul3A_1016 : vector<16xf32>
      %get3A_1018 = arith.constant 13 : i32
      %get3A_1019 = arith.index_cast %get3A_1018 : i32 to index
      %get3A_1020 = arith.constant 80 : index
      %get3A_1021 = tpu.vector_load %arg9[%get3A_1019, %get3A_1020] {strides = array<i32>} : memref<17x128xf32, #tpu.memory_space<vmem>>, vector<16xf32>,
      %mul3A_1022 = vector.broadcast %squeeze3A_325 : f32 to vector<16xf32>
      %mul3A_1023 = arith.mulf %mul3A_1022, %get3A_1021 : vector<16xf32>
      %add3A_1024 = arith.addf %add3A_1017, %mul3A_1023 : vector<16xf32>
      %get3A_1025 = arith.constant 14 : i32
      %get3A_1026 = arith.index_cast %get3A_1025 : i32 to index
      %get3A_1027 = arith.constant 80 : index
      %get3A_1028 = tpu.vector_load %arg9[%get3A_1026, %get3A_1027] {strides = array<i32>} : memref<17x128xf32, #tpu.memory_space<vmem>>, vector<16xf32>,
      %mul3A_1029 = vector.broadcast %squeeze3A_327 : f32 to vector<16xf32>
      %mul3A_1030 = arith.mulf %mul3A_1029, %get3A_1028 : vector<16xf32>
      %add3A_1031 = arith.addf %add3A_1024, %mul3A_1030 : vector<16xf32>
      %get3A_1032 = arith.constant 15 : i32
      %get3A_1033 = arith.index_cast %get3A_1032 : i32 to index
      %get3A_1034 = arith.constant 80 : index
      %get3A_1035 = tpu.vector_load %arg9[%get3A_1033, %get3A_1034] {strides = array<i32>} : memref<17x128xf32, #tpu.memory_space<vmem>>, vector<16xf32>,
      %mul3A_1036 = vector.broadcast %squeeze3A_329 : f32 to vector<16xf32>
      %mul3A_1037 = arith.mulf %mul3A_1036, %get3A_1035 : vector<16xf32>
      %add3A_1038 = arith.addf %add3A_1031, %mul3A_1037 : vector<16xf32>
      %get3A_1039 = arith.constant 16 : i32
      %get3A_1040 = arith.index_cast %get3A_1039 : i32 to index
      %get3A_1041 = arith.constant 80 : index
      %get3A_1042 = tpu.vector_load %arg9[%get3A_1040, %get3A_1041] {strides = array<i32>} : memref<17x128xf32, #tpu.memory_space<vmem>>, vector<16xf32>,
      %mul3A_1043 = vector.broadcast %squeeze3A_331 : f32 to vector<16xf32>
      %mul3A_1044 = arith.mulf %mul3A_1043, %get3A_1042 : vector<16xf32>
      %add3A_1045 = arith.addf %add3A_1038, %mul3A_1044 : vector<16xf32>
      %get3A_1046 = arith.constant 0 : i32
      %get3A_1047 = arith.index_cast %get3A_1046 : i32 to index
      %get3A_1048 = arith.constant 96 : index
      %get3A_1049 = tpu.vector_load %arg9[%get3A_1047, %get3A_1048] {strides = array<i32>} : memref<17x128xf32, #tpu.memory_space<vmem>>, vector<16xf32>,
      %mul3A_1050 = vector.broadcast %squeeze3A : f32 to vector<16xf32>
      %mul3A_1051 = arith.mulf %mul3A_1050, %get3A_1049 : vector<16xf32>
      %add3A_1052 = arith.addf %broadcast_in_dim3A_1, %mul3A_1051 : vector<16xf32>
      %get3A_1053 = arith.constant 1 : i32
      %get3A_1054 = arith.index_cast %get3A_1053 : i32 to index
      %get3A_1055 = arith.constant 96 : index
      %get3A_1056 = tpu.vector_load %arg9[%get3A_1054, %get3A_1055] {strides = array<i32>} : memref<17x128xf32, #tpu.memory_space<vmem>>, vector<16xf32>,
      %mul3A_1057 = vector.broadcast %squeeze3A_301 : f32 to vector<16xf32>
      %mul3A_1058 = arith.mulf %mul3A_1057, %get3A_1056 : vector<16xf32>
      %add3A_1059 = arith.addf %add3A_1052, %mul3A_1058 : vector<16xf32>
      %get3A_1060 = arith.constant 2 : i32
      %get3A_1061 = arith.index_cast %get3A_1060 : i32 to index
      %get3A_1062 = arith.constant 96 : index
      %get3A_1063 = tpu.vector_load %arg9[%get3A_1061, %get3A_1062] {strides = array<i32>} : memref<17x128xf32, #tpu.memory_space<vmem>>, vector<16xf32>,
      %mul3A_1064 = vector.broadcast %squeeze3A_303 : f32 to vector<16xf32>
      %mul3A_1065 = arith.mulf %mul3A_1064, %get3A_1063 : vector<16xf32>
      %add3A_1066 = arith.addf %add3A_1059, %mul3A_1065 : vector<16xf32>
      %get3A_1067 = arith.constant 3 : i32
      %get3A_1068 = arith.index_cast %get3A_1067 : i32 to index
      %get3A_1069 = arith.constant 96 : index
      %get3A_1070 = tpu.vector_load %arg9[%get3A_1068, %get3A_1069] {strides = array<i32>} : memref<17x128xf32, #tpu.memory_space<vmem>>, vector<16xf32>,
      %mul3A_1071 = vector.broadcast %squeeze3A_305 : f32 to vector<16xf32>
      %mul3A_1072 = arith.mulf %mul3A_1071, %get3A_1070 : vector<16xf32>
      %add3A_1073 = arith.addf %add3A_1066, %mul3A_1072 : vector<16xf32>
      %get3A_1074 = arith.constant 4 : i32
      %get3A_1075 = arith.index_cast %get3A_1074 : i32 to index
      %get3A_1076 = arith.constant 96 : index
      %get3A_1077 = tpu.vector_load %arg9[%get3A_1075, %get3A_1076] {strides = array<i32>} : memref<17x128xf32, #tpu.memory_space<vmem>>, vector<16xf32>,
      %mul3A_1078 = vector.broadcast %squeeze3A_307 : f32 to vector<16xf32>
      %mul3A_1079 = arith.mulf %mul3A_1078, %get3A_1077 : vector<16xf32>
      %add3A_1080 = arith.addf %add3A_1073, %mul3A_1079 : vector<16xf32>
      %get3A_1081 = arith.constant 5 : i32
      %get3A_1082 = arith.index_cast %get3A_1081 : i32 to index
      %get3A_1083 = arith.constant 96 : index
      %get3A_1084 = tpu.vector_load %arg9[%get3A_1082, %get3A_1083] {strides = array<i32>} : memref<17x128xf32, #tpu.memory_space<vmem>>, vector<16xf32>,
      %mul3A_1085 = vector.broadcast %squeeze3A_309 : f32 to vector<16xf32>
      %mul3A_1086 = arith.mulf %mul3A_1085, %get3A_1084 : vector<16xf32>
      %add3A_1087 = arith.addf %add3A_1080, %mul3A_1086 : vector<16xf32>
      %get3A_1088 = arith.constant 6 : i32
      %get3A_1089 = arith.index_cast %get3A_1088 : i32 to index
      %get3A_1090 = arith.constant 96 : index
      %get3A_1091 = tpu.vector_load %arg9[%get3A_1089, %get3A_1090] {strides = array<i32>} : memref<17x128xf32, #tpu.memory_space<vmem>>, vector<16xf32>,
      %mul3A_1092 = vector.broadcast %squeeze3A_311 : f32 to vector<16xf32>
      %mul3A_1093 = arith.mulf %mul3A_1092, %get3A_1091 : vector<16xf32>
      %add3A_1094 = arith.addf %add3A_1087, %mul3A_1093 : vector<16xf32>
      %get3A_1095 = arith.constant 7 : i32
      %get3A_1096 = arith.index_cast %get3A_1095 : i32 to index
      %get3A_1097 = arith.constant 96 : index
      %get3A_1098 = tpu.vector_load %arg9[%get3A_1096, %get3A_1097] {strides = array<i32>} : memref<17x128xf32, #tpu.memory_space<vmem>>, vector<16xf32>,
      %mul3A_1099 = vector.broadcast %squeeze3A_313 : f32 to vector<16xf32>
      %mul3A_1100 = arith.mulf %mul3A_1099, %get3A_1098 : vector<16xf32>
      %add3A_1101 = arith.addf %add3A_1094, %mul3A_1100 : vector<16xf32>
      %get3A_1102 = arith.constant 8 : i32
      %get3A_1103 = arith.index_cast %get3A_1102 : i32 to index
      %get3A_1104 = arith.constant 96 : index
      %get3A_1105 = tpu.vector_load %arg9[%get3A_1103, %get3A_1104] {strides = array<i32>} : memref<17x128xf32, #tpu.memory_space<vmem>>, vector<16xf32>,
      %mul3A_1106 = vector.broadcast %squeeze3A_315 : f32 to vector<16xf32>
      %mul3A_1107 = arith.mulf %mul3A_1106, %get3A_1105 : vector<16xf32>
      %add3A_1108 = arith.addf %add3A_1101, %mul3A_1107 : vector<16xf32>
      %get3A_1109 = arith.constant 9 : i32
      %get3A_1110 = arith.index_cast %get3A_1109 : i32 to index
      %get3A_1111 = arith.constant 96 : index
      %get3A_1112 = tpu.vector_load %arg9[%get3A_1110, %get3A_1111] {strides = array<i32>} : memref<17x128xf32, #tpu.memory_space<vmem>>, vector<16xf32>,
      %mul3A_1113 = vector.broadcast %squeeze3A_317 : f32 to vector<16xf32>
      %mul3A_1114 = arith.mulf %mul3A_1113, %get3A_1112 : vector<16xf32>
      %add3A_1115 = arith.addf %add3A_1108, %mul3A_1114 : vector<16xf32>
      %get3A_1116 = arith.constant 10 : i32
      %get3A_1117 = arith.index_cast %get3A_1116 : i32 to index
      %get3A_1118 = arith.constant 96 : index
      %get3A_1119 = tpu.vector_load %arg9[%get3A_1117, %get3A_1118] {strides = array<i32>} : memref<17x128xf32, #tpu.memory_space<vmem>>, vector<16xf32>,
      %mul3A_1120 = vector.broadcast %squeeze3A_319 : f32 to vector<16xf32>
      %mul3A_1121 = arith.mulf %mul3A_1120, %get3A_1119 : vector<16xf32>
      %add3A_1122 = arith.addf %add3A_1115, %mul3A_1121 : vector<16xf32>
      %get3A_1123 = arith.constant 11 : i32
      %get3A_1124 = arith.index_cast %get3A_1123 : i32 to index
      %get3A_1125 = arith.constant 96 : index
      %get3A_1126 = tpu.vector_load %arg9[%get3A_1124, %get3A_1125] {strides = array<i32>} : memref<17x128xf32, #tpu.memory_space<vmem>>, vector<16xf32>,
      %mul3A_1127 = vector.broadcast %squeeze3A_321 : f32 to vector<16xf32>
      %mul3A_1128 = arith.mulf %mul3A_1127, %get3A_1126 : vector<16xf32>
      %add3A_1129 = arith.addf %add3A_1122, %mul3A_1128 : vector<16xf32>
      %get3A_1130 = arith.constant 12 : i32
      %get3A_1131 = arith.index_cast %get3A_1130 : i32 to index
      %get3A_1132 = arith.constant 96 : index
      %get3A_1133 = tpu.vector_load %arg9[%get3A_1131, %get3A_1132] {strides = array<i32>} : memref<17x128xf32, #tpu.memory_space<vmem>>, vector<16xf32>,
      %mul3A_1134 = vector.broadcast %squeeze3A_323 : f32 to vector<16xf32>
      %mul3A_1135 = arith.mulf %mul3A_1134, %get3A_1133 : vector<16xf32>
      %add3A_1136 = arith.addf %add3A_1129, %mul3A_1135 : vector<16xf32>
      %get3A_1137 = arith.constant 13 : i32
      %get3A_1138 = arith.index_cast %get3A_1137 : i32 to index
      %get3A_1139 = arith.constant 96 : index
      %get3A_1140 = tpu.vector_load %arg9[%get3A_1138, %get3A_1139] {strides = array<i32>} : memref<17x128xf32, #tpu.memory_space<vmem>>, vector<16xf32>,
      %mul3A_1141 = vector.broadcast %squeeze3A_325 : f32 to vector<16xf32>
      %mul3A_1142 = arith.mulf %mul3A_1141, %get3A_1140 : vector<16xf32>
      %add3A_1143 = arith.addf %add3A_1136, %mul3A_1142 : vector<16xf32>
      %get3A_1144 = arith.constant 14 : i32
      %get3A_1145 = arith.index_cast %get3A_1144 : i32 to index
      %get3A_1146 = arith.constant 96 : index
      %get3A_1147 = tpu.vector_load %arg9[%get3A_1145, %get3A_1146] {strides = array<i32>} : memref<17x128xf32, #tpu.memory_space<vmem>>, vector<16xf32>,
      %mul3A_1148 = vector.broadcast %squeeze3A_327 : f32 to vector<16xf32>
      %mul3A_1149 = arith.mulf %mul3A_1148, %get3A_1147 : vector<16xf32>
      %add3A_1150 = arith.addf %add3A_1143, %mul3A_1149 : vector<16xf32>
      %get3A_1151 = arith.constant 15 : i32
      %get3A_1152 = arith.index_cast %get3A_1151 : i32 to index
      %get3A_1153 = arith.constant 96 : index
      %get3A_1154 = tpu.vector_load %arg9[%get3A_1152, %get3A_1153] {strides = array<i32>} : memref<17x128xf32, #tpu.memory_space<vmem>>, vector<16xf32>,
      %mul3A_1155 = vector.broadcast %squeeze3A_329 : f32 to vector<16xf32>
      %mul3A_1156 = arith.mulf %mul3A_1155, %get3A_1154 : vector<16xf32>
      %add3A_1157 = arith.addf %add3A_1150, %mul3A_1156 : vector<16xf32>
      %get3A_1158 = arith.constant 16 : i32
      %get3A_1159 = arith.index_cast %get3A_1158 : i32 to index
      %get3A_1160 = arith.constant 96 : index
      %get3A_1161 = tpu.vector_load %arg9[%get3A_1159, %get3A_1160] {strides = array<i32>} : memref<17x128xf32, #tpu.memory_space<vmem>>, vector<16xf32>,
      %mul3A_1162 = vector.broadcast %squeeze3A_331 : f32 to vector<16xf32>
      %mul3A_1163 = arith.mulf %mul3A_1162, %get3A_1161 : vector<16xf32>
      %add3A_1164 = arith.addf %add3A_1157, %mul3A_1163 : vector<16xf32>
      %get3A_1165 = arith.constant 0 : i32
      %get3A_1166 = arith.index_cast %get3A_1165 : i32 to index
      %get3A_1167 = arith.constant 112 : index
      %get3A_1168 = tpu.vector_load %arg9[%get3A_1166, %get3A_1167] {strides = array<i32>} : memref<17x128xf32, #tpu.memory_space<vmem>>, vector<16xf32>,
      %mul3A_1169 = vector.broadcast %squeeze3A : f32 to vector<16xf32>
      %mul3A_1170 = arith.mulf %mul3A_1169, %get3A_1168 : vector<16xf32>
      %add3A_1171 = arith.addf %broadcast_in_dim3A_1, %mul3A_1170 : vector<16xf32>
      %get3A_1172 = arith.constant 1 : i32
      %get3A_1173 = arith.index_cast %get3A_1172 : i32 to index
      %get3A_1174 = arith.constant 112 : index
      %get3A_1175 = tpu.vector_load %arg9[%get3A_1173, %get3A_1174] {strides = array<i32>} : memref<17x128xf32, #tpu.memory_space<vmem>>, vector<16xf32>,
      %mul3A_1176 = vector.broadcast %squeeze3A_301 : f32 to vector<16xf32>
      %mul3A_1177 = arith.mulf %mul3A_1176, %get3A_1175 : vector<16xf32>
      %add3A_1178 = arith.addf %add3A_1171, %mul3A_1177 : vector<16xf32>
      %get3A_1179 = arith.constant 2 : i32
      %get3A_1180 = arith.index_cast %get3A_1179 : i32 to index
      %get3A_1181 = arith.constant 112 : index
      %get3A_1182 = tpu.vector_load %arg9[%get3A_1180, %get3A_1181] {strides = array<i32>} : memref<17x128xf32, #tpu.memory_space<vmem>>, vector<16xf32>,
      %mul3A_1183 = vector.broadcast %squeeze3A_303 : f32 to vector<16xf32>
      %mul3A_1184 = arith.mulf %mul3A_1183, %get3A_1182 : vector<16xf32>
      %add3A_1185 = arith.addf %add3A_1178, %mul3A_1184 : vector<16xf32>
      %get3A_1186 = arith.constant 3 : i32
      %get3A_1187 = arith.index_cast %get3A_1186 : i32 to index
      %get3A_1188 = arith.constant 112 : index
      %get3A_1189 = tpu.vector_load %arg9[%get3A_1187, %get3A_1188] {strides = array<i32>} : memref<17x128xf32, #tpu.memory_space<vmem>>, vector<16xf32>,
      %mul3A_1190 = vector.broadcast %squeeze3A_305 : f32 to vector<16xf32>
      %mul3A_1191 = arith.mulf %mul3A_1190, %get3A_1189 : vector<16xf32>
      %add3A_1192 = arith.addf %add3A_1185, %mul3A_1191 : vector<16xf32>
      %get3A_1193 = arith.constant 4 : i32
      %get3A_1194 = arith.index_cast %get3A_1193 : i32 to index
      %get3A_1195 = arith.constant 112 : index
      %get3A_1196 = tpu.vector_load %arg9[%get3A_1194, %get3A_1195] {strides = array<i32>} : memref<17x128xf32, #tpu.memory_space<vmem>>, vector<16xf32>,
      %mul3A_1197 = vector.broadcast %squeeze3A_307 : f32 to vector<16xf32>
      %mul3A_1198 = arith.mulf %mul3A_1197, %get3A_1196 : vector<16xf32>
      %add3A_1199 = arith.addf %add3A_1192, %mul3A_1198 : vector<16xf32>
      %get3A_1200 = arith.constant 5 : i32
      %get3A_1201 = arith.index_cast %get3A_1200 : i32 to index
      %get3A_1202 = arith.constant 112 : index
      %get3A_1203 = tpu.vector_load %arg9[%get3A_1201, %get3A_1202] {strides = array<i32>} : memref<17x128xf32, #tpu.memory_space<vmem>>, vector<16xf32>,
      %mul3A_1204 = vector.broadcast %squeeze3A_309 : f32 to vector<16xf32>
      %mul3A_1205 = arith.mulf %mul3A_1204, %get3A_1203 : vector<16xf32>
      %add3A_1206 = arith.addf %add3A_1199, %mul3A_1205 : vector<16xf32>
      %get3A_1207 = arith.constant 6 : i32
      %get3A_1208 = arith.index_cast %get3A_1207 : i32 to index
      %get3A_1209 = arith.constant 112 : index
      %get3A_1210 = tpu.vector_load %arg9[%get3A_1208, %get3A_1209] {strides = array<i32>} : memref<17x128xf32, #tpu.memory_space<vmem>>, vector<16xf32>,
      %mul3A_1211 = vector.broadcast %squeeze3A_311 : f32 to vector<16xf32>
      %mul3A_1212 = arith.mulf %mul3A_1211, %get3A_1210 : vector<16xf32>
      %add3A_1213 = arith.addf %add3A_1206, %mul3A_1212 : vector<16xf32>
      %get3A_1214 = arith.constant 7 : i32
      %get3A_1215 = arith.index_cast %get3A_1214 : i32 to index
      %get3A_1216 = arith.constant 112 : index
      %get3A_1217 = tpu.vector_load %arg9[%get3A_1215, %get3A_1216] {strides = array<i32>} : memref<17x128xf32, #tpu.memory_space<vmem>>, vector<16xf32>,
      %mul3A_1218 = vector.broadcast %squeeze3A_313 : f32 to vector<16xf32>
      %mul3A_1219 = arith.mulf %mul3A_1218, %get3A_1217 : vector<16xf32>
      %add3A_1220 = arith.addf %add3A_1213, %mul3A_1219 : vector<16xf32>
      %get3A_1221 = arith.constant 8 : i32
      %get3A_1222 = arith.index_cast %get3A_1221 : i32 to index
      %get3A_1223 = arith.constant 112 : index
      %get3A_1224 = tpu.vector_load %arg9[%get3A_1222, %get3A_1223] {strides = array<i32>} : memref<17x128xf32, #tpu.memory_space<vmem>>, vector<16xf32>,
      %mul3A_1225 = vector.broadcast %squeeze3A_315 : f32 to vector<16xf32>
      %mul3A_1226 = arith.mulf %mul3A_1225, %get3A_1224 : vector<16xf32>
      %add3A_1227 = arith.addf %add3A_1220, %mul3A_1226 : vector<16xf32>
      %get3A_1228 = arith.constant 9 : i32
      %get3A_1229 = arith.index_cast %get3A_1228 : i32 to index
      %get3A_1230 = arith.constant 112 : index
      %get3A_1231 = tpu.vector_load %arg9[%get3A_1229, %get3A_1230] {strides = array<i32>} : memref<17x128xf32, #tpu.memory_space<vmem>>, vector<16xf32>,
      %mul3A_1232 = vector.broadcast %squeeze3A_317 : f32 to vector<16xf32>
      %mul3A_1233 = arith.mulf %mul3A_1232, %get3A_1231 : vector<16xf32>
      %add3A_1234 = arith.addf %add3A_1227, %mul3A_1233 : vector<16xf32>
      %get3A_1235 = arith.constant 10 : i32
      %get3A_1236 = arith.index_cast %get3A_1235 : i32 to index
      %get3A_1237 = arith.constant 112 : index
      %get3A_1238 = tpu.vector_load %arg9[%get3A_1236, %get3A_1237] {strides = array<i32>} : memref<17x128xf32, #tpu.memory_space<vmem>>, vector<16xf32>,
      %mul3A_1239 = vector.broadcast %squeeze3A_319 : f32 to vector<16xf32>
      %mul3A_1240 = arith.mulf %mul3A_1239, %get3A_1238 : vector<16xf32>
      %add3A_1241 = arith.addf %add3A_1234, %mul3A_1240 : vector<16xf32>
      %get3A_1242 = arith.constant 11 : i32
      %get3A_1243 = arith.index_cast %get3A_1242 : i32 to index
      %get3A_1244 = arith.constant 112 : index
      %get3A_1245 = tpu.vector_load %arg9[%get3A_1243, %get3A_1244] {strides = array<i32>} : memref<17x128xf32, #tpu.memory_space<vmem>>, vector<16xf32>,
      %mul3A_1246 = vector.broadcast %squeeze3A_321 : f32 to vector<16xf32>
      %mul3A_1247 = arith.mulf %mul3A_1246, %get3A_1245 : vector<16xf32>
      %add3A_1248 = arith.addf %add3A_1241, %mul3A_1247 : vector<16xf32>
      %get3A_1249 = arith.constant 12 : i32
      %get3A_1250 = arith.index_cast %get3A_1249 : i32 to index
      %get3A_1251 = arith.constant 112 : index
      %get3A_1252 = tpu.vector_load %arg9[%get3A_1250, %get3A_1251] {strides = array<i32>} : memref<17x128xf32, #tpu.memory_space<vmem>>, vector<16xf32>,
      %mul3A_1253 = vector.broadcast %squeeze3A_323 : f32 to vector<16xf32>
      %mul3A_1254 = arith.mulf %mul3A_1253, %get3A_1252 : vector<16xf32>
      %add3A_1255 = arith.addf %add3A_1248, %mul3A_1254 : vector<16xf32>
      %get3A_1256 = arith.constant 13 : i32
      %get3A_1257 = arith.index_cast %get3A_1256 : i32 to index
      %get3A_1258 = arith.constant 112 : index
      %get3A_1259 = tpu.vector_load %arg9[%get3A_1257, %get3A_1258] {strides = array<i32>} : memref<17x128xf32, #tpu.memory_space<vmem>>, vector<16xf32>,
      %mul3A_1260 = vector.broadcast %squeeze3A_325 : f32 to vector<16xf32>
      %mul3A_1261 = arith.mulf %mul3A_1260, %get3A_1259 : vector<16xf32>
      %add3A_1262 = arith.addf %add3A_1255, %mul3A_1261 : vector<16xf32>
      %get3A_1263 = arith.constant 14 : i32
      %get3A_1264 = arith.index_cast %get3A_1263 : i32 to index
      %get3A_1265 = arith.constant 112 : index
      %get3A_1266 = tpu.vector_load %arg9[%get3A_1264, %get3A_1265] {strides = array<i32>} : memref<17x128xf32, #tpu.memory_space<vmem>>, vector<16xf32>,
      %mul3A_1267 = vector.broadcast %squeeze3A_327 : f32 to vector<16xf32>
      %mul3A_1268 = arith.mulf %mul3A_1267, %get3A_1266 : vector<16xf32>
      %add3A_1269 = arith.addf %add3A_1262, %mul3A_1268 : vector<16xf32>
      %get3A_1270 = arith.constant 15 : i32
      %get3A_1271 = arith.index_cast %get3A_1270 : i32 to index
      %get3A_1272 = arith.constant 112 : index
      %get3A_1273 = tpu.vector_load %arg9[%get3A_1271, %get3A_1272] {strides = array<i32>} : memref<17x128xf32, #tpu.memory_space<vmem>>, vector<16xf32>,
      %mul3A_1274 = vector.broadcast %squeeze3A_329 : f32 to vector<16xf32>
      %mul3A_1275 = arith.mulf %mul3A_1274, %get3A_1273 : vector<16xf32>
      %add3A_1276 = arith.addf %add3A_1269, %mul3A_1275 : vector<16xf32>
      %get3A_1277 = arith.constant 16 : i32
      %get3A_1278 = arith.index_cast %get3A_1277 : i32 to index
      %get3A_1279 = arith.constant 112 : index
      %get3A_1280 = tpu.vector_load %arg9[%get3A_1278, %get3A_1279] {strides = array<i32>} : memref<17x128xf32, #tpu.memory_space<vmem>>, vector<16xf32>,
      %mul3A_1281 = vector.broadcast %squeeze3A_331 : f32 to vector<16xf32>
      %mul3A_1282 = arith.mulf %mul3A_1281, %get3A_1280 : vector<16xf32>
      %add3A_1283 = arith.addf %add3A_1276, %mul3A_1282 : vector<16xf32>
      tpu.wait_dma2 semaphore(%arg14 : memref<!tpu.dma_semaphore, #tpu.memory_space<semaphore_mem>>) src(%arg4 : memref<128x128xf32, #tpu.memory_space<hbm>>) dst(%arg10 : memref<128x128xf32, #tpu.memory_space<vmem>>)
      %mul3A_1284 = arith.constant 16 : i32
      %mul3A_1285 = arith.muli %arg1, %mul3A_1284 : i32
      %slice3A_1286 = vector.extract_strided_slice %add3A_450 {offsets = [0], sizes = [1], strides = [1]} : vector<16xf32> to vector<1xf32>
      %squeeze3A_1287 = vector.extract %slice3A_1286[0] : f32 from vector<1xf32>
      %get3A_1288 = arith.constant 0 : i32
      %get3A_1289 = arith.index_cast %get3A_1288 : i32 to index
      %get3A_1290 = arith.index_cast %mul3A_1285 : i32 to index
      %get3A_1291 = tpu.vector_load %arg10[%get3A_1289, %get3A_1290] {strides = array<i32>} : memref<128x128xf32, #tpu.memory_space<vmem>>, vector<16xf32>,
      %mul3A_1292 = vector.broadcast %squeeze3A_1287 : f32 to vector<16xf32>
      %mul3A_1293 = arith.mulf %mul3A_1292, %get3A_1291 : vector<16xf32>
      %add3A_1294 = arith.addf %broadcast_in_dim3A_1, %mul3A_1293 : vector<16xf32>
      %slice3A_1295 = vector.extract_strided_slice %add3A_450 {offsets = [1], sizes = [1], strides = [1]} : vector<16xf32> to vector<1xf32>
      %squeeze3A_1296 = vector.extract %slice3A_1295[0] : f32 from vector<1xf32>
      %get3A_1297 = arith.constant 1 : i32
      %get3A_1298 = arith.index_cast %get3A_1297 : i32 to index
      %get3A_1299 = arith.index_cast %mul3A_1285 : i32 to index
      %get3A_1300 = tpu.vector_load %arg10[%get3A_1298, %get3A_1299] {strides = array<i32>} : memref<128x128xf32, #tpu.memory_space<vmem>>, vector<16xf32>,
      %mul3A_1301 = vector.broadcast %squeeze3A_1296 : f32 to vector<16xf32>
      %mul3A_1302 = arith.mulf %mul3A_1301, %get3A_1300 : vector<16xf32>
      %add3A_1303 = arith.addf %add3A_1294, %mul3A_1302 : vector<16xf32>
      %slice3A_1304 = vector.extract_strided_slice %add3A_450 {offsets = [2], sizes = [1], strides = [1]} : vector<16xf32> to vector<1xf32>
      %squeeze3A_1305 = vector.extract %slice3A_1304[0] : f32 from vector<1xf32>
      %get3A_1306 = arith.constant 2 : i32
      %get3A_1307 = arith.index_cast %get3A_1306 : i32 to index
      %get3A_1308 = arith.index_cast %mul3A_1285 : i32 to index
      %get3A_1309 = tpu.vector_load %arg10[%get3A_1307, %get3A_1308] {strides = array<i32>} : memref<128x128xf32, #tpu.memory_space<vmem>>, vector<16xf32>,
      %mul3A_1310 = vector.broadcast %squeeze3A_1305 : f32 to vector<16xf32>
      %mul3A_1311 = arith.mulf %mul3A_1310, %get3A_1309 : vector<16xf32>
      %add3A_1312 = arith.addf %add3A_1303, %mul3A_1311 : vector<16xf32>
      %slice3A_1313 = vector.extract_strided_slice %add3A_450 {offsets = [3], sizes = [1], strides = [1]} : vector<16xf32> to vector<1xf32>
      %squeeze3A_1314 = vector.extract %slice3A_1313[0] : f32 from vector<1xf32>
      %get3A_1315 = arith.constant 3 : i32
      %get3A_1316 = arith.index_cast %get3A_1315 : i32 to index
      %get3A_1317 = arith.index_cast %mul3A_1285 : i32 to index
      %get3A_1318 = tpu.vector_load %arg10[%get3A_1316, %get3A_1317] {strides = array<i32>} : memref<128x128xf32, #tpu.memory_space<vmem>>, vector<16xf32>,
      %mul3A_1319 = vector.broadcast %squeeze3A_1314 : f32 to vector<16xf32>
      %mul3A_1320 = arith.mulf %mul3A_1319, %get3A_1318 : vector<16xf32>
      %add3A_1321 = arith.addf %add3A_1312, %mul3A_1320 : vector<16xf32>
      %slice3A_1322 = vector.extract_strided_slice %add3A_450 {offsets = [4], sizes = [1], strides = [1]} : vector<16xf32> to vector<1xf32>
      %squeeze3A_1323 = vector.extract %slice3A_1322[0] : f32 from vector<1xf32>
      %get3A_1324 = arith.constant 4 : i32
      %get3A_1325 = arith.index_cast %get3A_1324 : i32 to index
      %get3A_1326 = arith.index_cast %mul3A_1285 : i32 to index
      %get3A_1327 = tpu.vector_load %arg10[%get3A_1325, %get3A_1326] {strides = array<i32>} : memref<128x128xf32, #tpu.memory_space<vmem>>, vector<16xf32>,
      %mul3A_1328 = vector.broadcast %squeeze3A_1323 : f32 to vector<16xf32>
      %mul3A_1329 = arith.mulf %mul3A_1328, %get3A_1327 : vector<16xf32>
      %add3A_1330 = arith.addf %add3A_1321, %mul3A_1329 : vector<16xf32>
      %slice3A_1331 = vector.extract_strided_slice %add3A_450 {offsets = [5], sizes = [1], strides = [1]} : vector<16xf32> to vector<1xf32>
      %squeeze3A_1332 = vector.extract %slice3A_1331[0] : f32 from vector<1xf32>
      %get3A_1333 = arith.constant 5 : i32
      %get3A_1334 = arith.index_cast %get3A_1333 : i32 to index
      %get3A_1335 = arith.index_cast %mul3A_1285 : i32 to index
      %get3A_1336 = tpu.vector_load %arg10[%get3A_1334, %get3A_1335] {strides = array<i32>} : memref<128x128xf32, #tpu.memory_space<vmem>>, vector<16xf32>,
      %mul3A_1337 = vector.broadcast %squeeze3A_1332 : f32 to vector<16xf32>
      %mul3A_1338 = arith.mulf %mul3A_1337, %get3A_1336 : vector<16xf32>
      %add3A_1339 = arith.addf %add3A_1330, %mul3A_1338 : vector<16xf32>
      %slice3A_1340 = vector.extract_strided_slice %add3A_450 {offsets = [6], sizes = [1], strides = [1]} : vector<16xf32> to vector<1xf32>
      %squeeze3A_1341 = vector.extract %slice3A_1340[0] : f32 from vector<1xf32>
      %get3A_1342 = arith.constant 6 : i32
      %get3A_1343 = arith.index_cast %get3A_1342 : i32 to index
      %get3A_1344 = arith.index_cast %mul3A_1285 : i32 to index
      %get3A_1345 = tpu.vector_load %arg10[%get3A_1343, %get3A_1344] {strides = array<i32>} : memref<128x128xf32, #tpu.memory_space<vmem>>, vector<16xf32>,
      %mul3A_1346 = vector.broadcast %squeeze3A_1341 : f32 to vector<16xf32>
      %mul3A_1347 = arith.mulf %mul3A_1346, %get3A_1345 : vector<16xf32>
      %add3A_1348 = arith.addf %add3A_1339, %mul3A_1347 : vector<16xf32>
      %slice3A_1349 = vector.extract_strided_slice %add3A_450 {offsets = [7], sizes = [1], strides = [1]} : vector<16xf32> to vector<1xf32>
      %squeeze3A_1350 = vector.extract %slice3A_1349[0] : f32 from vector<1xf32>
      %get3A_1351 = arith.constant 7 : i32
      %get3A_1352 = arith.index_cast %get3A_1351 : i32 to index
      %get3A_1353 = arith.index_cast %mul3A_1285 : i32 to index
      %get3A_1354 = tpu.vector_load %arg10[%get3A_1352, %get3A_1353] {strides = array<i32>} : memref<128x128xf32, #tpu.memory_space<vmem>>, vector<16xf32>,
      %mul3A_1355 = vector.broadcast %squeeze3A_1350 : f32 to vector<16xf32>
      %mul3A_1356 = arith.mulf %mul3A_1355, %get3A_1354 : vector<16xf32>
      %add3A_1357 = arith.addf %add3A_1348, %mul3A_1356 : vector<16xf32>
      %slice3A_1358 = vector.extract_strided_slice %add3A_450 {offsets = [8], sizes = [1], strides = [1]} : vector<16xf32> to vector<1xf32>
      %squeeze3A_1359 = vector.extract %slice3A_1358[0] : f32 from vector<1xf32>
      %get3A_1360 = arith.constant 8 : i32
      %get3A_1361 = arith.index_cast %get3A_1360 : i32 to index
      %get3A_1362 = arith.index_cast %mul3A_1285 : i32 to index
      %get3A_1363 = tpu.vector_load %arg10[%get3A_1361, %get3A_1362] {strides = array<i32>} : memref<128x128xf32, #tpu.memory_space<vmem>>, vector<16xf32>,
      %mul3A_1364 = vector.broadcast %squeeze3A_1359 : f32 to vector<16xf32>
      %mul3A_1365 = arith.mulf %mul3A_1364, %get3A_1363 : vector<16xf32>
      %add3A_1366 = arith.addf %add3A_1357, %mul3A_1365 : vector<16xf32>
      %slice3A_1367 = vector.extract_strided_slice %add3A_450 {offsets = [9], sizes = [1], strides = [1]} : vector<16xf32> to vector<1xf32>
      %squeeze3A_1368 = vector.extract %slice3A_1367[0] : f32 from vector<1xf32>
      %get3A_1369 = arith.constant 9 : i32
      %get3A_1370 = arith.index_cast %get3A_1369 : i32 to index
      %get3A_1371 = arith.index_cast %mul3A_1285 : i32 to index
      %get3A_1372 = tpu.vector_load %arg10[%get3A_1370, %get3A_1371] {strides = array<i32>} : memref<128x128xf32, #tpu.memory_space<vmem>>, vector<16xf32>,
      %mul3A_1373 = vector.broadcast %squeeze3A_1368 : f32 to vector<16xf32>
      %mul3A_1374 = arith.mulf %mul3A_1373, %get3A_1372 : vector<16xf32>
      %add3A_1375 = arith.addf %add3A_1366, %mul3A_1374 : vector<16xf32>
      %slice3A_1376 = vector.extract_strided_slice %add3A_450 {offsets = [10], sizes = [1], strides = [1]} : vector<16xf32> to vector<1xf32>
      %squeeze3A_1377 = vector.extract %slice3A_1376[0] : f32 from vector<1xf32>
      %get3A_1378 = arith.constant 10 : i32
      %get3A_1379 = arith.index_cast %get3A_1378 : i32 to index
      %get3A_1380 = arith.index_cast %mul3A_1285 : i32 to index
      %get3A_1381 = tpu.vector_load %arg10[%get3A_1379, %get3A_1380] {strides = array<i32>} : memref<128x128xf32, #tpu.memory_space<vmem>>, vector<16xf32>,
      %mul3A_1382 = vector.broadcast %squeeze3A_1377 : f32 to vector<16xf32>
      %mul3A_1383 = arith.mulf %mul3A_1382, %get3A_1381 : vector<16xf32>
      %add3A_1384 = arith.addf %add3A_1375, %mul3A_1383 : vector<16xf32>
      %slice3A_1385 = vector.extract_strided_slice %add3A_450 {offsets = [11], sizes = [1], strides = [1]} : vector<16xf32> to vector<1xf32>
      %squeeze3A_1386 = vector.extract %slice3A_1385[0] : f32 from vector<1xf32>
      %get3A_1387 = arith.constant 11 : i32
      %get3A_1388 = arith.index_cast %get3A_1387 : i32 to index
      %get3A_1389 = arith.index_cast %mul3A_1285 : i32 to index
      %get3A_1390 = tpu.vector_load %arg10[%get3A_1388, %get3A_1389] {strides = array<i32>} : memref<128x128xf32, #tpu.memory_space<vmem>>, vector<16xf32>,
      %mul3A_1391 = vector.broadcast %squeeze3A_1386 : f32 to vector<16xf32>
      %mul3A_1392 = arith.mulf %mul3A_1391, %get3A_1390 : vector<16xf32>
      %add3A_1393 = arith.addf %add3A_1384, %mul3A_1392 : vector<16xf32>
      %slice3A_1394 = vector.extract_strided_slice %add3A_450 {offsets = [12], sizes = [1], strides = [1]} : vector<16xf32> to vector<1xf32>
      %squeeze3A_1395 = vector.extract %slice3A_1394[0] : f32 from vector<1xf32>
      %get3A_1396 = arith.constant 12 : i32
      %get3A_1397 = arith.index_cast %get3A_1396 : i32 to index
      %get3A_1398 = arith.index_cast %mul3A_1285 : i32 to index
      %get3A_1399 = tpu.vector_load %arg10[%get3A_1397, %get3A_1398] {strides = array<i32>} : memref<128x128xf32, #tpu.memory_space<vmem>>, vector<16xf32>,
      %mul3A_1400 = vector.broadcast %squeeze3A_1395 : f32 to vector<16xf32>
      %mul3A_1401 = arith.mulf %mul3A_1400, %get3A_1399 : vector<16xf32>
      %add3A_1402 = arith.addf %add3A_1393, %mul3A_1401 : vector<16xf32>
      %slice3A_1403 = vector.extract_strided_slice %add3A_450 {offsets = [13], sizes = [1], strides = [1]} : vector<16xf32> to vector<1xf32>
      %squeeze3A_1404 = vector.extract %slice3A_1403[0] : f32 from vector<1xf32>
      %get3A_1405 = arith.constant 13 : i32
      %get3A_1406 = arith.index_cast %get3A_1405 : i32 to index
      %get3A_1407 = arith.index_cast %mul3A_1285 : i32 to index
      %get3A_1408 = tpu.vector_load %arg10[%get3A_1406, %get3A_1407] {strides = array<i32>} : memref<128x128xf32, #tpu.memory_space<vmem>>, vector<16xf32>,
      %mul3A_1409 = vector.broadcast %squeeze3A_1404 : f32 to vector<16xf32>
      %mul3A_1410 = arith.mulf %mul3A_1409, %get3A_1408 : vector<16xf32>
      %add3A_1411 = arith.addf %add3A_1402, %mul3A_1410 : vector<16xf32>
      %slice3A_1412 = vector.extract_strided_slice %add3A_450 {offsets = [14], sizes = [1], strides = [1]} : vector<16xf32> to vector<1xf32>
      %squeeze3A_1413 = vector.extract %slice3A_1412[0] : f32 from vector<1xf32>
      %get3A_1414 = arith.constant 14 : i32
      %get3A_1415 = arith.index_cast %get3A_1414 : i32 to index
      %get3A_1416 = arith.index_cast %mul3A_1285 : i32 to index
      %get3A_1417 = tpu.vector_load %arg10[%get3A_1415, %get3A_1416] {strides = array<i32>} : memref<128x128xf32, #tpu.memory_space<vmem>>, vector<16xf32>,
      %mul3A_1418 = vector.broadcast %squeeze3A_1413 : f32 to vector<16xf32>
      %mul3A_1419 = arith.mulf %mul3A_1418, %get3A_1417 : vector<16xf32>
      %add3A_1420 = arith.addf %add3A_1411, %mul3A_1419 : vector<16xf32>
      %slice3A_1421 = vector.extract_strided_slice %add3A_450 {offsets = [15], sizes = [1], strides = [1]} : vector<16xf32> to vector<1xf32>
      %squeeze3A_1422 = vector.extract %slice3A_1421[0] : f32 from vector<1xf32>
      %get3A_1423 = arith.constant 15 : i32
      %get3A_1424 = arith.index_cast %get3A_1423 : i32 to index
      %get3A_1425 = arith.index_cast %mul3A_1285 : i32 to index
      %get3A_1426 = tpu.vector_load %arg10[%get3A_1424, %get3A_1425] {strides = array<i32>} : memref<128x128xf32, #tpu.memory_space<vmem>>, vector<16xf32>,
      %mul3A_1427 = vector.broadcast %squeeze3A_1422 : f32 to vector<16xf32>
      %mul3A_1428 = arith.mulf %mul3A_1427, %get3A_1426 : vector<16xf32>
      %add3A_1429 = arith.addf %add3A_1420, %mul3A_1428 : vector<16xf32>
      %slice3A_1430 = vector.extract_strided_slice %add3A_569 {offsets = [0], sizes = [1], strides = [1]} : vector<16xf32> to vector<1xf32>
      %squeeze3A_1431 = vector.extract %slice3A_1430[0] : f32 from vector<1xf32>
      %get3A_1432 = arith.constant 16 : i32
      %get3A_1433 = arith.index_cast %get3A_1432 : i32 to index
      %get3A_1434 = arith.index_cast %mul3A_1285 : i32 to index
      %get3A_1435 = tpu.vector_load %arg10[%get3A_1433, %get3A_1434] {strides = array<i32>} : memref<128x128xf32, #tpu.memory_space<vmem>>, vector<16xf32>,
      %mul3A_1436 = vector.broadcast %squeeze3A_1431 : f32 to vector<16xf32>
      %mul3A_1437 = arith.mulf %mul3A_1436, %get3A_1435 : vector<16xf32>
      %add3A_1438 = arith.addf %add3A_1429, %mul3A_1437 : vector<16xf32>
      %slice3A_1439 = vector.extract_strided_slice %add3A_569 {offsets = [1], sizes = [1], strides = [1]} : vector<16xf32> to vector<1xf32>
      %squeeze3A_1440 = vector.extract %slice3A_1439[0] : f32 from vector<1xf32>
      %get3A_1441 = arith.constant 17 : i32
      %get3A_1442 = arith.index_cast %get3A_1441 : i32 to index
      %get3A_1443 = arith.index_cast %mul3A_1285 : i32 to index
      %get3A_1444 = tpu.vector_load %arg10[%get3A_1442, %get3A_1443] {strides = array<i32>} : memref<128x128xf32, #tpu.memory_space<vmem>>, vector<16xf32>,
      %mul3A_1445 = vector.broadcast %squeeze3A_1440 : f32 to vector<16xf32>
      %mul3A_1446 = arith.mulf %mul3A_1445, %get3A_1444 : vector<16xf32>
      %add3A_1447 = arith.addf %add3A_1438, %mul3A_1446 : vector<16xf32>
      %slice3A_1448 = vector.extract_strided_slice %add3A_569 {offsets = [2], sizes = [1], strides = [1]} : vector<16xf32> to vector<1xf32>
      %squeeze3A_1449 = vector.extract %slice3A_1448[0] : f32 from vector<1xf32>
      %get3A_1450 = arith.constant 18 : i32
      %get3A_1451 = arith.index_cast %get3A_1450 : i32 to index
      %get3A_1452 = arith.index_cast %mul3A_1285 : i32 to index
      %get3A_1453 = tpu.vector_load %arg10[%get3A_1451, %get3A_1452] {strides = array<i32>} : memref<128x128xf32, #tpu.memory_space<vmem>>, vector<16xf32>,
      %mul3A_1454 = vector.broadcast %squeeze3A_1449 : f32 to vector<16xf32>
      %mul3A_1455 = arith.mulf %mul3A_1454, %get3A_1453 : vector<16xf32>
      %add3A_1456 = arith.addf %add3A_1447, %mul3A_1455 : vector<16xf32>
      %slice3A_1457 = vector.extract_strided_slice %add3A_569 {offsets = [3], sizes = [1], strides = [1]} : vector<16xf32> to vector<1xf32>
      %squeeze3A_1458 = vector.extract %slice3A_1457[0] : f32 from vector<1xf32>
      %get3A_1459 = arith.constant 19 : i32
      %get3A_1460 = arith.index_cast %get3A_1459 : i32 to index
      %get3A_1461 = arith.index_cast %mul3A_1285 : i32 to index
      %get3A_1462 = tpu.vector_load %arg10[%get3A_1460, %get3A_1461] {strides = array<i32>} : memref<128x128xf32, #tpu.memory_space<vmem>>, vector<16xf32>,
      %mul3A_1463 = vector.broadcast %squeeze3A_1458 : f32 to vector<16xf32>
      %mul3A_1464 = arith.mulf %mul3A_1463, %get3A_1462 : vector<16xf32>
      %add3A_1465 = arith.addf %add3A_1456, %mul3A_1464 : vector<16xf32>
      %slice3A_1466 = vector.extract_strided_slice %add3A_569 {offsets = [4], sizes = [1], strides = [1]} : vector<16xf32> to vector<1xf32>
      %squeeze3A_1467 = vector.extract %slice3A_1466[0] : f32 from vector<1xf32>
      %get3A_1468 = arith.constant 20 : i32
      %get3A_1469 = arith.index_cast %get3A_1468 : i32 to index
      %get3A_1470 = arith.index_cast %mul3A_1285 : i32 to index
      %get3A_1471 = tpu.vector_load %arg10[%get3A_1469, %get3A_1470] {strides = array<i32>} : memref<128x128xf32, #tpu.memory_space<vmem>>, vector<16xf32>,
      %mul3A_1472 = vector.broadcast %squeeze3A_1467 : f32 to vector<16xf32>
      %mul3A_1473 = arith.mulf %mul3A_1472, %get3A_1471 : vector<16xf32>
      %add3A_1474 = arith.addf %add3A_1465, %mul3A_1473 : vector<16xf32>
      %slice3A_1475 = vector.extract_strided_slice %add3A_569 {offsets = [5], sizes = [1], strides = [1]} : vector<16xf32> to vector<1xf32>
      %squeeze3A_1476 = vector.extract %slice3A_1475[0] : f32 from vector<1xf32>
      %get3A_1477 = arith.constant 21 : i32
      %get3A_1478 = arith.index_cast %get3A_1477 : i32 to index
      %get3A_1479 = arith.index_cast %mul3A_1285 : i32 to index
      %get3A_1480 = tpu.vector_load %arg10[%get3A_1478, %get3A_1479] {strides = array<i32>} : memref<128x128xf32, #tpu.memory_space<vmem>>, vector<16xf32>,
      %mul3A_1481 = vector.broadcast %squeeze3A_1476 : f32 to vector<16xf32>
      %mul3A_1482 = arith.mulf %mul3A_1481, %get3A_1480 : vector<16xf32>
      %add3A_1483 = arith.addf %add3A_1474, %mul3A_1482 : vector<16xf32>
      %slice3A_1484 = vector.extract_strided_slice %add3A_569 {offsets = [6], sizes = [1], strides = [1]} : vector<16xf32> to vector<1xf32>
      %squeeze3A_1485 = vector.extract %slice3A_1484[0] : f32 from vector<1xf32>
      %get3A_1486 = arith.constant 22 : i32
      %get3A_1487 = arith.index_cast %get3A_1486 : i32 to index
      %get3A_1488 = arith.index_cast %mul3A_1285 : i32 to index
      %get3A_1489 = tpu.vector_load %arg10[%get3A_1487, %get3A_1488] {strides = array<i32>} : memref<128x128xf32, #tpu.memory_space<vmem>>, vector<16xf32>,
      %mul3A_1490 = vector.broadcast %squeeze3A_1485 : f32 to vector<16xf32>
      %mul3A_1491 = arith.mulf %mul3A_1490, %get3A_1489 : vector<16xf32>
      %add3A_1492 = arith.addf %add3A_1483, %mul3A_1491 : vector<16xf32>
      %slice3A_1493 = vector.extract_strided_slice %add3A_569 {offsets = [7], sizes = [1], strides = [1]} : vector<16xf32> to vector<1xf32>
      %squeeze3A_1494 = vector.extract %slice3A_1493[0] : f32 from vector<1xf32>
      %get3A_1495 = arith.constant 23 : i32
      %get3A_1496 = arith.index_cast %get3A_1495 : i32 to index
      %get3A_1497 = arith.index_cast %mul3A_1285 : i32 to index
      %get3A_1498 = tpu.vector_load %arg10[%get3A_1496, %get3A_1497] {strides = array<i32>} : memref<128x128xf32, #tpu.memory_space<vmem>>, vector<16xf32>,
      %mul3A_1499 = vector.broadcast %squeeze3A_1494 : f32 to vector<16xf32>
      %mul3A_1500 = arith.mulf %mul3A_1499, %get3A_1498 : vector<16xf32>
      %add3A_1501 = arith.addf %add3A_1492, %mul3A_1500 : vector<16xf32>
      %slice3A_1502 = vector.extract_strided_slice %add3A_569 {offsets = [8], sizes = [1], strides = [1]} : vector<16xf32> to vector<1xf32>
      %squeeze3A_1503 = vector.extract %slice3A_1502[0] : f32 from vector<1xf32>
      %get3A_1504 = arith.constant 24 : i32
      %get3A_1505 = arith.index_cast %get3A_1504 : i32 to index
      %get3A_1506 = arith.index_cast %mul3A_1285 : i32 to index
      %get3A_1507 = tpu.vector_load %arg10[%get3A_1505, %get3A_1506] {strides = array<i32>} : memref<128x128xf32, #tpu.memory_space<vmem>>, vector<16xf32>,
      %mul3A_1508 = vector.broadcast %squeeze3A_1503 : f32 to vector<16xf32>
      %mul3A_1509 = arith.mulf %mul3A_1508, %get3A_1507 : vector<16xf32>
      %add3A_1510 = arith.addf %add3A_1501, %mul3A_1509 : vector<16xf32>
      %slice3A_1511 = vector.extract_strided_slice %add3A_569 {offsets = [9], sizes = [1], strides = [1]} : vector<16xf32> to vector<1xf32>
      %squeeze3A_1512 = vector.extract %slice3A_1511[0] : f32 from vector<1xf32>
      %get3A_1513 = arith.constant 25 : i32
      %get3A_1514 = arith.index_cast %get3A_1513 : i32 to index
      %get3A_1515 = arith.index_cast %mul3A_1285 : i32 to index
      %get3A_1516 = tpu.vector_load %arg10[%get3A_1514, %get3A_1515] {strides = array<i32>} : memref<128x128xf32, #tpu.memory_space<vmem>>, vector<16xf32>,
      %mul3A_1517 = vector.broadcast %squeeze3A_1512 : f32 to vector<16xf32>
      %mul3A_1518 = arith.mulf %mul3A_1517, %get3A_1516 : vector<16xf32>
      %add3A_1519 = arith.addf %add3A_1510, %mul3A_1518 : vector<16xf32>
      %slice3A_1520 = vector.extract_strided_slice %add3A_569 {offsets = [10], sizes = [1], strides = [1]} : vector<16xf32> to vector<1xf32>
      %squeeze3A_1521 = vector.extract %slice3A_1520[0] : f32 from vector<1xf32>
      %get3A_1522 = arith.constant 26 : i32
      %get3A_1523 = arith.index_cast %get3A_1522 : i32 to index
      %get3A_1524 = arith.index_cast %mul3A_1285 : i32 to index
      %get3A_1525 = tpu.vector_load %arg10[%get3A_1523, %get3A_1524] {strides = array<i32>} : memref<128x128xf32, #tpu.memory_space<vmem>>, vector<16xf32>,
      %mul3A_1526 = vector.broadcast %squeeze3A_1521 : f32 to vector<16xf32>
      %mul3A_1527 = arith.mulf %mul3A_1526, %get3A_1525 : vector<16xf32>
      %add3A_1528 = arith.addf %add3A_1519, %mul3A_1527 : vector<16xf32>
      %slice3A_1529 = vector.extract_strided_slice %add3A_569 {offsets = [11], sizes = [1], strides = [1]} : vector<16xf32> to vector<1xf32>
      %squeeze3A_1530 = vector.extract %slice3A_1529[0] : f32 from vector<1xf32>
      %get3A_1531 = arith.constant 27 : i32
      %get3A_1532 = arith.index_cast %get3A_1531 : i32 to index
      %get3A_1533 = arith.index_cast %mul3A_1285 : i32 to index
      %get3A_1534 = tpu.vector_load %arg10[%get3A_1532, %get3A_1533] {strides = array<i32>} : memref<128x128xf32, #tpu.memory_space<vmem>>, vector<16xf32>,
      %mul3A_1535 = vector.broadcast %squeeze3A_1530 : f32 to vector<16xf32>
      %mul3A_1536 = arith.mulf %mul3A_1535, %get3A_1534 : vector<16xf32>
      %add3A_1537 = arith.addf %add3A_1528, %mul3A_1536 : vector<16xf32>
      %slice3A_1538 = vector.extract_strided_slice %add3A_569 {offsets = [12], sizes = [1], strides = [1]} : vector<16xf32> to vector<1xf32>
      %squeeze3A_1539 = vector.extract %slice3A_1538[0] : f32 from vector<1xf32>
      %get3A_1540 = arith.constant 28 : i32
      %get3A_1541 = arith.index_cast %get3A_1540 : i32 to index
      %get3A_1542 = arith.index_cast %mul3A_1285 : i32 to index
      %get3A_1543 = tpu.vector_load %arg10[%get3A_1541, %get3A_1542] {strides = array<i32>} : memref<128x128xf32, #tpu.memory_space<vmem>>, vector<16xf32>,
      %mul3A_1544 = vector.broadcast %squeeze3A_1539 : f32 to vector<16xf32>
      %mul3A_1545 = arith.mulf %mul3A_1544, %get3A_1543 : vector<16xf32>
      %add3A_1546 = arith.addf %add3A_1537, %mul3A_1545 : vector<16xf32>
      %slice3A_1547 = vector.extract_strided_slice %add3A_569 {offsets = [13], sizes = [1], strides = [1]} : vector<16xf32> to vector<1xf32>
      %squeeze3A_1548 = vector.extract %slice3A_1547[0] : f32 from vector<1xf32>
      %get3A_1549 = arith.constant 29 : i32
      %get3A_1550 = arith.index_cast %get3A_1549 : i32 to index
      %get3A_1551 = arith.index_cast %mul3A_1285 : i32 to index
      %get3A_1552 = tpu.vector_load %arg10[%get3A_1550, %get3A_1551] {strides = array<i32>} : memref<128x128xf32, #tpu.memory_space<vmem>>, vector<16xf32>,
      %mul3A_1553 = vector.broadcast %squeeze3A_1548 : f32 to vector<16xf32>
      %mul3A_1554 = arith.mulf %mul3A_1553, %get3A_1552 : vector<16xf32>
      %add3A_1555 = arith.addf %add3A_1546, %mul3A_1554 : vector<16xf32>
      %slice3A_1556 = vector.extract_strided_slice %add3A_569 {offsets = [14], sizes = [1], strides = [1]} : vector<16xf32> to vector<1xf32>
      %squeeze3A_1557 = vector.extract %slice3A_1556[0] : f32 from vector<1xf32>
      %get3A_1558 = arith.constant 30 : i32
      %get3A_1559 = arith.index_cast %get3A_1558 : i32 to index
      %get3A_1560 = arith.index_cast %mul3A_1285 : i32 to index
      %get3A_1561 = tpu.vector_load %arg10[%get3A_1559, %get3A_1560] {strides = array<i32>} : memref<128x128xf32, #tpu.memory_space<vmem>>, vector<16xf32>,
      %mul3A_1562 = vector.broadcast %squeeze3A_1557 : f32 to vector<16xf32>
      %mul3A_1563 = arith.mulf %mul3A_1562, %get3A_1561 : vector<16xf32>
      %add3A_1564 = arith.addf %add3A_1555, %mul3A_1563 : vector<16xf32>
      %slice3A_1565 = vector.extract_strided_slice %add3A_569 {offsets = [15], sizes = [1], strides = [1]} : vector<16xf32> to vector<1xf32>
      %squeeze3A_1566 = vector.extract %slice3A_1565[0] : f32 from vector<1xf32>
      %get3A_1567 = arith.constant 31 : i32
      %get3A_1568 = arith.index_cast %get3A_1567 : i32 to index
      %get3A_1569 = arith.index_cast %mul3A_1285 : i32 to index
      %get3A_1570 = tpu.vector_load %arg10[%get3A_1568, %get3A_1569] {strides = array<i32>} : memref<128x128xf32, #tpu.memory_space<vmem>>, vector<16xf32>,
      %mul3A_1571 = vector.broadcast %squeeze3A_1566 : f32 to vector<16xf32>
      %mul3A_1572 = arith.mulf %mul3A_1571, %get3A_1570 : vector<16xf32>
      %add3A_1573 = arith.addf %add3A_1564, %mul3A_1572 : vector<16xf32>
      %slice3A_1574 = vector.extract_strided_slice %add3A_688 {offsets = [0], sizes = [1], strides = [1]} : vector<16xf32> to vector<1xf32>
      %squeeze3A_1575 = vector.extract %slice3A_1574[0] : f32 from vector<1xf32>
      %get3A_1576 = arith.constant 32 : i32
      %get3A_1577 = arith.index_cast %get3A_1576 : i32 to index
      %get3A_1578 = arith.index_cast %mul3A_1285 : i32 to index
      %get3A_1579 = tpu.vector_load %arg10[%get3A_1577, %get3A_1578] {strides = array<i32>} : memref<128x128xf32, #tpu.memory_space<vmem>>, vector<16xf32>,
      %mul3A_1580 = vector.broadcast %squeeze3A_1575 : f32 to vector<16xf32>
      %mul3A_1581 = arith.mulf %mul3A_1580, %get3A_1579 : vector<16xf32>
      %add3A_1582 = arith.addf %add3A_1573, %mul3A_1581 : vector<16xf32>
      %slice3A_1583 = vector.extract_strided_slice %add3A_688 {offsets = [1], sizes = [1], strides = [1]} : vector<16xf32> to vector<1xf32>
      %squeeze3A_1584 = vector.extract %slice3A_1583[0] : f32 from vector<1xf32>
      %get3A_1585 = arith.constant 33 : i32
      %get3A_1586 = arith.index_cast %get3A_1585 : i32 to index
      %get3A_1587 = arith.index_cast %mul3A_1285 : i32 to index
      %get3A_1588 = tpu.vector_load %arg10[%get3A_1586, %get3A_1587] {strides = array<i32>} : memref<128x128xf32, #tpu.memory_space<vmem>>, vector<16xf32>,
      %mul3A_1589 = vector.broadcast %squeeze3A_1584 : f32 to vector<16xf32>
      %mul3A_1590 = arith.mulf %mul3A_1589, %get3A_1588 : vector<16xf32>
      %add3A_1591 = arith.addf %add3A_1582, %mul3A_1590 : vector<16xf32>
      %slice3A_1592 = vector.extract_strided_slice %add3A_688 {offsets = [2], sizes = [1], strides = [1]} : vector<16xf32> to vector<1xf32>
      %squeeze3A_1593 = vector.extract %slice3A_1592[0] : f32 from vector<1xf32>
      %get3A_1594 = arith.constant 34 : i32
      %get3A_1595 = arith.index_cast %get3A_1594 : i32 to index
      %get3A_1596 = arith.index_cast %mul3A_1285 : i32 to index
      %get3A_1597 = tpu.vector_load %arg10[%get3A_1595, %get3A_1596] {strides = array<i32>} : memref<128x128xf32, #tpu.memory_space<vmem>>, vector<16xf32>,
      %mul3A_1598 = vector.broadcast %squeeze3A_1593 : f32 to vector<16xf32>
      %mul3A_1599 = arith.mulf %mul3A_1598, %get3A_1597 : vector<16xf32>
      %add3A_1600 = arith.addf %add3A_1591, %mul3A_1599 : vector<16xf32>
      %slice3A_1601 = vector.extract_strided_slice %add3A_688 {offsets = [3], sizes = [1], strides = [1]} : vector<16xf32> to vector<1xf32>
      %squeeze3A_1602 = vector.extract %slice3A_1601[0] : f32 from vector<1xf32>
      %get3A_1603 = arith.constant 35 : i32
      %get3A_1604 = arith.index_cast %get3A_1603 : i32 to index
      %get3A_1605 = arith.index_cast %mul3A_1285 : i32 to index
      %get3A_1606 = tpu.vector_load %arg10[%get3A_1604, %get3A_1605] {strides = array<i32>} : memref<128x128xf32, #tpu.memory_space<vmem>>, vector<16xf32>,
      %mul3A_1607 = vector.broadcast %squeeze3A_1602 : f32 to vector<16xf32>
      %mul3A_1608 = arith.mulf %mul3A_1607, %get3A_1606 : vector<16xf32>
      %add3A_1609 = arith.addf %add3A_1600, %mul3A_1608 : vector<16xf32>
      %slice3A_1610 = vector.extract_strided_slice %add3A_688 {offsets = [4], sizes = [1], strides = [1]} : vector<16xf32> to vector<1xf32>
      %squeeze3A_1611 = vector.extract %slice3A_1610[0] : f32 from vector<1xf32>
      %get3A_1612 = arith.constant 36 : i32
      %get3A_1613 = arith.index_cast %get3A_1612 : i32 to index
      %get3A_1614 = arith.index_cast %mul3A_1285 : i32 to index
      %get3A_1615 = tpu.vector_load %arg10[%get3A_1613, %get3A_1614] {strides = array<i32>} : memref<128x128xf32, #tpu.memory_space<vmem>>, vector<16xf32>,
      %mul3A_1616 = vector.broadcast %squeeze3A_1611 : f32 to vector<16xf32>
      %mul3A_1617 = arith.mulf %mul3A_1616, %get3A_1615 : vector<16xf32>
      %add3A_1618 = arith.addf %add3A_1609, %mul3A_1617 : vector<16xf32>
      %slice3A_1619 = vector.extract_strided_slice %add3A_688 {offsets = [5], sizes = [1], strides = [1]} : vector<16xf32> to vector<1xf32>
      %squeeze3A_1620 = vector.extract %slice3A_1619[0] : f32 from vector<1xf32>
      %get3A_1621 = arith.constant 37 : i32
      %get3A_1622 = arith.index_cast %get3A_1621 : i32 to index
      %get3A_1623 = arith.index_cast %mul3A_1285 : i32 to index
      %get3A_1624 = tpu.vector_load %arg10[%get3A_1622, %get3A_1623] {strides = array<i32>} : memref<128x128xf32, #tpu.memory_space<vmem>>, vector<16xf32>,
      %mul3A_1625 = vector.broadcast %squeeze3A_1620 : f32 to vector<16xf32>
      %mul3A_1626 = arith.mulf %mul3A_1625, %get3A_1624 : vector<16xf32>
      %add3A_1627 = arith.addf %add3A_1618, %mul3A_1626 : vector<16xf32>
      %slice3A_1628 = vector.extract_strided_slice %add3A_688 {offsets = [6], sizes = [1], strides = [1]} : vector<16xf32> to vector<1xf32>
      %squeeze3A_1629 = vector.extract %slice3A_1628[0] : f32 from vector<1xf32>
      %get3A_1630 = arith.constant 38 : i32
      %get3A_1631 = arith.index_cast %get3A_1630 : i32 to index
      %get3A_1632 = arith.index_cast %mul3A_1285 : i32 to index
      %get3A_1633 = tpu.vector_load %arg10[%get3A_1631, %get3A_1632] {strides = array<i32>} : memref<128x128xf32, #tpu.memory_space<vmem>>, vector<16xf32>,
      %mul3A_1634 = vector.broadcast %squeeze3A_1629 : f32 to vector<16xf32>
      %mul3A_1635 = arith.mulf %mul3A_1634, %get3A_1633 : vector<16xf32>
      %add3A_1636 = arith.addf %add3A_1627, %mul3A_1635 : vector<16xf32>
      %slice3A_1637 = vector.extract_strided_slice %add3A_688 {offsets = [7], sizes = [1], strides = [1]} : vector<16xf32> to vector<1xf32>
      %squeeze3A_1638 = vector.extract %slice3A_1637[0] : f32 from vector<1xf32>
      %get3A_1639 = arith.constant 39 : i32
      %get3A_1640 = arith.index_cast %get3A_1639 : i32 to index
      %get3A_1641 = arith.index_cast %mul3A_1285 : i32 to index
      %get3A_1642 = tpu.vector_load %arg10[%get3A_1640, %get3A_1641] {strides = array<i32>} : memref<128x128xf32, #tpu.memory_space<vmem>>, vector<16xf32>,
      %mul3A_1643 = vector.broadcast %squeeze3A_1638 : f32 to vector<16xf32>
      %mul3A_1644 = arith.mulf %mul3A_1643, %get3A_1642 : vector<16xf32>
      %add3A_1645 = arith.addf %add3A_1636, %mul3A_1644 : vector<16xf32>
      %slice3A_1646 = vector.extract_strided_slice %add3A_688 {offsets = [8], sizes = [1], strides = [1]} : vector<16xf32> to vector<1xf32>
      %squeeze3A_1647 = vector.extract %slice3A_1646[0] : f32 from vector<1xf32>
      %get3A_1648 = arith.constant 40 : i32
      %get3A_1649 = arith.index_cast %get3A_1648 : i32 to index
      %get3A_1650 = arith.index_cast %mul3A_1285 : i32 to index
      %get3A_1651 = tpu.vector_load %arg10[%get3A_1649, %get3A_1650] {strides = array<i32>} : memref<128x128xf32, #tpu.memory_space<vmem>>, vector<16xf32>,
      %mul3A_1652 = vector.broadcast %squeeze3A_1647 : f32 to vector<16xf32>
      %mul3A_1653 = arith.mulf %mul3A_1652, %get3A_1651 : vector<16xf32>
      %add3A_1654 = arith.addf %add3A_1645, %mul3A_1653 : vector<16xf32>
      %slice3A_1655 = vector.extract_strided_slice %add3A_688 {offsets = [9], sizes = [1], strides = [1]} : vector<16xf32> to vector<1xf32>
      %squeeze3A_1656 = vector.extract %slice3A_1655[0] : f32 from vector<1xf32>
      %get3A_1657 = arith.constant 41 : i32
      %get3A_1658 = arith.index_cast %get3A_1657 : i32 to index
      %get3A_1659 = arith.index_cast %mul3A_1285 : i32 to index
      %get3A_1660 = tpu.vector_load %arg10[%get3A_1658, %get3A_1659] {strides = array<i32>} : memref<128x128xf32, #tpu.memory_space<vmem>>, vector<16xf32>,
      %mul3A_1661 = vector.broadcast %squeeze3A_1656 : f32 to vector<16xf32>
      %mul3A_1662 = arith.mulf %mul3A_1661, %get3A_1660 : vector<16xf32>
      %add3A_1663 = arith.addf %add3A_1654, %mul3A_1662 : vector<16xf32>
      %slice3A_1664 = vector.extract_strided_slice %add3A_688 {offsets = [10], sizes = [1], strides = [1]} : vector<16xf32> to vector<1xf32>
      %squeeze3A_1665 = vector.extract %slice3A_1664[0] : f32 from vector<1xf32>
      %get3A_1666 = arith.constant 42 : i32
      %get3A_1667 = arith.index_cast %get3A_1666 : i32 to index
      %get3A_1668 = arith.index_cast %mul3A_1285 : i32 to index
      %get3A_1669 = tpu.vector_load %arg10[%get3A_1667, %get3A_1668] {strides = array<i32>} : memref<128x128xf32, #tpu.memory_space<vmem>>, vector<16xf32>,
      %mul3A_1670 = vector.broadcast %squeeze3A_1665 : f32 to vector<16xf32>
      %mul3A_1671 = arith.mulf %mul3A_1670, %get3A_1669 : vector<16xf32>
      %add3A_1672 = arith.addf %add3A_1663, %mul3A_1671 : vector<16xf32>
      %slice3A_1673 = vector.extract_strided_slice %add3A_688 {offsets = [11], sizes = [1], strides = [1]} : vector<16xf32> to vector<1xf32>
      %squeeze3A_1674 = vector.extract %slice3A_1673[0] : f32 from vector<1xf32>
      %get3A_1675 = arith.constant 43 : i32
      %get3A_1676 = arith.index_cast %get3A_1675 : i32 to index
      %get3A_1677 = arith.index_cast %mul3A_1285 : i32 to index
      %get3A_1678 = tpu.vector_load %arg10[%get3A_1676, %get3A_1677] {strides = array<i32>} : memref<128x128xf32, #tpu.memory_space<vmem>>, vector<16xf32>,
      %mul3A_1679 = vector.broadcast %squeeze3A_1674 : f32 to vector<16xf32>
      %mul3A_1680 = arith.mulf %mul3A_1679, %get3A_1678 : vector<16xf32>
      %add3A_1681 = arith.addf %add3A_1672, %mul3A_1680 : vector<16xf32>
      %slice3A_1682 = vector.extract_strided_slice %add3A_688 {offsets = [12], sizes = [1], strides = [1]} : vector<16xf32> to vector<1xf32>
      %squeeze3A_1683 = vector.extract %slice3A_1682[0] : f32 from vector<1xf32>
      %get3A_1684 = arith.constant 44 : i32
      %get3A_1685 = arith.index_cast %get3A_1684 : i32 to index
      %get3A_1686 = arith.index_cast %mul3A_1285 : i32 to index
      %get3A_1687 = tpu.vector_load %arg10[%get3A_1685, %get3A_1686] {strides = array<i32>} : memref<128x128xf32, #tpu.memory_space<vmem>>, vector<16xf32>,
      %mul3A_1688 = vector.broadcast %squeeze3A_1683 : f32 to vector<16xf32>
      %mul3A_1689 = arith.mulf %mul3A_1688, %get3A_1687 : vector<16xf32>
      %add3A_1690 = arith.addf %add3A_1681, %mul3A_1689 : vector<16xf32>
      %slice3A_1691 = vector.extract_strided_slice %add3A_688 {offsets = [13], sizes = [1], strides = [1]} : vector<16xf32> to vector<1xf32>
      %squeeze3A_1692 = vector.extract %slice3A_1691[0] : f32 from vector<1xf32>
      %get3A_1693 = arith.constant 45 : i32
      %get3A_1694 = arith.index_cast %get3A_1693 : i32 to index
      %get3A_1695 = arith.index_cast %mul3A_1285 : i32 to index
      %get3A_1696 = tpu.vector_load %arg10[%get3A_1694, %get3A_1695] {strides = array<i32>} : memref<128x128xf32, #tpu.memory_space<vmem>>, vector<16xf32>,
      %mul3A_1697 = vector.broadcast %squeeze3A_1692 : f32 to vector<16xf32>
      %mul3A_1698 = arith.mulf %mul3A_1697, %get3A_1696 : vector<16xf32>
      %add3A_1699 = arith.addf %add3A_1690, %mul3A_1698 : vector<16xf32>
      %slice3A_1700 = vector.extract_strided_slice %add3A_688 {offsets = [14], sizes = [1], strides = [1]} : vector<16xf32> to vector<1xf32>
      %squeeze3A_1701 = vector.extract %slice3A_1700[0] : f32 from vector<1xf32>
      %get3A_1702 = arith.constant 46 : i32
      %get3A_1703 = arith.index_cast %get3A_1702 : i32 to index
      %get3A_1704 = arith.index_cast %mul3A_1285 : i32 to index
      %get3A_1705 = tpu.vector_load %arg10[%get3A_1703, %get3A_1704] {strides = array<i32>} : memref<128x128xf32, #tpu.memory_space<vmem>>, vector<16xf32>,
      %mul3A_1706 = vector.broadcast %squeeze3A_1701 : f32 to vector<16xf32>
      %mul3A_1707 = arith.mulf %mul3A_1706, %get3A_1705 : vector<16xf32>
      %add3A_1708 = arith.addf %add3A_1699, %mul3A_1707 : vector<16xf32>
      %slice3A_1709 = vector.extract_strided_slice %add3A_688 {offsets = [15], sizes = [1], strides = [1]} : vector<16xf32> to vector<1xf32>
      %squeeze3A_1710 = vector.extract %slice3A_1709[0] : f32 from vector<1xf32>
      %get3A_1711 = arith.constant 47 : i32
      %get3A_1712 = arith.index_cast %get3A_1711 : i32 to index
      %get3A_1713 = arith.index_cast %mul3A_1285 : i32 to index
      %get3A_1714 = tpu.vector_load %arg10[%get3A_1712, %get3A_1713] {strides = array<i32>} : memref<128x128xf32, #tpu.memory_space<vmem>>, vector<16xf32>,
      %mul3A_1715 = vector.broadcast %squeeze3A_1710 : f32 to vector<16xf32>
      %mul3A_1716 = arith.mulf %mul3A_1715, %get3A_1714 : vector<16xf32>
      %add3A_1717 = arith.addf %add3A_1708, %mul3A_1716 : vector<16xf32>
      %slice3A_1718 = vector.extract_strided_slice %add3A_807 {offsets = [0], sizes = [1], strides = [1]} : vector<16xf32> to vector<1xf32>
      %squeeze3A_1719 = vector.extract %slice3A_1718[0] : f32 from vector<1xf32>
      %get3A_1720 = arith.constant 48 : i32
      %get3A_1721 = arith.index_cast %get3A_1720 : i32 to index
      %get3A_1722 = arith.index_cast %mul3A_1285 : i32 to index
      %get3A_1723 = tpu.vector_load %arg10[%get3A_1721, %get3A_1722] {strides = array<i32>} : memref<128x128xf32, #tpu.memory_space<vmem>>, vector<16xf32>,
      %mul3A_1724 = vector.broadcast %squeeze3A_1719 : f32 to vector<16xf32>
      %mul3A_1725 = arith.mulf %mul3A_1724, %get3A_1723 : vector<16xf32>
      %add3A_1726 = arith.addf %add3A_1717, %mul3A_1725 : vector<16xf32>
      %slice3A_1727 = vector.extract_strided_slice %add3A_807 {offsets = [1], sizes = [1], strides = [1]} : vector<16xf32> to vector<1xf32>
      %squeeze3A_1728 = vector.extract %slice3A_1727[0] : f32 from vector<1xf32>
      %get3A_1729 = arith.constant 49 : i32
      %get3A_1730 = arith.index_cast %get3A_1729 : i32 to index
      %get3A_1731 = arith.index_cast %mul3A_1285 : i32 to index
      %get3A_1732 = tpu.vector_load %arg10[%get3A_1730, %get3A_1731] {strides = array<i32>} : memref<128x128xf32, #tpu.memory_space<vmem>>, vector<16xf32>,
      %mul3A_1733 = vector.broadcast %squeeze3A_1728 : f32 to vector<16xf32>
      %mul3A_1734 = arith.mulf %mul3A_1733, %get3A_1732 : vector<16xf32>
      %add3A_1735 = arith.addf %add3A_1726, %mul3A_1734 : vector<16xf32>
      %slice3A_1736 = vector.extract_strided_slice %add3A_807 {offsets = [2], sizes = [1], strides = [1]} : vector<16xf32> to vector<1xf32>
      %squeeze3A_1737 = vector.extract %slice3A_1736[0] : f32 from vector<1xf32>
      %get3A_1738 = arith.constant 50 : i32
      %get3A_1739 = arith.index_cast %get3A_1738 : i32 to index
      %get3A_1740 = arith.index_cast %mul3A_1285 : i32 to index
      %get3A_1741 = tpu.vector_load %arg10[%get3A_1739, %get3A_1740] {strides = array<i32>} : memref<128x128xf32, #tpu.memory_space<vmem>>, vector<16xf32>,
      %mul3A_1742 = vector.broadcast %squeeze3A_1737 : f32 to vector<16xf32>
      %mul3A_1743 = arith.mulf %mul3A_1742, %get3A_1741 : vector<16xf32>
      %add3A_1744 = arith.addf %add3A_1735, %mul3A_1743 : vector<16xf32>
      %slice3A_1745 = vector.extract_strided_slice %add3A_807 {offsets = [3], sizes = [1], strides = [1]} : vector<16xf32> to vector<1xf32>
      %squeeze3A_1746 = vector.extract %slice3A_1745[0] : f32 from vector<1xf32>
      %get3A_1747 = arith.constant 51 : i32
      %get3A_1748 = arith.index_cast %get3A_1747 : i32 to index
      %get3A_1749 = arith.index_cast %mul3A_1285 : i32 to index
      %get3A_1750 = tpu.vector_load %arg10[%get3A_1748, %get3A_1749] {strides = array<i32>} : memref<128x128xf32, #tpu.memory_space<vmem>>, vector<16xf32>,
      %mul3A_1751 = vector.broadcast %squeeze3A_1746 : f32 to vector<16xf32>
      %mul3A_1752 = arith.mulf %mul3A_1751, %get3A_1750 : vector<16xf32>
      %add3A_1753 = arith.addf %add3A_1744, %mul3A_1752 : vector<16xf32>
      %slice3A_1754 = vector.extract_strided_slice %add3A_807 {offsets = [4], sizes = [1], strides = [1]} : vector<16xf32> to vector<1xf32>
      %squeeze3A_1755 = vector.extract %slice3A_1754[0] : f32 from vector<1xf32>
      %get3A_1756 = arith.constant 52 : i32
      %get3A_1757 = arith.index_cast %get3A_1756 : i32 to index
      %get3A_1758 = arith.index_cast %mul3A_1285 : i32 to index
      %get3A_1759 = tpu.vector_load %arg10[%get3A_1757, %get3A_1758] {strides = array<i32>} : memref<128x128xf32, #tpu.memory_space<vmem>>, vector<16xf32>,
      %mul3A_1760 = vector.broadcast %squeeze3A_1755 : f32 to vector<16xf32>
      %mul3A_1761 = arith.mulf %mul3A_1760, %get3A_1759 : vector<16xf32>
      %add3A_1762 = arith.addf %add3A_1753, %mul3A_1761 : vector<16xf32>
      %slice3A_1763 = vector.extract_strided_slice %add3A_807 {offsets = [5], sizes = [1], strides = [1]} : vector<16xf32> to vector<1xf32>
      %squeeze3A_1764 = vector.extract %slice3A_1763[0] : f32 from vector<1xf32>
      %get3A_1765 = arith.constant 53 : i32
      %get3A_1766 = arith.index_cast %get3A_1765 : i32 to index
      %get3A_1767 = arith.index_cast %mul3A_1285 : i32 to index
      %get3A_1768 = tpu.vector_load %arg10[%get3A_1766, %get3A_1767] {strides = array<i32>} : memref<128x128xf32, #tpu.memory_space<vmem>>, vector<16xf32>,
      %mul3A_1769 = vector.broadcast %squeeze3A_1764 : f32 to vector<16xf32>
      %mul3A_1770 = arith.mulf %mul3A_1769, %get3A_1768 : vector<16xf32>
      %add3A_1771 = arith.addf %add3A_1762, %mul3A_1770 : vector<16xf32>
      %slice3A_1772 = vector.extract_strided_slice %add3A_807 {offsets = [6], sizes = [1], strides = [1]} : vector<16xf32> to vector<1xf32>
      %squeeze3A_1773 = vector.extract %slice3A_1772[0] : f32 from vector<1xf32>
      %get3A_1774 = arith.constant 54 : i32
      %get3A_1775 = arith.index_cast %get3A_1774 : i32 to index
      %get3A_1776 = arith.index_cast %mul3A_1285 : i32 to index
      %get3A_1777 = tpu.vector_load %arg10[%get3A_1775, %get3A_1776] {strides = array<i32>} : memref<128x128xf32, #tpu.memory_space<vmem>>, vector<16xf32>,
      %mul3A_1778 = vector.broadcast %squeeze3A_1773 : f32 to vector<16xf32>
      %mul3A_1779 = arith.mulf %mul3A_1778, %get3A_1777 : vector<16xf32>
      %add3A_1780 = arith.addf %add3A_1771, %mul3A_1779 : vector<16xf32>
      %slice3A_1781 = vector.extract_strided_slice %add3A_807 {offsets = [7], sizes = [1], strides = [1]} : vector<16xf32> to vector<1xf32>
      %squeeze3A_1782 = vector.extract %slice3A_1781[0] : f32 from vector<1xf32>
      %get3A_1783 = arith.constant 55 : i32
      %get3A_1784 = arith.index_cast %get3A_1783 : i32 to index
      %get3A_1785 = arith.index_cast %mul3A_1285 : i32 to index
      %get3A_1786 = tpu.vector_load %arg10[%get3A_1784, %get3A_1785] {strides = array<i32>} : memref<128x128xf32, #tpu.memory_space<vmem>>, vector<16xf32>,
      %mul3A_1787 = vector.broadcast %squeeze3A_1782 : f32 to vector<16xf32>
      %mul3A_1788 = arith.mulf %mul3A_1787, %get3A_1786 : vector<16xf32>
      %add3A_1789 = arith.addf %add3A_1780, %mul3A_1788 : vector<16xf32>
      %slice3A_1790 = vector.extract_strided_slice %add3A_807 {offsets = [8], sizes = [1], strides = [1]} : vector<16xf32> to vector<1xf32>
      %squeeze3A_1791 = vector.extract %slice3A_1790[0] : f32 from vector<1xf32>
      %get3A_1792 = arith.constant 56 : i32
      %get3A_1793 = arith.index_cast %get3A_1792 : i32 to index
      %get3A_1794 = arith.index_cast %mul3A_1285 : i32 to index
      %get3A_1795 = tpu.vector_load %arg10[%get3A_1793, %get3A_1794] {strides = array<i32>} : memref<128x128xf32, #tpu.memory_space<vmem>>, vector<16xf32>,
      %mul3A_1796 = vector.broadcast %squeeze3A_1791 : f32 to vector<16xf32>
      %mul3A_1797 = arith.mulf %mul3A_1796, %get3A_1795 : vector<16xf32>
      %add3A_1798 = arith.addf %add3A_1789, %mul3A_1797 : vector<16xf32>
      %slice3A_1799 = vector.extract_strided_slice %add3A_807 {offsets = [9], sizes = [1], strides = [1]} : vector<16xf32> to vector<1xf32>
      %squeeze3A_1800 = vector.extract %slice3A_1799[0] : f32 from vector<1xf32>
      %get3A_1801 = arith.constant 57 : i32
      %get3A_1802 = arith.index_cast %get3A_1801 : i32 to index
      %get3A_1803 = arith.index_cast %mul3A_1285 : i32 to index
      %get3A_1804 = tpu.vector_load %arg10[%get3A_1802, %get3A_1803] {strides = array<i32>} : memref<128x128xf32, #tpu.memory_space<vmem>>, vector<16xf32>,
      %mul3A_1805 = vector.broadcast %squeeze3A_1800 : f32 to vector<16xf32>
      %mul3A_1806 = arith.mulf %mul3A_1805, %get3A_1804 : vector<16xf32>
      %add3A_1807 = arith.addf %add3A_1798, %mul3A_1806 : vector<16xf32>
      %slice3A_1808 = vector.extract_strided_slice %add3A_807 {offsets = [10], sizes = [1], strides = [1]} : vector<16xf32> to vector<1xf32>
      %squeeze3A_1809 = vector.extract %slice3A_1808[0] : f32 from vector<1xf32>
      %get3A_1810 = arith.constant 58 : i32
      %get3A_1811 = arith.index_cast %get3A_1810 : i32 to index
      %get3A_1812 = arith.index_cast %mul3A_1285 : i32 to index
      %get3A_1813 = tpu.vector_load %arg10[%get3A_1811, %get3A_1812] {strides = array<i32>} : memref<128x128xf32, #tpu.memory_space<vmem>>, vector<16xf32>,
      %mul3A_1814 = vector.broadcast %squeeze3A_1809 : f32 to vector<16xf32>
      %mul3A_1815 = arith.mulf %mul3A_1814, %get3A_1813 : vector<16xf32>
      %add3A_1816 = arith.addf %add3A_1807, %mul3A_1815 : vector<16xf32>
      %slice3A_1817 = vector.extract_strided_slice %add3A_807 {offsets = [11], sizes = [1], strides = [1]} : vector<16xf32> to vector<1xf32>
      %squeeze3A_1818 = vector.extract %slice3A_1817[0] : f32 from vector<1xf32>
      %get3A_1819 = arith.constant 59 : i32
      %get3A_1820 = arith.index_cast %get3A_1819 : i32 to index
      %get3A_1821 = arith.index_cast %mul3A_1285 : i32 to index
      %get3A_1822 = tpu.vector_load %arg10[%get3A_1820, %get3A_1821] {strides = array<i32>} : memref<128x128xf32, #tpu.memory_space<vmem>>, vector<16xf32>,
      %mul3A_1823 = vector.broadcast %squeeze3A_1818 : f32 to vector<16xf32>
      %mul3A_1824 = arith.mulf %mul3A_1823, %get3A_1822 : vector<16xf32>
      %add3A_1825 = arith.addf %add3A_1816, %mul3A_1824 : vector<16xf32>
      %slice3A_1826 = vector.extract_strided_slice %add3A_807 {offsets = [12], sizes = [1], strides = [1]} : vector<16xf32> to vector<1xf32>
      %squeeze3A_1827 = vector.extract %slice3A_1826[0] : f32 from vector<1xf32>
      %get3A_1828 = arith.constant 60 : i32
      %get3A_1829 = arith.index_cast %get3A_1828 : i32 to index
      %get3A_1830 = arith.index_cast %mul3A_1285 : i32 to index
      %get3A_1831 = tpu.vector_load %arg10[%get3A_1829, %get3A_1830] {strides = array<i32>} : memref<128x128xf32, #tpu.memory_space<vmem>>, vector<16xf32>,
      %mul3A_1832 = vector.broadcast %squeeze3A_1827 : f32 to vector<16xf32>
      %mul3A_1833 = arith.mulf %mul3A_1832, %get3A_1831 : vector<16xf32>
      %add3A_1834 = arith.addf %add3A_1825, %mul3A_1833 : vector<16xf32>
      %slice3A_1835 = vector.extract_strided_slice %add3A_807 {offsets = [13], sizes = [1], strides = [1]} : vector<16xf32> to vector<1xf32>
      %squeeze3A_1836 = vector.extract %slice3A_1835[0] : f32 from vector<1xf32>
      %get3A_1837 = arith.constant 61 : i32
      %get3A_1838 = arith.index_cast %get3A_1837 : i32 to index
      %get3A_1839 = arith.index_cast %mul3A_1285 : i32 to index
      %get3A_1840 = tpu.vector_load %arg10[%get3A_1838, %get3A_1839] {strides = array<i32>} : memref<128x128xf32, #tpu.memory_space<vmem>>, vector<16xf32>,
      %mul3A_1841 = vector.broadcast %squeeze3A_1836 : f32 to vector<16xf32>
      %mul3A_1842 = arith.mulf %mul3A_1841, %get3A_1840 : vector<16xf32>
      %add3A_1843 = arith.addf %add3A_1834, %mul3A_1842 : vector<16xf32>
      %slice3A_1844 = vector.extract_strided_slice %add3A_807 {offsets = [14], sizes = [1], strides = [1]} : vector<16xf32> to vector<1xf32>
      %squeeze3A_1845 = vector.extract %slice3A_1844[0] : f32 from vector<1xf32>
      %get3A_1846 = arith.constant 62 : i32
      %get3A_1847 = arith.index_cast %get3A_1846 : i32 to index
      %get3A_1848 = arith.index_cast %mul3A_1285 : i32 to index
      %get3A_1849 = tpu.vector_load %arg10[%get3A_1847, %get3A_1848] {strides = array<i32>} : memref<128x128xf32, #tpu.memory_space<vmem>>, vector<16xf32>,
      %mul3A_1850 = vector.broadcast %squeeze3A_1845 : f32 to vector<16xf32>
      %mul3A_1851 = arith.mulf %mul3A_1850, %get3A_1849 : vector<16xf32>
      %add3A_1852 = arith.addf %add3A_1843, %mul3A_1851 : vector<16xf32>
      %slice3A_1853 = vector.extract_strided_slice %add3A_807 {offsets = [15], sizes = [1], strides = [1]} : vector<16xf32> to vector<1xf32>
      %squeeze3A_1854 = vector.extract %slice3A_1853[0] : f32 from vector<1xf32>
      %get3A_1855 = arith.constant 63 : i32
      %get3A_1856 = arith.index_cast %get3A_1855 : i32 to index
      %get3A_1857 = arith.index_cast %mul3A_1285 : i32 to index
      %get3A_1858 = tpu.vector_load %arg10[%get3A_1856, %get3A_1857] {strides = array<i32>} : memref<128x128xf32, #tpu.memory_space<vmem>>, vector<16xf32>,
      %mul3A_1859 = vector.broadcast %squeeze3A_1854 : f32 to vector<16xf32>
      %mul3A_1860 = arith.mulf %mul3A_1859, %get3A_1858 : vector<16xf32>
      %add3A_1861 = arith.addf %add3A_1852, %mul3A_1860 : vector<16xf32>
      %slice3A_1862 = vector.extract_strided_slice %add3A_926 {offsets = [0], sizes = [1], strides = [1]} : vector<16xf32> to vector<1xf32>
      %squeeze3A_1863 = vector.extract %slice3A_1862[0] : f32 from vector<1xf32>
      %get3A_1864 = arith.constant 64 : i32
      %get3A_1865 = arith.index_cast %get3A_1864 : i32 to index
      %get3A_1866 = arith.index_cast %mul3A_1285 : i32 to index
      %get3A_1867 = tpu.vector_load %arg10[%get3A_1865, %get3A_1866] {strides = array<i32>} : memref<128x128xf32, #tpu.memory_space<vmem>>, vector<16xf32>,
      %mul3A_1868 = vector.broadcast %squeeze3A_1863 : f32 to vector<16xf32>
      %mul3A_1869 = arith.mulf %mul3A_1868, %get3A_1867 : vector<16xf32>
      %add3A_1870 = arith.addf %add3A_1861, %mul3A_1869 : vector<16xf32>
      %slice3A_1871 = vector.extract_strided_slice %add3A_926 {offsets = [1], sizes = [1], strides = [1]} : vector<16xf32> to vector<1xf32>
      %squeeze3A_1872 = vector.extract %slice3A_1871[0] : f32 from vector<1xf32>
      %get3A_1873 = arith.constant 65 : i32
      %get3A_1874 = arith.index_cast %get3A_1873 : i32 to index
      %get3A_1875 = arith.index_cast %mul3A_1285 : i32 to index
      %get3A_1876 = tpu.vector_load %arg10[%get3A_1874, %get3A_1875] {strides = array<i32>} : memref<128x128xf32, #tpu.memory_space<vmem>>, vector<16xf32>,
      %mul3A_1877 = vector.broadcast %squeeze3A_1872 : f32 to vector<16xf32>
      %mul3A_1878 = arith.mulf %mul3A_1877, %get3A_1876 : vector<16xf32>
      %add3A_1879 = arith.addf %add3A_1870, %mul3A_1878 : vector<16xf32>
      %slice3A_1880 = vector.extract_strided_slice %add3A_926 {offsets = [2], sizes = [1], strides = [1]} : vector<16xf32> to vector<1xf32>
      %squeeze3A_1881 = vector.extract %slice3A_1880[0] : f32 from vector<1xf32>
      %get3A_1882 = arith.constant 66 : i32
      %get3A_1883 = arith.index_cast %get3A_1882 : i32 to index
      %get3A_1884 = arith.index_cast %mul3A_1285 : i32 to index
      %get3A_1885 = tpu.vector_load %arg10[%get3A_1883, %get3A_1884] {strides = array<i32>} : memref<128x128xf32, #tpu.memory_space<vmem>>, vector<16xf32>,
      %mul3A_1886 = vector.broadcast %squeeze3A_1881 : f32 to vector<16xf32>
      %mul3A_1887 = arith.mulf %mul3A_1886, %get3A_1885 : vector<16xf32>
      %add3A_1888 = arith.addf %add3A_1879, %mul3A_1887 : vector<16xf32>
      %slice3A_1889 = vector.extract_strided_slice %add3A_926 {offsets = [3], sizes = [1], strides = [1]} : vector<16xf32> to vector<1xf32>
      %squeeze3A_1890 = vector.extract %slice3A_1889[0] : f32 from vector<1xf32>
      %get3A_1891 = arith.constant 67 : i32
      %get3A_1892 = arith.index_cast %get3A_1891 : i32 to index
      %get3A_1893 = arith.index_cast %mul3A_1285 : i32 to index
      %get3A_1894 = tpu.vector_load %arg10[%get3A_1892, %get3A_1893] {strides = array<i32>} : memref<128x128xf32, #tpu.memory_space<vmem>>, vector<16xf32>,
      %mul3A_1895 = vector.broadcast %squeeze3A_1890 : f32 to vector<16xf32>
      %mul3A_1896 = arith.mulf %mul3A_1895, %get3A_1894 : vector<16xf32>
      %add3A_1897 = arith.addf %add3A_1888, %mul3A_1896 : vector<16xf32>
      %slice3A_1898 = vector.extract_strided_slice %add3A_926 {offsets = [4], sizes = [1], strides = [1]} : vector<16xf32> to vector<1xf32>
      %squeeze3A_1899 = vector.extract %slice3A_1898[0] : f32 from vector<1xf32>
      %get3A_1900 = arith.constant 68 : i32
      %get3A_1901 = arith.index_cast %get3A_1900 : i32 to index
      %get3A_1902 = arith.index_cast %mul3A_1285 : i32 to index
      %get3A_1903 = tpu.vector_load %arg10[%get3A_1901, %get3A_1902] {strides = array<i32>} : memref<128x128xf32, #tpu.memory_space<vmem>>, vector<16xf32>,
      %mul3A_1904 = vector.broadcast %squeeze3A_1899 : f32 to vector<16xf32>
      %mul3A_1905 = arith.mulf %mul3A_1904, %get3A_1903 : vector<16xf32>
      %add3A_1906 = arith.addf %add3A_1897, %mul3A_1905 : vector<16xf32>
      %slice3A_1907 = vector.extract_strided_slice %add3A_926 {offsets = [5], sizes = [1], strides = [1]} : vector<16xf32> to vector<1xf32>
      %squeeze3A_1908 = vector.extract %slice3A_1907[0] : f32 from vector<1xf32>
      %get3A_1909 = arith.constant 69 : i32
      %get3A_1910 = arith.index_cast %get3A_1909 : i32 to index
      %get3A_1911 = arith.index_cast %mul3A_1285 : i32 to index
      %get3A_1912 = tpu.vector_load %arg10[%get3A_1910, %get3A_1911] {strides = array<i32>} : memref<128x128xf32, #tpu.memory_space<vmem>>, vector<16xf32>,
      %mul3A_1913 = vector.broadcast %squeeze3A_1908 : f32 to vector<16xf32>
      %mul3A_1914 = arith.mulf %mul3A_1913, %get3A_1912 : vector<16xf32>
      %add3A_1915 = arith.addf %add3A_1906, %mul3A_1914 : vector<16xf32>
      %slice3A_1916 = vector.extract_strided_slice %add3A_926 {offsets = [6], sizes = [1], strides = [1]} : vector<16xf32> to vector<1xf32>
      %squeeze3A_1917 = vector.extract %slice3A_1916[0] : f32 from vector<1xf32>
      %get3A_1918 = arith.constant 70 : i32
      %get3A_1919 = arith.index_cast %get3A_1918 : i32 to index
      %get3A_1920 = arith.index_cast %mul3A_1285 : i32 to index
      %get3A_1921 = tpu.vector_load %arg10[%get3A_1919, %get3A_1920] {strides = array<i32>} : memref<128x128xf32, #tpu.memory_space<vmem>>, vector<16xf32>,
      %mul3A_1922 = vector.broadcast %squeeze3A_1917 : f32 to vector<16xf32>
      %mul3A_1923 = arith.mulf %mul3A_1922, %get3A_1921 : vector<16xf32>
      %add3A_1924 = arith.addf %add3A_1915, %mul3A_1923 : vector<16xf32>
      %slice3A_1925 = vector.extract_strided_slice %add3A_926 {offsets = [7], sizes = [1], strides = [1]} : vector<16xf32> to vector<1xf32>
      %squeeze3A_1926 = vector.extract %slice3A_1925[0] : f32 from vector<1xf32>
      %get3A_1927 = arith.constant 71 : i32
      %get3A_1928 = arith.index_cast %get3A_1927 : i32 to index
      %get3A_1929 = arith.index_cast %mul3A_1285 : i32 to index
      %get3A_1930 = tpu.vector_load %arg10[%get3A_1928, %get3A_1929] {strides = array<i32>} : memref<128x128xf32, #tpu.memory_space<vmem>>, vector<16xf32>,
      %mul3A_1931 = vector.broadcast %squeeze3A_1926 : f32 to vector<16xf32>
      %mul3A_1932 = arith.mulf %mul3A_1931, %get3A_1930 : vector<16xf32>
      %add3A_1933 = arith.addf %add3A_1924, %mul3A_1932 : vector<16xf32>
      %slice3A_1934 = vector.extract_strided_slice %add3A_926 {offsets = [8], sizes = [1], strides = [1]} : vector<16xf32> to vector<1xf32>
      %squeeze3A_1935 = vector.extract %slice3A_1934[0] : f32 from vector<1xf32>
      %get3A_1936 = arith.constant 72 : i32
      %get3A_1937 = arith.index_cast %get3A_1936 : i32 to index
      %get3A_1938 = arith.index_cast %mul3A_1285 : i32 to index
      %get3A_1939 = tpu.vector_load %arg10[%get3A_1937, %get3A_1938] {strides = array<i32>} : memref<128x128xf32, #tpu.memory_space<vmem>>, vector<16xf32>,
      %mul3A_1940 = vector.broadcast %squeeze3A_1935 : f32 to vector<16xf32>
      %mul3A_1941 = arith.mulf %mul3A_1940, %get3A_1939 : vector<16xf32>
      %add3A_1942 = arith.addf %add3A_1933, %mul3A_1941 : vector<16xf32>
      %slice3A_1943 = vector.extract_strided_slice %add3A_926 {offsets = [9], sizes = [1], strides = [1]} : vector<16xf32> to vector<1xf32>
      %squeeze3A_1944 = vector.extract %slice3A_1943[0] : f32 from vector<1xf32>
      %get3A_1945 = arith.constant 73 : i32
      %get3A_1946 = arith.index_cast %get3A_1945 : i32 to index
      %get3A_1947 = arith.index_cast %mul3A_1285 : i32 to index
      %get3A_1948 = tpu.vector_load %arg10[%get3A_1946, %get3A_1947] {strides = array<i32>} : memref<128x128xf32, #tpu.memory_space<vmem>>, vector<16xf32>,
      %mul3A_1949 = vector.broadcast %squeeze3A_1944 : f32 to vector<16xf32>
      %mul3A_1950 = arith.mulf %mul3A_1949, %get3A_1948 : vector<16xf32>
      %add3A_1951 = arith.addf %add3A_1942, %mul3A_1950 : vector<16xf32>
      %slice3A_1952 = vector.extract_strided_slice %add3A_926 {offsets = [10], sizes = [1], strides = [1]} : vector<16xf32> to vector<1xf32>
      %squeeze3A_1953 = vector.extract %slice3A_1952[0] : f32 from vector<1xf32>
      %get3A_1954 = arith.constant 74 : i32
      %get3A_1955 = arith.index_cast %get3A_1954 : i32 to index
      %get3A_1956 = arith.index_cast %mul3A_1285 : i32 to index
      %get3A_1957 = tpu.vector_load %arg10[%get3A_1955, %get3A_1956] {strides = array<i32>} : memref<128x128xf32, #tpu.memory_space<vmem>>, vector<16xf32>,
      %mul3A_1958 = vector.broadcast %squeeze3A_1953 : f32 to vector<16xf32>
      %mul3A_1959 = arith.mulf %mul3A_1958, %get3A_1957 : vector<16xf32>
      %add3A_1960 = arith.addf %add3A_1951, %mul3A_1959 : vector<16xf32>
      %slice3A_1961 = vector.extract_strided_slice %add3A_926 {offsets = [11], sizes = [1], strides = [1]} : vector<16xf32> to vector<1xf32>
      %squeeze3A_1962 = vector.extract %slice3A_1961[0] : f32 from vector<1xf32>
      %get3A_1963 = arith.constant 75 : i32
      %get3A_1964 = arith.index_cast %get3A_1963 : i32 to index
      %get3A_1965 = arith.index_cast %mul3A_1285 : i32 to index
      %get3A_1966 = tpu.vector_load %arg10[%get3A_1964, %get3A_1965] {strides = array<i32>} : memref<128x128xf32, #tpu.memory_space<vmem>>, vector<16xf32>,
      %mul3A_1967 = vector.broadcast %squeeze3A_1962 : f32 to vector<16xf32>
      %mul3A_1968 = arith.mulf %mul3A_1967, %get3A_1966 : vector<16xf32>
      %add3A_1969 = arith.addf %add3A_1960, %mul3A_1968 : vector<16xf32>
      %slice3A_1970 = vector.extract_strided_slice %add3A_926 {offsets = [12], sizes = [1], strides = [1]} : vector<16xf32> to vector<1xf32>
      %squeeze3A_1971 = vector.extract %slice3A_1970[0] : f32 from vector<1xf32>
      %get3A_1972 = arith.constant 76 : i32
      %get3A_1973 = arith.index_cast %get3A_1972 : i32 to index
      %get3A_1974 = arith.index_cast %mul3A_1285 : i32 to index
      %get3A_1975 = tpu.vector_load %arg10[%get3A_1973, %get3A_1974] {strides = array<i32>} : memref<128x128xf32, #tpu.memory_space<vmem>>, vector<16xf32>,
      %mul3A_1976 = vector.broadcast %squeeze3A_1971 : f32 to vector<16xf32>
      %mul3A_1977 = arith.mulf %mul3A_1976, %get3A_1975 : vector<16xf32>
      %add3A_1978 = arith.addf %add3A_1969, %mul3A_1977 : vector<16xf32>
      %slice3A_1979 = vector.extract_strided_slice %add3A_926 {offsets = [13], sizes = [1], strides = [1]} : vector<16xf32> to vector<1xf32>
      %squeeze3A_1980 = vector.extract %slice3A_1979[0] : f32 from vector<1xf32>
      %get3A_1981 = arith.constant 77 : i32
      %get3A_1982 = arith.index_cast %get3A_1981 : i32 to index
      %get3A_1983 = arith.index_cast %mul3A_1285 : i32 to index
      %get3A_1984 = tpu.vector_load %arg10[%get3A_1982, %get3A_1983] {strides = array<i32>} : memref<128x128xf32, #tpu.memory_space<vmem>>, vector<16xf32>,
      %mul3A_1985 = vector.broadcast %squeeze3A_1980 : f32 to vector<16xf32>
      %mul3A_1986 = arith.mulf %mul3A_1985, %get3A_1984 : vector<16xf32>
      %add3A_1987 = arith.addf %add3A_1978, %mul3A_1986 : vector<16xf32>
      %slice3A_1988 = vector.extract_strided_slice %add3A_926 {offsets = [14], sizes = [1], strides = [1]} : vector<16xf32> to vector<1xf32>
      %squeeze3A_1989 = vector.extract %slice3A_1988[0] : f32 from vector<1xf32>
      %get3A_1990 = arith.constant 78 : i32
      %get3A_1991 = arith.index_cast %get3A_1990 : i32 to index
      %get3A_1992 = arith.index_cast %mul3A_1285 : i32 to index
      %get3A_1993 = tpu.vector_load %arg10[%get3A_1991, %get3A_1992] {strides = array<i32>} : memref<128x128xf32, #tpu.memory_space<vmem>>, vector<16xf32>,
      %mul3A_1994 = vector.broadcast %squeeze3A_1989 : f32 to vector<16xf32>
      %mul3A_1995 = arith.mulf %mul3A_1994, %get3A_1993 : vector<16xf32>
      %add3A_1996 = arith.addf %add3A_1987, %mul3A_1995 : vector<16xf32>
      %slice3A_1997 = vector.extract_strided_slice %add3A_926 {offsets = [15], sizes = [1], strides = [1]} : vector<16xf32> to vector<1xf32>
      %squeeze3A_1998 = vector.extract %slice3A_1997[0] : f32 from vector<1xf32>
      %get3A_1999 = arith.constant 79 : i32
      %get3A_2000 = arith.index_cast %get3A_1999 : i32 to index
      %get3A_2001 = arith.index_cast %mul3A_1285 : i32 to index
      %get3A_2002 = tpu.vector_load %arg10[%get3A_2000, %get3A_2001] {strides = array<i32>} : memref<128x128xf32, #tpu.memory_space<vmem>>, vector<16xf32>,
      %mul3A_2003 = vector.broadcast %squeeze3A_1998 : f32 to vector<16xf32>
      %mul3A_2004 = arith.mulf %mul3A_2003, %get3A_2002 : vector<16xf32>
      %add3A_2005 = arith.addf %add3A_1996, %mul3A_2004 : vector<16xf32>
      %slice3A_2006 = vector.extract_strided_slice %add3A_1045 {offsets = [0], sizes = [1], strides = [1]} : vector<16xf32> to vector<1xf32>
      %squeeze3A_2007 = vector.extract %slice3A_2006[0] : f32 from vector<1xf32>
      %get3A_2008 = arith.constant 80 : i32
      %get3A_2009 = arith.index_cast %get3A_2008 : i32 to index
      %get3A_2010 = arith.index_cast %mul3A_1285 : i32 to index
      %get3A_2011 = tpu.vector_load %arg10[%get3A_2009, %get3A_2010] {strides = array<i32>} : memref<128x128xf32, #tpu.memory_space<vmem>>, vector<16xf32>,
      %mul3A_2012 = vector.broadcast %squeeze3A_2007 : f32 to vector<16xf32>
      %mul3A_2013 = arith.mulf %mul3A_2012, %get3A_2011 : vector<16xf32>
      %add3A_2014 = arith.addf %add3A_2005, %mul3A_2013 : vector<16xf32>
      %slice3A_2015 = vector.extract_strided_slice %add3A_1045 {offsets = [1], sizes = [1], strides = [1]} : vector<16xf32> to vector<1xf32>
      %squeeze3A_2016 = vector.extract %slice3A_2015[0] : f32 from vector<1xf32>
      %get3A_2017 = arith.constant 81 : i32
      %get3A_2018 = arith.index_cast %get3A_2017 : i32 to index
      %get3A_2019 = arith.index_cast %mul3A_1285 : i32 to index
      %get3A_2020 = tpu.vector_load %arg10[%get3A_2018, %get3A_2019] {strides = array<i32>} : memref<128x128xf32, #tpu.memory_space<vmem>>, vector<16xf32>,
      %mul3A_2021 = vector.broadcast %squeeze3A_2016 : f32 to vector<16xf32>
      %mul3A_2022 = arith.mulf %mul3A_2021, %get3A_2020 : vector<16xf32>
      %add3A_2023 = arith.addf %add3A_2014, %mul3A_2022 : vector<16xf32>
      %slice3A_2024 = vector.extract_strided_slice %add3A_1045 {offsets = [2], sizes = [1], strides = [1]} : vector<16xf32> to vector<1xf32>
      %squeeze3A_2025 = vector.extract %slice3A_2024[0] : f32 from vector<1xf32>
      %get3A_2026 = arith.constant 82 : i32
      %get3A_2027 = arith.index_cast %get3A_2026 : i32 to index
      %get3A_2028 = arith.index_cast %mul3A_1285 : i32 to index
      %get3A_2029 = tpu.vector_load %arg10[%get3A_2027, %get3A_2028] {strides = array<i32>} : memref<128x128xf32, #tpu.memory_space<vmem>>, vector<16xf32>,
      %mul3A_2030 = vector.broadcast %squeeze3A_2025 : f32 to vector<16xf32>
      %mul3A_2031 = arith.mulf %mul3A_2030, %get3A_2029 : vector<16xf32>
      %add3A_2032 = arith.addf %add3A_2023, %mul3A_2031 : vector<16xf32>
      %slice3A_2033 = vector.extract_strided_slice %add3A_1045 {offsets = [3], sizes = [1], strides = [1]} : vector<16xf32> to vector<1xf32>
      %squeeze3A_2034 = vector.extract %slice3A_2033[0] : f32 from vector<1xf32>
      %get3A_2035 = arith.constant 83 : i32
      %get3A_2036 = arith.index_cast %get3A_2035 : i32 to index
      %get3A_2037 = arith.index_cast %mul3A_1285 : i32 to index
      %get3A_2038 = tpu.vector_load %arg10[%get3A_2036, %get3A_2037] {strides = array<i32>} : memref<128x128xf32, #tpu.memory_space<vmem>>, vector<16xf32>,
      %mul3A_2039 = vector.broadcast %squeeze3A_2034 : f32 to vector<16xf32>
      %mul3A_2040 = arith.mulf %mul3A_2039, %get3A_2038 : vector<16xf32>
      %add3A_2041 = arith.addf %add3A_2032, %mul3A_2040 : vector<16xf32>
      %slice3A_2042 = vector.extract_strided_slice %add3A_1045 {offsets = [4], sizes = [1], strides = [1]} : vector<16xf32> to vector<1xf32>
      %squeeze3A_2043 = vector.extract %slice3A_2042[0] : f32 from vector<1xf32>
      %get3A_2044 = arith.constant 84 : i32
      %get3A_2045 = arith.index_cast %get3A_2044 : i32 to index
      %get3A_2046 = arith.index_cast %mul3A_1285 : i32 to index
      %get3A_2047 = tpu.vector_load %arg10[%get3A_2045, %get3A_2046] {strides = array<i32>} : memref<128x128xf32, #tpu.memory_space<vmem>>, vector<16xf32>,
      %mul3A_2048 = vector.broadcast %squeeze3A_2043 : f32 to vector<16xf32>
      %mul3A_2049 = arith.mulf %mul3A_2048, %get3A_2047 : vector<16xf32>
      %add3A_2050 = arith.addf %add3A_2041, %mul3A_2049 : vector<16xf32>
      %slice3A_2051 = vector.extract_strided_slice %add3A_1045 {offsets = [5], sizes = [1], strides = [1]} : vector<16xf32> to vector<1xf32>
      %squeeze3A_2052 = vector.extract %slice3A_2051[0] : f32 from vector<1xf32>
      %get3A_2053 = arith.constant 85 : i32
      %get3A_2054 = arith.index_cast %get3A_2053 : i32 to index
      %get3A_2055 = arith.index_cast %mul3A_1285 : i32 to index
      %get3A_2056 = tpu.vector_load %arg10[%get3A_2054, %get3A_2055] {strides = array<i32>} : memref<128x128xf32, #tpu.memory_space<vmem>>, vector<16xf32>,
      %mul3A_2057 = vector.broadcast %squeeze3A_2052 : f32 to vector<16xf32>
      %mul3A_2058 = arith.mulf %mul3A_2057, %get3A_2056 : vector<16xf32>
      %add3A_2059 = arith.addf %add3A_2050, %mul3A_2058 : vector<16xf32>
      %slice3A_2060 = vector.extract_strided_slice %add3A_1045 {offsets = [6], sizes = [1], strides = [1]} : vector<16xf32> to vector<1xf32>
      %squeeze3A_2061 = vector.extract %slice3A_2060[0] : f32 from vector<1xf32>
      %get3A_2062 = arith.constant 86 : i32
      %get3A_2063 = arith.index_cast %get3A_2062 : i32 to index
      %get3A_2064 = arith.index_cast %mul3A_1285 : i32 to index
      %get3A_2065 = tpu.vector_load %arg10[%get3A_2063, %get3A_2064] {strides = array<i32>} : memref<128x128xf32, #tpu.memory_space<vmem>>, vector<16xf32>,
      %mul3A_2066 = vector.broadcast %squeeze3A_2061 : f32 to vector<16xf32>
      %mul3A_2067 = arith.mulf %mul3A_2066, %get3A_2065 : vector<16xf32>
      %add3A_2068 = arith.addf %add3A_2059, %mul3A_2067 : vector<16xf32>
      %slice3A_2069 = vector.extract_strided_slice %add3A_1045 {offsets = [7], sizes = [1], strides = [1]} : vector<16xf32> to vector<1xf32>
      %squeeze3A_2070 = vector.extract %slice3A_2069[0] : f32 from vector<1xf32>
      %get3A_2071 = arith.constant 87 : i32
      %get3A_2072 = arith.index_cast %get3A_2071 : i32 to index
      %get3A_2073 = arith.index_cast %mul3A_1285 : i32 to index
      %get3A_2074 = tpu.vector_load %arg10[%get3A_2072, %get3A_2073] {strides = array<i32>} : memref<128x128xf32, #tpu.memory_space<vmem>>, vector<16xf32>,
      %mul3A_2075 = vector.broadcast %squeeze3A_2070 : f32 to vector<16xf32>
      %mul3A_2076 = arith.mulf %mul3A_2075, %get3A_2074 : vector<16xf32>
      %add3A_2077 = arith.addf %add3A_2068, %mul3A_2076 : vector<16xf32>
      %slice3A_2078 = vector.extract_strided_slice %add3A_1045 {offsets = [8], sizes = [1], strides = [1]} : vector<16xf32> to vector<1xf32>
      %squeeze3A_2079 = vector.extract %slice3A_2078[0] : f32 from vector<1xf32>
      %get3A_2080 = arith.constant 88 : i32
      %get3A_2081 = arith.index_cast %get3A_2080 : i32 to index
      %get3A_2082 = arith.index_cast %mul3A_1285 : i32 to index
      %get3A_2083 = tpu.vector_load %arg10[%get3A_2081, %get3A_2082] {strides = array<i32>} : memref<128x128xf32, #tpu.memory_space<vmem>>, vector<16xf32>,
      %mul3A_2084 = vector.broadcast %squeeze3A_2079 : f32 to vector<16xf32>
      %mul3A_2085 = arith.mulf %mul3A_2084, %get3A_2083 : vector<16xf32>
      %add3A_2086 = arith.addf %add3A_2077, %mul3A_2085 : vector<16xf32>
      %slice3A_2087 = vector.extract_strided_slice %add3A_1045 {offsets = [9], sizes = [1], strides = [1]} : vector<16xf32> to vector<1xf32>
      %squeeze3A_2088 = vector.extract %slice3A_2087[0] : f32 from vector<1xf32>
      %get3A_2089 = arith.constant 89 : i32
      %get3A_2090 = arith.index_cast %get3A_2089 : i32 to index
      %get3A_2091 = arith.index_cast %mul3A_1285 : i32 to index
      %get3A_2092 = tpu.vector_load %arg10[%get3A_2090, %get3A_2091] {strides = array<i32>} : memref<128x128xf32, #tpu.memory_space<vmem>>, vector<16xf32>,
      %mul3A_2093 = vector.broadcast %squeeze3A_2088 : f32 to vector<16xf32>
      %mul3A_2094 = arith.mulf %mul3A_2093, %get3A_2092 : vector<16xf32>
      %add3A_2095 = arith.addf %add3A_2086, %mul3A_2094 : vector<16xf32>
      %slice3A_2096 = vector.extract_strided_slice %add3A_1045 {offsets = [10], sizes = [1], strides = [1]} : vector<16xf32> to vector<1xf32>
      %squeeze3A_2097 = vector.extract %slice3A_2096[0] : f32 from vector<1xf32>
      %get3A_2098 = arith.constant 90 : i32
      %get3A_2099 = arith.index_cast %get3A_2098 : i32 to index
      %get3A_2100 = arith.index_cast %mul3A_1285 : i32 to index
      %get3A_2101 = tpu.vector_load %arg10[%get3A_2099, %get3A_2100] {strides = array<i32>} : memref<128x128xf32, #tpu.memory_space<vmem>>, vector<16xf32>,
      %mul3A_2102 = vector.broadcast %squeeze3A_2097 : f32 to vector<16xf32>
      %mul3A_2103 = arith.mulf %mul3A_2102, %get3A_2101 : vector<16xf32>
      %add3A_2104 = arith.addf %add3A_2095, %mul3A_2103 : vector<16xf32>
      %slice3A_2105 = vector.extract_strided_slice %add3A_1045 {offsets = [11], sizes = [1], strides = [1]} : vector<16xf32> to vector<1xf32>
      %squeeze3A_2106 = vector.extract %slice3A_2105[0] : f32 from vector<1xf32>
      %get3A_2107 = arith.constant 91 : i32
      %get3A_2108 = arith.index_cast %get3A_2107 : i32 to index
      %get3A_2109 = arith.index_cast %mul3A_1285 : i32 to index
      %get3A_2110 = tpu.vector_load %arg10[%get3A_2108, %get3A_2109] {strides = array<i32>} : memref<128x128xf32, #tpu.memory_space<vmem>>, vector<16xf32>,
      %mul3A_2111 = vector.broadcast %squeeze3A_2106 : f32 to vector<16xf32>
      %mul3A_2112 = arith.mulf %mul3A_2111, %get3A_2110 : vector<16xf32>
      %add3A_2113 = arith.addf %add3A_2104, %mul3A_2112 : vector<16xf32>
      %slice3A_2114 = vector.extract_strided_slice %add3A_1045 {offsets = [12], sizes = [1], strides = [1]} : vector<16xf32> to vector<1xf32>
      %squeeze3A_2115 = vector.extract %slice3A_2114[0] : f32 from vector<1xf32>
      %get3A_2116 = arith.constant 92 : i32
      %get3A_2117 = arith.index_cast %get3A_2116 : i32 to index
      %get3A_2118 = arith.index_cast %mul3A_1285 : i32 to index
      %get3A_2119 = tpu.vector_load %arg10[%get3A_2117, %get3A_2118] {strides = array<i32>} : memref<128x128xf32, #tpu.memory_space<vmem>>, vector<16xf32>,
      %mul3A_2120 = vector.broadcast %squeeze3A_2115 : f32 to vector<16xf32>
      %mul3A_2121 = arith.mulf %mul3A_2120, %get3A_2119 : vector<16xf32>
      %add3A_2122 = arith.addf %add3A_2113, %mul3A_2121 : vector<16xf32>
      %slice3A_2123 = vector.extract_strided_slice %add3A_1045 {offsets = [13], sizes = [1], strides = [1]} : vector<16xf32> to vector<1xf32>
      %squeeze3A_2124 = vector.extract %slice3A_2123[0] : f32 from vector<1xf32>
      %get3A_2125 = arith.constant 93 : i32
      %get3A_2126 = arith.index_cast %get3A_2125 : i32 to index
      %get3A_2127 = arith.index_cast %mul3A_1285 : i32 to index
      %get3A_2128 = tpu.vector_load %arg10[%get3A_2126, %get3A_2127] {strides = array<i32>} : memref<128x128xf32, #tpu.memory_space<vmem>>, vector<16xf32>,
      %mul3A_2129 = vector.broadcast %squeeze3A_2124 : f32 to vector<16xf32>
      %mul3A_2130 = arith.mulf %mul3A_2129, %get3A_2128 : vector<16xf32>
      %add3A_2131 = arith.addf %add3A_2122, %mul3A_2130 : vector<16xf32>
      %slice3A_2132 = vector.extract_strided_slice %add3A_1045 {offsets = [14], sizes = [1], strides = [1]} : vector<16xf32> to vector<1xf32>
      %squeeze3A_2133 = vector.extract %slice3A_2132[0] : f32 from vector<1xf32>
      %get3A_2134 = arith.constant 94 : i32
      %get3A_2135 = arith.index_cast %get3A_2134 : i32 to index
      %get3A_2136 = arith.index_cast %mul3A_1285 : i32 to index
      %get3A_2137 = tpu.vector_load %arg10[%get3A_2135, %get3A_2136] {strides = array<i32>} : memref<128x128xf32, #tpu.memory_space<vmem>>, vector<16xf32>,
      %mul3A_2138 = vector.broadcast %squeeze3A_2133 : f32 to vector<16xf32>
      %mul3A_2139 = arith.mulf %mul3A_2138, %get3A_2137 : vector<16xf32>
      %add3A_2140 = arith.addf %add3A_2131, %mul3A_2139 : vector<16xf32>
      %slice3A_2141 = vector.extract_strided_slice %add3A_1045 {offsets = [15], sizes = [1], strides = [1]} : vector<16xf32> to vector<1xf32>
      %squeeze3A_2142 = vector.extract %slice3A_2141[0] : f32 from vector<1xf32>
      %get3A_2143 = arith.constant 95 : i32
      %get3A_2144 = arith.index_cast %get3A_2143 : i32 to index
      %get3A_2145 = arith.index_cast %mul3A_1285 : i32 to index
      %get3A_2146 = tpu.vector_load %arg10[%get3A_2144, %get3A_2145] {strides = array<i32>} : memref<128x128xf32, #tpu.memory_space<vmem>>, vector<16xf32>,
      %mul3A_2147 = vector.broadcast %squeeze3A_2142 : f32 to vector<16xf32>
      %mul3A_2148 = arith.mulf %mul3A_2147, %get3A_2146 : vector<16xf32>
      %add3A_2149 = arith.addf %add3A_2140, %mul3A_2148 : vector<16xf32>
      %slice3A_2150 = vector.extract_strided_slice %add3A_1164 {offsets = [0], sizes = [1], strides = [1]} : vector<16xf32> to vector<1xf32>
      %squeeze3A_2151 = vector.extract %slice3A_2150[0] : f32 from vector<1xf32>
      %get3A_2152 = arith.constant 96 : i32
      %get3A_2153 = arith.index_cast %get3A_2152 : i32 to index
      %get3A_2154 = arith.index_cast %mul3A_1285 : i32 to index
      %get3A_2155 = tpu.vector_load %arg10[%get3A_2153, %get3A_2154] {strides = array<i32>} : memref<128x128xf32, #tpu.memory_space<vmem>>, vector<16xf32>,
      %mul3A_2156 = vector.broadcast %squeeze3A_2151 : f32 to vector<16xf32>
      %mul3A_2157 = arith.mulf %mul3A_2156, %get3A_2155 : vector<16xf32>
      %add3A_2158 = arith.addf %add3A_2149, %mul3A_2157 : vector<16xf32>
      %slice3A_2159 = vector.extract_strided_slice %add3A_1164 {offsets = [1], sizes = [1], strides = [1]} : vector<16xf32> to vector<1xf32>
      %squeeze3A_2160 = vector.extract %slice3A_2159[0] : f32 from vector<1xf32>
      %get3A_2161 = arith.constant 97 : i32
      %get3A_2162 = arith.index_cast %get3A_2161 : i32 to index
      %get3A_2163 = arith.index_cast %mul3A_1285 : i32 to index
      %get3A_2164 = tpu.vector_load %arg10[%get3A_2162, %get3A_2163] {strides = array<i32>} : memref<128x128xf32, #tpu.memory_space<vmem>>, vector<16xf32>,
      %mul3A_2165 = vector.broadcast %squeeze3A_2160 : f32 to vector<16xf32>
      %mul3A_2166 = arith.mulf %mul3A_2165, %get3A_2164 : vector<16xf32>
      %add3A_2167 = arith.addf %add3A_2158, %mul3A_2166 : vector<16xf32>
      %slice3A_2168 = vector.extract_strided_slice %add3A_1164 {offsets = [2], sizes = [1], strides = [1]} : vector<16xf32> to vector<1xf32>
      %squeeze3A_2169 = vector.extract %slice3A_2168[0] : f32 from vector<1xf32>
      %get3A_2170 = arith.constant 98 : i32
      %get3A_2171 = arith.index_cast %get3A_2170 : i32 to index
      %get3A_2172 = arith.index_cast %mul3A_1285 : i32 to index
      %get3A_2173 = tpu.vector_load %arg10[%get3A_2171, %get3A_2172] {strides = array<i32>} : memref<128x128xf32, #tpu.memory_space<vmem>>, vector<16xf32>,
      %mul3A_2174 = vector.broadcast %squeeze3A_2169 : f32 to vector<16xf32>
      %mul3A_2175 = arith.mulf %mul3A_2174, %get3A_2173 : vector<16xf32>
      %add3A_2176 = arith.addf %add3A_2167, %mul3A_2175 : vector<16xf32>
      %slice3A_2177 = vector.extract_strided_slice %add3A_1164 {offsets = [3], sizes = [1], strides = [1]} : vector<16xf32> to vector<1xf32>
      %squeeze3A_2178 = vector.extract %slice3A_2177[0] : f32 from vector<1xf32>
      %get3A_2179 = arith.constant 99 : i32
      %get3A_2180 = arith.index_cast %get3A_2179 : i32 to index
      %get3A_2181 = arith.index_cast %mul3A_1285 : i32 to index
      %get3A_2182 = tpu.vector_load %arg10[%get3A_2180, %get3A_2181] {strides = array<i32>} : memref<128x128xf32, #tpu.memory_space<vmem>>, vector<16xf32>,
      %mul3A_2183 = vector.broadcast %squeeze3A_2178 : f32 to vector<16xf32>
      %mul3A_2184 = arith.mulf %mul3A_2183, %get3A_2182 : vector<16xf32>
      %add3A_2185 = arith.addf %add3A_2176, %mul3A_2184 : vector<16xf32>
      %slice3A_2186 = vector.extract_strided_slice %add3A_1164 {offsets = [4], sizes = [1], strides = [1]} : vector<16xf32> to vector<1xf32>
      %squeeze3A_2187 = vector.extract %slice3A_2186[0] : f32 from vector<1xf32>
      %get3A_2188 = arith.constant 100 : i32
      %get3A_2189 = arith.index_cast %get3A_2188 : i32 to index
      %get3A_2190 = arith.index_cast %mul3A_1285 : i32 to index
      %get3A_2191 = tpu.vector_load %arg10[%get3A_2189, %get3A_2190] {strides = array<i32>} : memref<128x128xf32, #tpu.memory_space<vmem>>, vector<16xf32>,
      %mul3A_2192 = vector.broadcast %squeeze3A_2187 : f32 to vector<16xf32>
      %mul3A_2193 = arith.mulf %mul3A_2192, %get3A_2191 : vector<16xf32>
      %add3A_2194 = arith.addf %add3A_2185, %mul3A_2193 : vector<16xf32>
      %slice3A_2195 = vector.extract_strided_slice %add3A_1164 {offsets = [5], sizes = [1], strides = [1]} : vector<16xf32> to vector<1xf32>
      %squeeze3A_2196 = vector.extract %slice3A_2195[0] : f32 from vector<1xf32>
      %get3A_2197 = arith.constant 101 : i32
      %get3A_2198 = arith.index_cast %get3A_2197 : i32 to index
      %get3A_2199 = arith.index_cast %mul3A_1285 : i32 to index
      %get3A_2200 = tpu.vector_load %arg10[%get3A_2198, %get3A_2199] {strides = array<i32>} : memref<128x128xf32, #tpu.memory_space<vmem>>, vector<16xf32>,
      %mul3A_2201 = vector.broadcast %squeeze3A_2196 : f32 to vector<16xf32>
      %mul3A_2202 = arith.mulf %mul3A_2201, %get3A_2200 : vector<16xf32>
      %add3A_2203 = arith.addf %add3A_2194, %mul3A_2202 : vector<16xf32>
      %slice3A_2204 = vector.extract_strided_slice %add3A_1164 {offsets = [6], sizes = [1], strides = [1]} : vector<16xf32> to vector<1xf32>
      %squeeze3A_2205 = vector.extract %slice3A_2204[0] : f32 from vector<1xf32>
      %get3A_2206 = arith.constant 102 : i32
      %get3A_2207 = arith.index_cast %get3A_2206 : i32 to index
      %get3A_2208 = arith.index_cast %mul3A_1285 : i32 to index
      %get3A_2209 = tpu.vector_load %arg10[%get3A_2207, %get3A_2208] {strides = array<i32>} : memref<128x128xf32, #tpu.memory_space<vmem>>, vector<16xf32>,
      %mul3A_2210 = vector.broadcast %squeeze3A_2205 : f32 to vector<16xf32>
      %mul3A_2211 = arith.mulf %mul3A_2210, %get3A_2209 : vector<16xf32>
      %add3A_2212 = arith.addf %add3A_2203, %mul3A_2211 : vector<16xf32>
      %slice3A_2213 = vector.extract_strided_slice %add3A_1164 {offsets = [7], sizes = [1], strides = [1]} : vector<16xf32> to vector<1xf32>
      %squeeze3A_2214 = vector.extract %slice3A_2213[0] : f32 from vector<1xf32>
      %get3A_2215 = arith.constant 103 : i32
      %get3A_2216 = arith.index_cast %get3A_2215 : i32 to index
      %get3A_2217 = arith.index_cast %mul3A_1285 : i32 to index
      %get3A_2218 = tpu.vector_load %arg10[%get3A_2216, %get3A_2217] {strides = array<i32>} : memref<128x128xf32, #tpu.memory_space<vmem>>, vector<16xf32>,
      %mul3A_2219 = vector.broadcast %squeeze3A_2214 : f32 to vector<16xf32>
      %mul3A_2220 = arith.mulf %mul3A_2219, %get3A_2218 : vector<16xf32>
      %add3A_2221 = arith.addf %add3A_2212, %mul3A_2220 : vector<16xf32>
      %slice3A_2222 = vector.extract_strided_slice %add3A_1164 {offsets = [8], sizes = [1], strides = [1]} : vector<16xf32> to vector<1xf32>
      %squeeze3A_2223 = vector.extract %slice3A_2222[0] : f32 from vector<1xf32>
      %get3A_2224 = arith.constant 104 : i32
      %get3A_2225 = arith.index_cast %get3A_2224 : i32 to index
      %get3A_2226 = arith.index_cast %mul3A_1285 : i32 to index
      %get3A_2227 = tpu.vector_load %arg10[%get3A_2225, %get3A_2226] {strides = array<i32>} : memref<128x128xf32, #tpu.memory_space<vmem>>, vector<16xf32>,
      %mul3A_2228 = vector.broadcast %squeeze3A_2223 : f32 to vector<16xf32>
      %mul3A_2229 = arith.mulf %mul3A_2228, %get3A_2227 : vector<16xf32>
      %add3A_2230 = arith.addf %add3A_2221, %mul3A_2229 : vector<16xf32>
      %slice3A_2231 = vector.extract_strided_slice %add3A_1164 {offsets = [9], sizes = [1], strides = [1]} : vector<16xf32> to vector<1xf32>
      %squeeze3A_2232 = vector.extract %slice3A_2231[0] : f32 from vector<1xf32>
      %get3A_2233 = arith.constant 105 : i32
      %get3A_2234 = arith.index_cast %get3A_2233 : i32 to index
      %get3A_2235 = arith.index_cast %mul3A_1285 : i32 to index
      %get3A_2236 = tpu.vector_load %arg10[%get3A_2234, %get3A_2235] {strides = array<i32>} : memref<128x128xf32, #tpu.memory_space<vmem>>, vector<16xf32>,
      %mul3A_2237 = vector.broadcast %squeeze3A_2232 : f32 to vector<16xf32>
      %mul3A_2238 = arith.mulf %mul3A_2237, %get3A_2236 : vector<16xf32>
      %add3A_2239 = arith.addf %add3A_2230, %mul3A_2238 : vector<16xf32>
      %slice3A_2240 = vector.extract_strided_slice %add3A_1164 {offsets = [10], sizes = [1], strides = [1]} : vector<16xf32> to vector<1xf32>
      %squeeze3A_2241 = vector.extract %slice3A_2240[0] : f32 from vector<1xf32>
      %get3A_2242 = arith.constant 106 : i32
      %get3A_2243 = arith.index_cast %get3A_2242 : i32 to index
      %get3A_2244 = arith.index_cast %mul3A_1285 : i32 to index
      %get3A_2245 = tpu.vector_load %arg10[%get3A_2243, %get3A_2244] {strides = array<i32>} : memref<128x128xf32, #tpu.memory_space<vmem>>, vector<16xf32>,
      %mul3A_2246 = vector.broadcast %squeeze3A_2241 : f32 to vector<16xf32>
      %mul3A_2247 = arith.mulf %mul3A_2246, %get3A_2245 : vector<16xf32>
      %add3A_2248 = arith.addf %add3A_2239, %mul3A_2247 : vector<16xf32>
      %slice3A_2249 = vector.extract_strided_slice %add3A_1164 {offsets = [11], sizes = [1], strides = [1]} : vector<16xf32> to vector<1xf32>
      %squeeze3A_2250 = vector.extract %slice3A_2249[0] : f32 from vector<1xf32>
      %get3A_2251 = arith.constant 107 : i32
      %get3A_2252 = arith.index_cast %get3A_2251 : i32 to index
      %get3A_2253 = arith.index_cast %mul3A_1285 : i32 to index
      %get3A_2254 = tpu.vector_load %arg10[%get3A_2252, %get3A_2253] {strides = array<i32>} : memref<128x128xf32, #tpu.memory_space<vmem>>, vector<16xf32>,
      %mul3A_2255 = vector.broadcast %squeeze3A_2250 : f32 to vector<16xf32>
      %mul3A_2256 = arith.mulf %mul3A_2255, %get3A_2254 : vector<16xf32>
      %add3A_2257 = arith.addf %add3A_2248, %mul3A_2256 : vector<16xf32>
      %slice3A_2258 = vector.extract_strided_slice %add3A_1164 {offsets = [12], sizes = [1], strides = [1]} : vector<16xf32> to vector<1xf32>
      %squeeze3A_2259 = vector.extract %slice3A_2258[0] : f32 from vector<1xf32>
      %get3A_2260 = arith.constant 108 : i32
      %get3A_2261 = arith.index_cast %get3A_2260 : i32 to index
      %get3A_2262 = arith.index_cast %mul3A_1285 : i32 to index
      %get3A_2263 = tpu.vector_load %arg10[%get3A_2261, %get3A_2262] {strides = array<i32>} : memref<128x128xf32, #tpu.memory_space<vmem>>, vector<16xf32>,
      %mul3A_2264 = vector.broadcast %squeeze3A_2259 : f32 to vector<16xf32>
      %mul3A_2265 = arith.mulf %mul3A_2264, %get3A_2263 : vector<16xf32>
      %add3A_2266 = arith.addf %add3A_2257, %mul3A_2265 : vector<16xf32>
      %slice3A_2267 = vector.extract_strided_slice %add3A_1164 {offsets = [13], sizes = [1], strides = [1]} : vector<16xf32> to vector<1xf32>
      %squeeze3A_2268 = vector.extract %slice3A_2267[0] : f32 from vector<1xf32>
      %get3A_2269 = arith.constant 109 : i32
      %get3A_2270 = arith.index_cast %get3A_2269 : i32 to index
      %get3A_2271 = arith.index_cast %mul3A_1285 : i32 to index
      %get3A_2272 = tpu.vector_load %arg10[%get3A_2270, %get3A_2271] {strides = array<i32>} : memref<128x128xf32, #tpu.memory_space<vmem>>, vector<16xf32>,
      %mul3A_2273 = vector.broadcast %squeeze3A_2268 : f32 to vector<16xf32>
      %mul3A_2274 = arith.mulf %mul3A_2273, %get3A_2272 : vector<16xf32>
      %add3A_2275 = arith.addf %add3A_2266, %mul3A_2274 : vector<16xf32>
      %slice3A_2276 = vector.extract_strided_slice %add3A_1164 {offsets = [14], sizes = [1], strides = [1]} : vector<16xf32> to vector<1xf32>
      %squeeze3A_2277 = vector.extract %slice3A_2276[0] : f32 from vector<1xf32>
      %get3A_2278 = arith.constant 110 : i32
      %get3A_2279 = arith.index_cast %get3A_2278 : i32 to index
      %get3A_2280 = arith.index_cast %mul3A_1285 : i32 to index
      %get3A_2281 = tpu.vector_load %arg10[%get3A_2279, %get3A_2280] {strides = array<i32>} : memref<128x128xf32, #tpu.memory_space<vmem>>, vector<16xf32>,
      %mul3A_2282 = vector.broadcast %squeeze3A_2277 : f32 to vector<16xf32>
      %mul3A_2283 = arith.mulf %mul3A_2282, %get3A_2281 : vector<16xf32>
      %add3A_2284 = arith.addf %add3A_2275, %mul3A_2283 : vector<16xf32>
      %slice3A_2285 = vector.extract_strided_slice %add3A_1164 {offsets = [15], sizes = [1], strides = [1]} : vector<16xf32> to vector<1xf32>
      %squeeze3A_2286 = vector.extract %slice3A_2285[0] : f32 from vector<1xf32>
      %get3A_2287 = arith.constant 111 : i32
      %get3A_2288 = arith.index_cast %get3A_2287 : i32 to index
      %get3A_2289 = arith.index_cast %mul3A_1285 : i32 to index
      %get3A_2290 = tpu.vector_load %arg10[%get3A_2288, %get3A_2289] {strides = array<i32>} : memref<128x128xf32, #tpu.memory_space<vmem>>, vector<16xf32>,
      %mul3A_2291 = vector.broadcast %squeeze3A_2286 : f32 to vector<16xf32>
      %mul3A_2292 = arith.mulf %mul3A_2291, %get3A_2290 : vector<16xf32>
      %add3A_2293 = arith.addf %add3A_2284, %mul3A_2292 : vector<16xf32>
      %slice3A_2294 = vector.extract_strided_slice %add3A_1283 {offsets = [0], sizes = [1], strides = [1]} : vector<16xf32> to vector<1xf32>
      %squeeze3A_2295 = vector.extract %slice3A_2294[0] : f32 from vector<1xf32>
      %get3A_2296 = arith.constant 112 : i32
      %get3A_2297 = arith.index_cast %get3A_2296 : i32 to index
      %get3A_2298 = arith.index_cast %mul3A_1285 : i32 to index
      %get3A_2299 = tpu.vector_load %arg10[%get3A_2297, %get3A_2298] {strides = array<i32>} : memref<128x128xf32, #tpu.memory_space<vmem>>, vector<16xf32>,
      %mul3A_2300 = vector.broadcast %squeeze3A_2295 : f32 to vector<16xf32>
      %mul3A_2301 = arith.mulf %mul3A_2300, %get3A_2299 : vector<16xf32>
      %add3A_2302 = arith.addf %add3A_2293, %mul3A_2301 : vector<16xf32>
      %slice3A_2303 = vector.extract_strided_slice %add3A_1283 {offsets = [1], sizes = [1], strides = [1]} : vector<16xf32> to vector<1xf32>
      %squeeze3A_2304 = vector.extract %slice3A_2303[0] : f32 from vector<1xf32>
      %get3A_2305 = arith.constant 113 : i32
      %get3A_2306 = arith.index_cast %get3A_2305 : i32 to index
      %get3A_2307 = arith.index_cast %mul3A_1285 : i32 to index
      %get3A_2308 = tpu.vector_load %arg10[%get3A_2306, %get3A_2307] {strides = array<i32>} : memref<128x128xf32, #tpu.memory_space<vmem>>, vector<16xf32>,
      %mul3A_2309 = vector.broadcast %squeeze3A_2304 : f32 to vector<16xf32>
      %mul3A_2310 = arith.mulf %mul3A_2309, %get3A_2308 : vector<16xf32>
      %add3A_2311 = arith.addf %add3A_2302, %mul3A_2310 : vector<16xf32>
      %slice3A_2312 = vector.extract_strided_slice %add3A_1283 {offsets = [2], sizes = [1], strides = [1]} : vector<16xf32> to vector<1xf32>
      %squeeze3A_2313 = vector.extract %slice3A_2312[0] : f32 from vector<1xf32>
      %get3A_2314 = arith.constant 114 : i32
      %get3A_2315 = arith.index_cast %get3A_2314 : i32 to index
      %get3A_2316 = arith.index_cast %mul3A_1285 : i32 to index
      %get3A_2317 = tpu.vector_load %arg10[%get3A_2315, %get3A_2316] {strides = array<i32>} : memref<128x128xf32, #tpu.memory_space<vmem>>, vector<16xf32>,
      %mul3A_2318 = vector.broadcast %squeeze3A_2313 : f32 to vector<16xf32>
      %mul3A_2319 = arith.mulf %mul3A_2318, %get3A_2317 : vector<16xf32>
      %add3A_2320 = arith.addf %add3A_2311, %mul3A_2319 : vector<16xf32>
      %slice3A_2321 = vector.extract_strided_slice %add3A_1283 {offsets = [3], sizes = [1], strides = [1]} : vector<16xf32> to vector<1xf32>
      %squeeze3A_2322 = vector.extract %slice3A_2321[0] : f32 from vector<1xf32>
      %get3A_2323 = arith.constant 115 : i32
      %get3A_2324 = arith.index_cast %get3A_2323 : i32 to index
      %get3A_2325 = arith.index_cast %mul3A_1285 : i32 to index
      %get3A_2326 = tpu.vector_load %arg10[%get3A_2324, %get3A_2325] {strides = array<i32>} : memref<128x128xf32, #tpu.memory_space<vmem>>, vector<16xf32>,
      %mul3A_2327 = vector.broadcast %squeeze3A_2322 : f32 to vector<16xf32>
      %mul3A_2328 = arith.mulf %mul3A_2327, %get3A_2326 : vector<16xf32>
      %add3A_2329 = arith.addf %add3A_2320, %mul3A_2328 : vector<16xf32>
      %slice3A_2330 = vector.extract_strided_slice %add3A_1283 {offsets = [4], sizes = [1], strides = [1]} : vector<16xf32> to vector<1xf32>
      %squeeze3A_2331 = vector.extract %slice3A_2330[0] : f32 from vector<1xf32>
      %get3A_2332 = arith.constant 116 : i32
      %get3A_2333 = arith.index_cast %get3A_2332 : i32 to index
      %get3A_2334 = arith.index_cast %mul3A_1285 : i32 to index
      %get3A_2335 = tpu.vector_load %arg10[%get3A_2333, %get3A_2334] {strides = array<i32>} : memref<128x128xf32, #tpu.memory_space<vmem>>, vector<16xf32>,
      %mul3A_2336 = vector.broadcast %squeeze3A_2331 : f32 to vector<16xf32>
      %mul3A_2337 = arith.mulf %mul3A_2336, %get3A_2335 : vector<16xf32>
      %add3A_2338 = arith.addf %add3A_2329, %mul3A_2337 : vector<16xf32>
      %slice3A_2339 = vector.extract_strided_slice %add3A_1283 {offsets = [5], sizes = [1], strides = [1]} : vector<16xf32> to vector<1xf32>
      %squeeze3A_2340 = vector.extract %slice3A_2339[0] : f32 from vector<1xf32>
      %get3A_2341 = arith.constant 117 : i32
      %get3A_2342 = arith.index_cast %get3A_2341 : i32 to index
      %get3A_2343 = arith.index_cast %mul3A_1285 : i32 to index
      %get3A_2344 = tpu.vector_load %arg10[%get3A_2342, %get3A_2343] {strides = array<i32>} : memref<128x128xf32, #tpu.memory_space<vmem>>, vector<16xf32>,
      %mul3A_2345 = vector.broadcast %squeeze3A_2340 : f32 to vector<16xf32>
      %mul3A_2346 = arith.mulf %mul3A_2345, %get3A_2344 : vector<16xf32>
      %add3A_2347 = arith.addf %add3A_2338, %mul3A_2346 : vector<16xf32>
      %slice3A_2348 = vector.extract_strided_slice %add3A_1283 {offsets = [6], sizes = [1], strides = [1]} : vector<16xf32> to vector<1xf32>
      %squeeze3A_2349 = vector.extract %slice3A_2348[0] : f32 from vector<1xf32>
      %get3A_2350 = arith.constant 118 : i32
      %get3A_2351 = arith.index_cast %get3A_2350 : i32 to index
      %get3A_2352 = arith.index_cast %mul3A_1285 : i32 to index
      %get3A_2353 = tpu.vector_load %arg10[%get3A_2351, %get3A_2352] {strides = array<i32>} : memref<128x128xf32, #tpu.memory_space<vmem>>, vector<16xf32>,
      %mul3A_2354 = vector.broadcast %squeeze3A_2349 : f32 to vector<16xf32>
      %mul3A_2355 = arith.mulf %mul3A_2354, %get3A_2353 : vector<16xf32>
      %add3A_2356 = arith.addf %add3A_2347, %mul3A_2355 : vector<16xf32>
      %slice3A_2357 = vector.extract_strided_slice %add3A_1283 {offsets = [7], sizes = [1], strides = [1]} : vector<16xf32> to vector<1xf32>
      %squeeze3A_2358 = vector.extract %slice3A_2357[0] : f32 from vector<1xf32>
      %get3A_2359 = arith.constant 119 : i32
      %get3A_2360 = arith.index_cast %get3A_2359 : i32 to index
      %get3A_2361 = arith.index_cast %mul3A_1285 : i32 to index
      %get3A_2362 = tpu.vector_load %arg10[%get3A_2360, %get3A_2361] {strides = array<i32>} : memref<128x128xf32, #tpu.memory_space<vmem>>, vector<16xf32>,
      %mul3A_2363 = vector.broadcast %squeeze3A_2358 : f32 to vector<16xf32>
      %mul3A_2364 = arith.mulf %mul3A_2363, %get3A_2362 : vector<16xf32>
      %add3A_2365 = arith.addf %add3A_2356, %mul3A_2364 : vector<16xf32>
      %slice3A_2366 = vector.extract_strided_slice %add3A_1283 {offsets = [8], sizes = [1], strides = [1]} : vector<16xf32> to vector<1xf32>
      %squeeze3A_2367 = vector.extract %slice3A_2366[0] : f32 from vector<1xf32>
      %get3A_2368 = arith.constant 120 : i32
      %get3A_2369 = arith.index_cast %get3A_2368 : i32 to index
      %get3A_2370 = arith.index_cast %mul3A_1285 : i32 to index
      %get3A_2371 = tpu.vector_load %arg10[%get3A_2369, %get3A_2370] {strides = array<i32>} : memref<128x128xf32, #tpu.memory_space<vmem>>, vector<16xf32>,
      %mul3A_2372 = vector.broadcast %squeeze3A_2367 : f32 to vector<16xf32>
      %mul3A_2373 = arith.mulf %mul3A_2372, %get3A_2371 : vector<16xf32>
      %add3A_2374 = arith.addf %add3A_2365, %mul3A_2373 : vector<16xf32>
      %slice3A_2375 = vector.extract_strided_slice %add3A_1283 {offsets = [9], sizes = [1], strides = [1]} : vector<16xf32> to vector<1xf32>
      %squeeze3A_2376 = vector.extract %slice3A_2375[0] : f32 from vector<1xf32>
      %get3A_2377 = arith.constant 121 : i32
      %get3A_2378 = arith.index_cast %get3A_2377 : i32 to index
      %get3A_2379 = arith.index_cast %mul3A_1285 : i32 to index
      %get3A_2380 = tpu.vector_load %arg10[%get3A_2378, %get3A_2379] {strides = array<i32>} : memref<128x128xf32, #tpu.memory_space<vmem>>, vector<16xf32>,
      %mul3A_2381 = vector.broadcast %squeeze3A_2376 : f32 to vector<16xf32>
      %mul3A_2382 = arith.mulf %mul3A_2381, %get3A_2380 : vector<16xf32>
      %add3A_2383 = arith.addf %add3A_2374, %mul3A_2382 : vector<16xf32>
      %slice3A_2384 = vector.extract_strided_slice %add3A_1283 {offsets = [10], sizes = [1], strides = [1]} : vector<16xf32> to vector<1xf32>
      %squeeze3A_2385 = vector.extract %slice3A_2384[0] : f32 from vector<1xf32>
      %get3A_2386 = arith.constant 122 : i32
      %get3A_2387 = arith.index_cast %get3A_2386 : i32 to index
      %get3A_2388 = arith.index_cast %mul3A_1285 : i32 to index
      %get3A_2389 = tpu.vector_load %arg10[%get3A_2387, %get3A_2388] {strides = array<i32>} : memref<128x128xf32, #tpu.memory_space<vmem>>, vector<16xf32>,
      %mul3A_2390 = vector.broadcast %squeeze3A_2385 : f32 to vector<16xf32>
      %mul3A_2391 = arith.mulf %mul3A_2390, %get3A_2389 : vector<16xf32>
      %add3A_2392 = arith.addf %add3A_2383, %mul3A_2391 : vector<16xf32>
      %slice3A_2393 = vector.extract_strided_slice %add3A_1283 {offsets = [11], sizes = [1], strides = [1]} : vector<16xf32> to vector<1xf32>
      %squeeze3A_2394 = vector.extract %slice3A_2393[0] : f32 from vector<1xf32>
      %get3A_2395 = arith.constant 123 : i32
      %get3A_2396 = arith.index_cast %get3A_2395 : i32 to index
      %get3A_2397 = arith.index_cast %mul3A_1285 : i32 to index
      %get3A_2398 = tpu.vector_load %arg10[%get3A_2396, %get3A_2397] {strides = array<i32>} : memref<128x128xf32, #tpu.memory_space<vmem>>, vector<16xf32>,
      %mul3A_2399 = vector.broadcast %squeeze3A_2394 : f32 to vector<16xf32>
      %mul3A_2400 = arith.mulf %mul3A_2399, %get3A_2398 : vector<16xf32>
      %add3A_2401 = arith.addf %add3A_2392, %mul3A_2400 : vector<16xf32>
      %slice3A_2402 = vector.extract_strided_slice %add3A_1283 {offsets = [12], sizes = [1], strides = [1]} : vector<16xf32> to vector<1xf32>
      %squeeze3A_2403 = vector.extract %slice3A_2402[0] : f32 from vector<1xf32>
      %get3A_2404 = arith.constant 124 : i32
      %get3A_2405 = arith.index_cast %get3A_2404 : i32 to index
      %get3A_2406 = arith.index_cast %mul3A_1285 : i32 to index
      %get3A_2407 = tpu.vector_load %arg10[%get3A_2405, %get3A_2406] {strides = array<i32>} : memref<128x128xf32, #tpu.memory_space<vmem>>, vector<16xf32>,
      %mul3A_2408 = vector.broadcast %squeeze3A_2403 : f32 to vector<16xf32>
      %mul3A_2409 = arith.mulf %mul3A_2408, %get3A_2407 : vector<16xf32>
      %add3A_2410 = arith.addf %add3A_2401, %mul3A_2409 : vector<16xf32>
      %slice3A_2411 = vector.extract_strided_slice %add3A_1283 {offsets = [13], sizes = [1], strides = [1]} : vector<16xf32> to vector<1xf32>
      %squeeze3A_2412 = vector.extract %slice3A_2411[0] : f32 from vector<1xf32>
      %get3A_2413 = arith.constant 125 : i32
      %get3A_2414 = arith.index_cast %get3A_2413 : i32 to index
      %get3A_2415 = arith.index_cast %mul3A_1285 : i32 to index
      %get3A_2416 = tpu.vector_load %arg10[%get3A_2414, %get3A_2415] {strides = array<i32>} : memref<128x128xf32, #tpu.memory_space<vmem>>, vector<16xf32>,
      %mul3A_2417 = vector.broadcast %squeeze3A_2412 : f32 to vector<16xf32>
      %mul3A_2418 = arith.mulf %mul3A_2417, %get3A_2416 : vector<16xf32>
      %add3A_2419 = arith.addf %add3A_2410, %mul3A_2418 : vector<16xf32>
      %slice3A_2420 = vector.extract_strided_slice %add3A_1283 {offsets = [14], sizes = [1], strides = [1]} : vector<16xf32> to vector<1xf32>
      %squeeze3A_2421 = vector.extract %slice3A_2420[0] : f32 from vector<1xf32>
      %get3A_2422 = arith.constant 126 : i32
      %get3A_2423 = arith.index_cast %get3A_2422 : i32 to index
      %get3A_2424 = arith.index_cast %mul3A_1285 : i32 to index
      %get3A_2425 = tpu.vector_load %arg10[%get3A_2423, %get3A_2424] {strides = array<i32>} : memref<128x128xf32, #tpu.memory_space<vmem>>, vector<16xf32>,
      %mul3A_2426 = vector.broadcast %squeeze3A_2421 : f32 to vector<16xf32>
      %mul3A_2427 = arith.mulf %mul3A_2426, %get3A_2425 : vector<16xf32>
      %add3A_2428 = arith.addf %add3A_2419, %mul3A_2427 : vector<16xf32>
      %slice3A_2429 = vector.extract_strided_slice %add3A_1283 {offsets = [15], sizes = [1], strides = [1]} : vector<16xf32> to vector<1xf32>
      %squeeze3A_2430 = vector.extract %slice3A_2429[0] : f32 from vector<1xf32>
      %get3A_2431 = arith.constant 127 : i32
      %get3A_2432 = arith.index_cast %get3A_2431 : i32 to index
      %get3A_2433 = arith.index_cast %mul3A_1285 : i32 to index
      %get3A_2434 = tpu.vector_load %arg10[%get3A_2432, %get3A_2433] {strides = array<i32>} : memref<128x128xf32, #tpu.memory_space<vmem>>, vector<16xf32>,
      %mul3A_2435 = vector.broadcast %squeeze3A_2430 : f32 to vector<16xf32>
      %mul3A_2436 = arith.mulf %mul3A_2435, %get3A_2434 : vector<16xf32>
      %add3A_2437 = arith.addf %add3A_2428, %mul3A_2436 : vector<16xf32>
      %swap3A_2438 = arith.constant 0 : index
      %swap3A_2439 = tpu.vector_load %arg11[%swap3A_2438] {strides = array<i32>} : memref<16xf32, #tpu.memory_space<vmem>>, vector<16xf32>,
      tpu.vector_store %arg11[%swap3A_2438], %add3A_2437 {strides = array<i32>} : memref<16xf32, #tpu.memory_space<vmem>>, vector<16xf32>,
      "tpu.region"() ({
        %run_scoped3A = tpu.sem_alloc : memref<!tpu.dma_semaphore, #tpu.memory_space<semaphore_mem>>
        %dma_start3A = arith.constant 0 : i32
        %dma_start3A_2440 = tpu.memref_slice %arg5[%arg1, %dma_start3A] : memref<8x16xf32, #tpu.memory_space<hbm>> -> memref<1x16xf32, #tpu.memory_space<hbm>>
        %dma_start3A_2441 = tpu.memref_squeeze %dma_start3A_2440 : memref<1x16xf32, #tpu.memory_space<hbm>> -> memref<16xf32, #tpu.memory_space<hbm>>
        %dma_start3A_2442 = arith.constant 0 : i32
        %dma_start3A_2443 = tpu.memref_slice %arg5[%arg1, %dma_start3A_2442] : memref<8x16xf32, #tpu.memory_space<hbm>> -> memref<1x16xf32, #tpu.memory_space<hbm>>
        %dma_start3A_2444 = tpu.memref_squeeze %dma_start3A_2443 : memref<1x16xf32, #tpu.memory_space<hbm>> -> memref<16xf32, #tpu.memory_space<hbm>>
        tpu.enqueue_dma source(%arg11 : memref<16xf32, #tpu.memory_space<vmem>>) target(%dma_start3A_2444 : memref<16xf32, #tpu.memory_space<hbm>>) target_semaphore(%run_scoped3A : memref<!tpu.dma_semaphore, #tpu.memory_space<semaphore_mem>>)
        %dma_wait3A = arith.constant 0 : i32
        %dma_wait3A_2445 = tpu.memref_slice %arg5[%arg1, %dma_wait3A] : memref<8x16xf32, #tpu.memory_space<hbm>> -> memref<1x16xf32, #tpu.memory_space<hbm>>
        %dma_wait3A_2446 = tpu.memref_squeeze %dma_wait3A_2445 : memref<1x16xf32, #tpu.memory_space<hbm>> -> memref<16xf32, #tpu.memory_space<hbm>>
        %dma_wait3A_2447 = arith.constant 0 : i32
        %dma_wait3A_2448 = tpu.memref_slice %arg5[%arg1, %dma_wait3A_2447] : memref<8x16xf32, #tpu.memory_space<hbm>> -> memref<1x16xf32, #tpu.memory_space<hbm>>
        %dma_wait3A_2449 = tpu.memref_squeeze %dma_wait3A_2448 : memref<1x16xf32, #tpu.memory_space<hbm>> -> memref<16xf32, #tpu.memory_space<hbm>>
        tpu.wait_dma2 semaphore(%run_scoped3A : memref<!tpu.dma_semaphore, #tpu.memory_space<semaphore_mem>>) src(%arg11 : memref<16xf32, #tpu.memory_space<vmem>>) dst(%dma_wait3A_2449 : memref<16xf32, #tpu.memory_space<hbm>>)
        tpu.yield
      }) : () -> ()
    } else {
    }
    return
  }
}

</mosaic_0001>

<sc_bundles>
// kernel: kernel.3.cloned.1.call-start
scs
__scs_entry_jumppad:
0x0: {  	(pc) =	sbr.rel $0x88, $3  }
0x1: {  	(tag) =	ssettag $0x0;
	lr =	simm.s32 $0x1  }
0x2: {  	[smem:$0x3F9E] =	sst lr;
	_ =	strace $0xD0000000  }
0x3: {  	_ = 	snop  }
0x4: {  	_ = 	snop  }
0x5: {  	_ = 	snop  }
0x6: {  	_ = 	snop  }
0x7: {  	_ = 	snop  }
__scs_overlays_trampoline_lowered:
0x8: {  	[smem:$0x3FAD] =	sst s0  }
0x9: {  	[smem:$0x3FAE] =	sst s1  }
0xa: {  	[smem:$0x3FAF] =	sst s2  }
0xb: {  	[smem:$0x3FB0] =	sst s3  }
0xc: {  	[smem:$0x3FB1] =	sst s4  }
0xd: {  	[smem:$0x3FB2] =	sst s5  }
0xe: {  	[smem:$0x3FB3] =	sst s6  }
0xf: {  	[smem:$0x3FB4] =	sst s7  }
0x10: {  	[smem:$0x3FB5] =	sst s8  }
0x11: {  	[smem:$0x3FB6] =	sst s9;
	s0 =	simm.s32 @!p0 $0x0  }
0x12: {  	s1 =	sld [smem:$0x3F9C];
	s0 =	simm.s32 @p0 $0x1  }
0x13: {  	[smem:$0x3FB7] =	sst s0;
	s0 =	simm.s32 @!p1 $0x0  }
0x14: {  	s2 =	sld [smem:$0x3F9B];
	s0 =	simm.s32 @p1 $0x1  }
0x15: {  	[smem:$0x3FB8] =	sst s0;
	s0 =	simm.s32 @!p2 $0x0  }
0x16: {  	s3 =	sld [smem:$0x3FDB];
	s0 =	simm.s32 @p2 $0x1  }
0x17: {  	s4 =	simm.s32 $0x1BF5;
	[smem:$0x3FBA] =	sst s0  }
0x18: {  	s0 =	sld [smem:$0x3F9D];
	_ =	swait.ge [sflag:s4], $0x0  }
0x19: {  	s7 =	sld [smem:$0x3F9E]  }
0x1a: {  	s8 =	sadd.s32 $0xFFFFE003, lr  }
0x1b: {  	s9 =	sadd.s32 $0xFFFFFEF7, lr;
	s5 =	simm.s32 $0xFFFFFFFF;
	p2 =	slt.u32 s8, $0xFFFFF086  }
0x1c: {  	p1 =	slt.u32 s9, $0xF7A;
	s5 =	simm.s32 @!p2 $0x0  }
0x1d: {  	s5 =	simm.s32 @p1 $0x1;
	p0 =	seq.s32 s7, s2  }
0x1e: {  	s7 =	smul.u32 @!p0 $0xF7A, s2;
	p2 =	seq.s32 @!p0 s5, $0x0  }
0x1f: {  	s9 =	smul.u32 $0xF7A, s1;
	s8 =	simm.s32 @!p0 $0x1BF5;
	p2 =	por !p2, p0  }
0x20: {  	[sflag:s8] =	ssyncset.s32 @!p0 $0xFFFFF086;
	s6 =	sadd.s32 @!p0 s3, s7;
	s7 =	simm.s32 @!p0 $0x108  }
0x21: {  	s3 =	sadd.s32 s3, s9;
	s6 =	sadd.s32 @!p0 $0x88, s6;
	s7 =	simm.s32 @p2 $0x1082  }
0x22: {  	[simem:s7], [sflag:s8] =	dma.local @!p0 [hbm:s6], $0xF7A  }
0x23: {  	s9 =	sor.u32 $0xD0000000, s2;
	s6 =	simm.s32 $0x108;
	_ =	swait.ge @!p0 [sflag:s8], $0x0  }
0x24: {  	s3 =	sadd.s32 $0x88, s3;
	s6 =	simm.s32 @!p1 $0x1082;
	[sflag:s4] =	ssyncset.s32 $0xFFFFF086  }
0x25: {  	[simem:s6], [sflag:s4] =	dma.local [hbm:s3], $0xF7A  }
0x26: {  	[smem:$0x3F9E] =	sst s1;
	(tag) =	ssettag s2;
	_ =	strace s9  }
0x27: {  	s1 =	sld [smem:$0x3FAE]  }
0x28: {  	s2 =	sld [smem:$0x3FAF]  }
0x29: {  	s4 =	sld [smem:$0x3FB1]  }
0x2a: {  	p0 =	seq.s32 s5, $0x0;
	s5 =	sld [smem:$0x3FB2]  }
0x2b: {  	s6 =	sld [smem:$0x3FB3]  }
0x2c: {  	s7 =	sld [smem:$0x3FB4]  }
0x2d: {  	s3 =	simm.s32 $0x108;
	s8 =	sld [smem:$0x3FB5]  }
0x2e: {  	s3 =	simm.s32 @!p0 $0x1082;
	s9 =	sld [smem:$0x3FB6]  }
0x2f: {  	lr =	sadd.s32 s0, s3;
	s0 =	sld [smem:$0x3FAD]  }
0x30: {  	s3 =	sld [smem:$0x3FB0]  }
0x31: {  	[smem:$0x3FB9] =	sst s10  }
0x32: {  	s10 =	sld [smem:$0x3FB7];
	_ =	sdelay $0x3  }
0x33: {  	p0 =	seq.s32 s10, $0x1;
	s10 =	sld [smem:$0x3FB9];
	_ =	sdelay $0x3  }
0x34: {  	[smem:$0x3FB9] =	sst s10  }
0x35: {  	s10 =	sld [smem:$0x3FB8];
	_ =	sdelay $0x3  }
0x36: {  	p1 =	seq.s32 s10, $0x1;
	s10 =	sld [smem:$0x3FB9];
	_ =	sdelay $0x3  }
0x37: {  	[smem:$0x3FB9] =	sst s10  }
0x38: {  	s10 =	sld [smem:$0x3FBA]  }
0x39: {  	_ = 	snop;
	(pc) =	sbr.ind lr, $3  }
0x3a: {  	_ = 	snop  }
0x3b: {  	_ = 	snop  }
0x3c: {  	p2 =	seq.s32 s10, $0x1;
	s10 =	sld [smem:$0x3FB9]  }
0x3d: {  	_ =	shalt  }
0x3e: {  	_ =	shalt  }
0x3f: {  	_ =	shalt  }
0x40: {  	_ =	shalt  }
0x41: {  	_ =	shalt  }
0x42: {  	_ =	shalt  }
0x43: {  	_ =	shalt  }
0x44: {  	_ =	shalt  }
0x45: {  	_ =	shalt  }
0x46: {  	_ =	shalt  }
0x47: {  	_ =	shalt  }
0x48: {  	_ =	shalt  }
0x49: {  	_ =	shalt  }
0x4a: {  	_ =	shalt  }
0x4b: {  	_ =	shalt  }
0x4c: {  	_ =	shalt  }
0x4d: {  	_ =	shalt  }
0x4e: {  	_ =	shalt  }
0x4f: {  	_ =	shalt  }
0x50: {  	_ =	shalt  }
0x51: {  	_ =	shalt  }
0x52: {  	_ =	shalt  }
0x53: {  	_ =	shalt  }
0x54: {  	_ =	shalt  }
0x55: {  	_ =	shalt  }
0x56: {  	_ =	shalt  }
0x57: {  	_ =	shalt  }
0x58: {  	_ =	shalt  }
0x59: {  	_ =	shalt  }
0x5a: {  	_ =	shalt  }
0x5b: {  	_ =	shalt  }
0x5c: {  	_ =	shalt  }
0x5d: {  	_ =	shalt  }
0x5e: {  	_ =	shalt  }
0x5f: {  	_ =	shalt  }
0x60: {  	_ =	shalt  }
0x61: {  	_ =	shalt  }
0x62: {  	_ =	shalt  }
0x63: {  	_ =	shalt  }
0x64: {  	_ =	shalt  }
0x65: {  	_ =	shalt  }
0x66: {  	_ =	shalt  }
0x67: {  	_ =	shalt  }
0x68: {  	_ =	shalt  }
0x69: {  	_ =	shalt  }
0x6a: {  	_ =	shalt  }
0x6b: {  	_ =	shalt  }
0x6c: {  	_ =	shalt  }
0x6d: {  	_ =	shalt  }
0x6e: {  	_ =	shalt  }
0x6f: {  	_ =	shalt  }
0x70: {  	_ =	shalt  }
0x71: {  	_ =	shalt  }
0x72: {  	_ =	shalt  }
0x73: {  	_ =	shalt  }
0x74: {  	_ =	shalt  }
0x75: {  	_ =	shalt  }
0x76: {  	_ =	shalt  }
0x77: {  	_ =	shalt  }
0x78: {  	_ =	shalt  }
0x79: {  	_ =	shalt  }
0x7a: {  	_ =	shalt  }
0x7b: {  	_ =	shalt  }
0x7c: {  	_ =	shalt  }
0x7d: {  	_ =	shalt  }
0x7e: {  	_ =	shalt  }
0x7f: {  	_ =	shalt  }
0x80: {  	_ =	shalt  }
0x81: {  	_ =	shalt  }
0x82: {  	_ =	shalt  }
0x83: {  	_ =	shalt  }
0x84: {  	_ =	shalt  }
0x85: {  	_ =	shalt  }
0x86: {  	_ =	shalt  }
0x87: {  	_ =	shalt  }
.Lfunc_end0:
.L_simem_size_0:
called_computation_lowered:
.L_overlay_start_0:
0x88: {  	s0 =	sld [smem:$0x3FD9]  }
0x89: {  	s1 =	sld [smem:$0x3FFE];
	_ =	sdelay $0x3  }
0x8a: {  	s0 =	sadd.s32 s1, s0  }
0x8b: {  	[smem:$0x3FC5] =	sst s0  }
0x8c: {  	_ = 	snop  }
0x8d: {  	s0 =	sld [smem:$0x3FC9]  }
0x8e: {  	s16 =	sld [smem:$0x3FC8]  }
0x8f: {  	s2 =	sld [smem:$0x3FC7];
	(tm) =	ssettm $0x1  }
0x90: {  	s3 =	sld [smem:$0x3FFB];
	_ =	sdelay $0x3  }
0x91: {  	_ =	strace s3  }
0x92: {  	s3 =	sld [smem:$0x3FFC];
	_ =	sdelay $0x3  }
0x93: {  	_ =	strace s3  }
0x94: {  	s3 =	sld [smem:$0x3FFD];
	_ =	sdelay $0x3  }
0x95: {  	_ =	strace s3  }
0x96: {  	_ =	strace $0x8FFFFFFF  }
0x97: {  	s17 =	sld [smem:$0x3FDB];
	_ =	sdelay $0x1  }
0x98: {  	s4 =	simm.s32 $_scs_section_size  }
0x99: {  	s5 =	simm.s32 $_size__tile_overlayer_lowered;
	s6 =	simm.s32 $_tile_overlayer_lowered  }
0x9a: {  	s20 =	simm.s32 $0x1BFF;
	s19 =	sshll.u32 s6, $0x1;
	s3 =	sadd.s32 s4, s17  }
0x9b: {  	s7 =	simm.s32 $0x0;
	s18 =	sshll.u32 s5, $0x1;
	s5 =	sadd.s32 s19, s3  }
0x9c: {  	[timem:s7], [sflag:s20] =	dma.local [hbm:s5], s18  }
0x9d: {  	_ =	swait.ge [sflag:s20], s18  }
0x9e: {  	s4 =	ssub.s32 $0x0, s18;
	[sflag:s20] =	ssyncset.done $0x0  }
0x9f: {  	[sflag:s20] =	ssyncadd.s32 s4;
	_ =	sdelay $0x1  }
0xa0: {  	s21 =	simm.s32 $0x1B8B  }
0xa1: {  	_ =	swait.ge [sflag:s21], $0x1  }
0xa2: {  	[sflag:s21] =	ssyncset.done $0x0  }
0xa3: {  	s23 =	simm.s32 $0x1B8E;
	s22 =	sld [smem:$0x3FFE];
	[sflag:s21] =	ssyncadd.s32 $0xFFFFFFFF  }
0xa4: {  	s24 =	simm.s32 $execute0_lowered;
	[smem:$0x3FD2] =	sst s23  }
0xa5: {  	s5 =	sshll.u32 s24, $0x1;
	_ =	strace $0x80000046;
	[dreg:$0x1] =	wrdreg $0xFFFFFFFF  }
0xa6: {  	s25 =	simm.s32 $_size_execute0_lowered;
	s3 =	sadd.s32 s3, s5;
	[dreg:$0x0] =	wrdreg $0x0  }
0xa7: {  	s5 =	sshll.u32 s25, $0x1;
	[dreg:$0x2] =	wrdreg s3  }
0xa8: {  	[dreg:$0x3] =	wrdreg s5  }
0xa9: {  	[dreg:$0x4] =	wrdreg $0xC0  }
0xaa: {  	_ =	task [dreg:s7], $0x5FFFF  }
0xab: {  	[dreg:$0x1] =	wrdreg $0xFFFFFFFF  }
0xac: {  	[dreg:$0x0] =	wrdreg $0x60  }
0xad: {  	[dreg:$0x2] =	wrdreg s0  }
0xae: {  	[dreg:$0x3] =	wrdreg s16  }
0xaf: {  	[dreg:$0x4] =	wrdreg s2  }
0xb0: {  	[dreg:$0x5] =	wrdreg s22  }
0xb1: {  	[dreg:$0x6] =	wrdreg $0x59000  }
0xb2: {  	[dreg:$0x7] =	wrdreg $0x9  }
0xb3: {  	_ =	task.clear_ibuf [dreg:s7], $0x8FFFF;
	_ =	strace $0x90000046  }
0xb4: {  	s26 =	simm.s32 $0x9;
	_ =	strace $0x80000048  }
0xb5: {  	_ =	swait.ge [sflag:s26], $0x1  }
0xb6: {  	[sflag:s26] =	ssyncadd.s32 $0xFFFFFFFF  }
0xb7: {  	_ =	strace $0x90000048  }
0xb8: {  	_ =	sfence  }
0xb9: {  	s28 =	sld [smem:$0x0];
	_ =	sdelay $0x1  }
0xba: {  	s29 =	srdreg.scid  }
0xbb: {  	s30 =	sshll.u32 s29, $0xD;
	s31 =	sshrl.u32 s29, $0x2  }
0xbc: {  	s1 =	sand.u32 $0x1, s29;
	s2 =	sand.u32 $0x4000, s30;
	s0 =	sadd.s32 s31, s28  }
0xbd: {  	s1 =	sor.u32 s2, s1;
	s0 =	sshll.u32 s0, $0x11  }
0xbe: {  	s0 =	sor.u32 s0, s1  }
0xbf: {  	s0 =	sadd.s32 $0x8F2B, s0  }
0xc0: {  	[sflag:s0] =	ssyncadd.remote.s32 $0x1  }
0xc1: {  	_ =	sfence.sel $0xFFFF  }
0xc2: {  	[dreg:$0x0] =	wrdreg $0xFFFFFFFF;
	(pc) =	sbr.abs _section_cstart, $3  }
0xc3: {  	[dreg:$0x1] =	wrdreg $0xFFFFFFFF  }
0xc4: {  	_ =	task.clear_ibuf [dreg:s7], $0x2FFFF;
	_ =	strace $0x9FFFFFFF  }
0xc5: {  	(tm) =	ssettm $0x7FFFFFFF  }
tec
execute0_lowered:
.L_overlay_start_1:
0x0: {  	(tag) =	ssettag $0x1  }
0x1: {  	s4 =	rddreg [dreg:$0x0]  }
0x2: {  	s6 =	rddreg [dreg:$0x1]  }
0x3: {  	s7 =	rddreg [dreg:$0x2]  }
0x4: {  	s3 =	rddreg [dreg:$0x3]  }
0x5: {  	s5 =	rddreg [dreg:$0x4]  }
0x6: {  	s0 =	rddreg [dreg:$0x5];
	s2 =	simm.s32 $0x0;
	s1 =	stileid.u32  }
0x7: {  	[smem:$0x7FF] =	sst s2;
	p0 =	sgt.u32 s1, $0x7  }
0x8: {  	_ =	strace $0x80000047;
	s8 =	simm.s32 @!p0 $0x0;
	s9 =	simm.s32 @!p0 $0xC80  }
0x9: {  	[tilespmem:s9], [sflag:$0x1] =	stream.linear.gather @!p0 [hbm4b:s6+s8], $0x880, $0x38;
	[tilespmem:$0x5980] =	vst v63  }
0xa: {  	s6 =	simm.s32 @!p0 $0x1880  }
0xb: {  	v0 =	vimm.f32 $0.0e+00;
	[tilespmem:s6], [sflag:$0x2] =	stream.linear.gather @!p0 [hbm4b:s7+s8], $0x4000, $0x38;
	[tilespmem:$0x5980] =	vst v63  }
0xc: {  	s30 =	sshll.u32 s1, $0x7;
	[tilespmem:$0x400] =	vst v0  }
0xd: {  	s4 =	sadd.s32 s4, s30;
	[tilespmem:$0x410] =	vst v0  }
0xe: {  	[tilespmem:s2], [sflag:$0x3] =	stream.linear.gather [hbm4b:s4+s2], $0x400, $0x38;
	[tilespmem:$0x5980] =	vst v63  }
0xf: {  	s4 =	simm.s32 $0x3  }
0x10: {  	_ =	swait.ge [sflag:s4], $0x400  }
0x11: {  	[sflag:s4] =	ssyncset.done $0x0  }
0x12: {  	[sflag:s4] =	ssyncadd.s32 $0xFFFFFC00  }
0x13: {  	v1 =	vld [tilespmem:$0x0];
	_ =	sdelay $0x6  }
0x14: {  	v63 =	vimm.f32 $6.103515630e-05;
	s31 =	simm.s32 $0x400  }
0x15: {  	[tilespmem:v1+s31+$0x0] =	vst.idx.add.f32.msk $0xffff, v63  }
0x16: {  	v1 =	vld [tilespmem:$0x10];
	_ =	sdelay $0x7  }
0x17: {  	[tilespmem:v1+s31+$0x0] =	vst.idx.add.f32.msk $0xffff, v63  }
0x18: {  	v1 =	vld [tilespmem:$0x20];
	_ =	sdelay $0x7  }
0x19: {  	[tilespmem:v1+s31+$0x0] =	vst.idx.add.f32.msk $0xffff, v63  }
0x1a: {  	v1 =	vld [tilespmem:$0x30];
	_ =	sdelay $0x7  }
0x1b: {  	[tilespmem:v1+s31+$0x0] =	vst.idx.add.f32.msk $0xffff, v63  }
0x1c: {  	v1 =	vld [tilespmem:$0x40];
	_ =	sdelay $0x7  }
0x1d: {  	[tilespmem:v1+s31+$0x0] =	vst.idx.add.f32.msk $0xffff, v63  }
0x1e: {  	v1 =	vld [tilespmem:$0x50];
	_ =	sdelay $0x7  }
0x1f: {  	[tilespmem:v1+s31+$0x0] =	vst.idx.add.f32.msk $0xffff, v63  }
0x20: {  	v1 =	vld [tilespmem:$0x60];
	_ =	sdelay $0x7  }
0x21: {  	[tilespmem:v1+s31+$0x0] =	vst.idx.add.f32.msk $0xffff, v63  }
0x22: {  	v1 =	vld [tilespmem:$0x70];
	_ =	sdelay $0x7  }
0x23: {  	[tilespmem:v1+s31+$0x0] =	vst.idx.add.f32.msk $0xffff, v63  }
0x24: {  	v1 =	vld [tilespmem:$0x80];
	_ =	sdelay $0x7  }
0x25: {  	[tilespmem:v1+s31+$0x0] =	vst.idx.add.f32.msk $0xffff, v63  }
0x26: {  	v1 =	vld [tilespmem:$0x90];
	_ =	sdelay $0x7  }
0x27: {  	[tilespmem:v1+s31+$0x0] =	vst.idx.add.f32.msk $0xffff, v63  }
0x28: {  	v1 =	vld [tilespmem:$0xA0];
	_ =	sdelay $0x7  }
0x29: {  	[tilespmem:v1+s31+$0x0] =	vst.idx.add.f32.msk $0xffff, v63  }
0x2a: {  	v1 =	vld [tilespmem:$0xB0];
	_ =	sdelay $0x7  }
0x2b: {  	[tilespmem:v1+s31+$0x0] =	vst.idx.add.f32.msk $0xffff, v63  }
0x2c: {  	v1 =	vld [tilespmem:$0xC0];
	_ =	sdelay $0x7  }
0x2d: {  	[tilespmem:v1+s31+$0x0] =	vst.idx.add.f32.msk $0xffff, v63  }
0x2e: {  	v1 =	vld [tilespmem:$0xD0];
	_ =	sdelay $0x7  }
0x2f: {  	[tilespmem:v1+s31+$0x0] =	vst.idx.add.f32.msk $0xffff, v63  }
0x30: {  	v1 =	vld [tilespmem:$0xE0];
	_ =	sdelay $0x7  }
0x31: {  	[tilespmem:v1+s31+$0x0] =	vst.idx.add.f32.msk $0xffff, v63  }
0x32: {  	v1 =	vld [tilespmem:$0xF0];
	_ =	sdelay $0x7  }
0x33: {  	[tilespmem:v1+s31+$0x0] =	vst.idx.add.f32.msk $0xffff, v63  }
0x34: {  	v1 =	vld [tilespmem:$0x100];
	_ =	sdelay $0x7  }
0x35: {  	[tilespmem:v1+s31+$0x0] =	vst.idx.add.f32.msk $0xffff, v63  }
0x36: {  	v1 =	vld [tilespmem:$0x110];
	_ =	sdelay $0x7  }
0x37: {  	[tilespmem:v1+s31+$0x0] =	vst.idx.add.f32.msk $0xffff, v63  }
0x38: {  	v1 =	vld [tilespmem:$0x120];
	_ =	sdelay $0x7  }
0x39: {  	[tilespmem:v1+s31+$0x0] =	vst.idx.add.f32.msk $0xffff, v63  }
0x3a: {  	v1 =	vld [tilespmem:$0x130];
	_ =	sdelay $0x7  }
0x3b: {  	[tilespmem:v1+s31+$0x0] =	vst.idx.add.f32.msk $0xffff, v63  }
0x3c: {  	v1 =	vld [tilespmem:$0x140];
	_ =	sdelay $0x7  }
0x3d: {  	[tilespmem:v1+s31+$0x0] =	vst.idx.add.f32.msk $0xffff, v63  }
0x3e: {  	v1 =	vld [tilespmem:$0x150];
	_ =	sdelay $0x7  }
0x3f: {  	[tilespmem:v1+s31+$0x0] =	vst.idx.add.f32.msk $0xffff, v63  }
0x40: {  	v1 =	vld [tilespmem:$0x160];
	_ =	sdelay $0x7  }
0x41: {  	[tilespmem:v1+s31+$0x0] =	vst.idx.add.f32.msk $0xffff, v63  }
0x42: {  	v1 =	vld [tilespmem:$0x170];
	_ =	sdelay $0x7  }
0x43: {  	[tilespmem:v1+s31+$0x0] =	vst.idx.add.f32.msk $0xffff, v63  }
0x44: {  	v1 =	vld [tilespmem:$0x180];
	_ =	sdelay $0x7  }
0x45: {  	[tilespmem:v1+s31+$0x0] =	vst.idx.add.f32.msk $0xffff, v63  }
0x46: {  	v1 =	vld [tilespmem:$0x190];
	_ =	sdelay $0x7  }
0x47: {  	[tilespmem:v1+s31+$0x0] =	vst.idx.add.f32.msk $0xffff, v63  }
0x48: {  	v1 =	vld [tilespmem:$0x1A0];
	_ =	sdelay $0x7  }
0x49: {  	[tilespmem:v1+s31+$0x0] =	vst.idx.add.f32.msk $0xffff, v63  }
0x4a: {  	v1 =	vld [tilespmem:$0x1B0];
	_ =	sdelay $0x7  }
0x4b: {  	[tilespmem:v1+s31+$0x0] =	vst.idx.add.f32.msk $0xffff, v63  }
0x4c: {  	v1 =	vld [tilespmem:$0x1C0];
	_ =	sdelay $0x7  }
0x4d: {  	[tilespmem:v1+s31+$0x0] =	vst.idx.add.f32.msk $0xffff, v63  }
0x4e: {  	v1 =	vld [tilespmem:$0x1D0];
	_ =	sdelay $0x7  }
0x4f: {  	[tilespmem:v1+s31+$0x0] =	vst.idx.add.f32.msk $0xffff, v63  }
0x50: {  	v1 =	vld [tilespmem:$0x1E0];
	_ =	sdelay $0x7  }
0x51: {  	[tilespmem:v1+s31+$0x0] =	vst.idx.add.f32.msk $0xffff, v63  }
0x52: {  	v1 =	vld [tilespmem:$0x1F0];
	_ =	sdelay $0x7  }
0x53: {  	[tilespmem:v1+s31+$0x0] =	vst.idx.add.f32.msk $0xffff, v63  }
0x54: {  	v1 =	vld [tilespmem:$0x200];
	_ =	sdelay $0x7  }
0x55: {  	[tilespmem:v1+s31+$0x0] =	vst.idx.add.f32.msk $0xffff, v63  }
0x56: {  	v1 =	vld [tilespmem:$0x210];
	_ =	sdelay $0x7  }
0x57: {  	[tilespmem:v1+s31+$0x0] =	vst.idx.add.f32.msk $0xffff, v63  }
0x58: {  	v1 =	vld [tilespmem:$0x220];
	_ =	sdelay $0x7  }
0x59: {  	[tilespmem:v1+s31+$0x0] =	vst.idx.add.f32.msk $0xffff, v63  }
0x5a: {  	v1 =	vld [tilespmem:$0x230];
	_ =	sdelay $0x7  }
0x5b: {  	[tilespmem:v1+s31+$0x0] =	vst.idx.add.f32.msk $0xffff, v63  }
0x5c: {  	v1 =	vld [tilespmem:$0x240];
	_ =	sdelay $0x7  }
0x5d: {  	[tilespmem:v1+s31+$0x0] =	vst.idx.add.f32.msk $0xffff, v63  }
0x5e: {  	v1 =	vld [tilespmem:$0x250];
	_ =	sdelay $0x7  }
0x5f: {  	[tilespmem:v1+s31+$0x0] =	vst.idx.add.f32.msk $0xffff, v63  }
0x60: {  	v1 =	vld [tilespmem:$0x260];
	_ =	sdelay $0x7  }
0x61: {  	[tilespmem:v1+s31+$0x0] =	vst.idx.add.f32.msk $0xffff, v63  }
0x62: {  	v1 =	vld [tilespmem:$0x270];
	_ =	sdelay $0x7  }
0x63: {  	[tilespmem:v1+s31+$0x0] =	vst.idx.add.f32.msk $0xffff, v63  }
0x64: {  	v1 =	vld [tilespmem:$0x280];
	_ =	sdelay $0x7  }
0x65: {  	[tilespmem:v1+s31+$0x0] =	vst.idx.add.f32.msk $0xffff, v63  }
0x66: {  	v1 =	vld [tilespmem:$0x290];
	_ =	sdelay $0x7  }
0x67: {  	[tilespmem:v1+s31+$0x0] =	vst.idx.add.f32.msk $0xffff, v63  }
0x68: {  	v1 =	vld [tilespmem:$0x2A0];
	_ =	sdelay $0x7  }
0x69: {  	[tilespmem:v1+s31+$0x0] =	vst.idx.add.f32.msk $0xffff, v63  }
0x6a: {  	v1 =	vld [tilespmem:$0x2B0];
	_ =	sdelay $0x7  }
0x6b: {  	[tilespmem:v1+s31+$0x0] =	vst.idx.add.f32.msk $0xffff, v63  }
0x6c: {  	v1 =	vld [tilespmem:$0x2C0];
	_ =	sdelay $0x7  }
0x6d: {  	[tilespmem:v1+s31+$0x0] =	vst.idx.add.f32.msk $0xffff, v63  }
0x6e: {  	v1 =	vld [tilespmem:$0x2D0];
	_ =	sdelay $0x7  }
0x6f: {  	[tilespmem:v1+s31+$0x0] =	vst.idx.add.f32.msk $0xffff, v63  }
0x70: {  	v1 =	vld [tilespmem:$0x2E0];
	_ =	sdelay $0x7  }
0x71: {  	[tilespmem:v1+s31+$0x0] =	vst.idx.add.f32.msk $0xffff, v63  }
0x72: {  	v1 =	vld [tilespmem:$0x2F0];
	_ =	sdelay $0x7  }
0x73: {  	[tilespmem:v1+s31+$0x0] =	vst.idx.add.f32.msk $0xffff, v63  }
0x74: {  	v1 =	vld [tilespmem:$0x300];
	_ =	sdelay $0x7  }
0x75: {  	[tilespmem:v1+s31+$0x0] =	vst.idx.add.f32.msk $0xffff, v63  }
0x76: {  	v1 =	vld [tilespmem:$0x310];
	_ =	sdelay $0x7  }
0x77: {  	[tilespmem:v1+s31+$0x0] =	vst.idx.add.f32.msk $0xffff, v63  }
0x78: {  	v1 =	vld [tilespmem:$0x320];
	_ =	sdelay $0x7  }
0x79: {  	[tilespmem:v1+s31+$0x0] =	vst.idx.add.f32.msk $0xffff, v63  }
0x7a: {  	v1 =	vld [tilespmem:$0x330];
	_ =	sdelay $0x7  }
0x7b: {  	[tilespmem:v1+s31+$0x0] =	vst.idx.add.f32.msk $0xffff, v63  }
0x7c: {  	v1 =	vld [tilespmem:$0x340];
	_ =	sdelay $0x7  }
0x7d: {  	[tilespmem:v1+s31+$0x0] =	vst.idx.add.f32.msk $0xffff, v63  }
0x7e: {  	v1 =	vld [tilespmem:$0x350];
	_ =	sdelay $0x7  }
0x7f: {  	[tilespmem:v1+s31+$0x0] =	vst.idx.add.f32.msk $0xffff, v63  }
0x80: {  	v1 =	vld [tilespmem:$0x360];
	_ =	sdelay $0x7  }
0x81: {  	[tilespmem:v1+s31+$0x0] =	vst.idx.add.f32.msk $0xffff, v63  }
0x82: {  	v1 =	vld [tilespmem:$0x370];
	_ =	sdelay $0x7  }
0x83: {  	[tilespmem:v1+s31+$0x0] =	vst.idx.add.f32.msk $0xffff, v63  }
0x84: {  	v1 =	vld [tilespmem:$0x380];
	_ =	sdelay $0x7  }
0x85: {  	[tilespmem:v1+s31+$0x0] =	vst.idx.add.f32.msk $0xffff, v63  }
0x86: {  	v1 =	vld [tilespmem:$0x390];
	_ =	sdelay $0x7  }
0x87: {  	[tilespmem:v1+s31+$0x0] =	vst.idx.add.f32.msk $0xffff, v63  }
0x88: {  	v1 =	vld [tilespmem:$0x3A0];
	_ =	sdelay $0x7  }
0x89: {  	[tilespmem:v1+s31+$0x0] =	vst.idx.add.f32.msk $0xffff, v63  }
0x8a: {  	v1 =	vld [tilespmem:$0x3B0];
	_ =	sdelay $0x7  }
0x8b: {  	[tilespmem:v1+s31+$0x0] =	vst.idx.add.f32.msk $0xffff, v63  }
0x8c: {  	v1 =	vld [tilespmem:$0x3C0];
	_ =	sdelay $0x7  }
0x8d: {  	[tilespmem:v1+s31+$0x0] =	vst.idx.add.f32.msk $0xffff, v63  }
0x8e: {  	v1 =	vld [tilespmem:$0x3D0];
	_ =	sdelay $0x7  }
0x8f: {  	[tilespmem:v1+s31+$0x0] =	vst.idx.add.f32.msk $0xffff, v63  }
0x90: {  	v1 =	vld [tilespmem:$0x3E0];
	_ =	sdelay $0x7  }
0x91: {  	[tilespmem:v1+s31+$0x0] =	vst.idx.add.f32.msk $0xffff, v63  }
0x92: {  	v1 =	vld [tilespmem:$0x3F0];
	_ =	sdelay $0x7  }
0x93: {  	s6 =	sadd.s32 s30, s5;
	[tilespmem:v1+s31+$0x0] =	vst.idx.add.f32.msk $0xffff, v63  }
0x94: {  	[spmem:s6] =	stream.linear.scatter [tilespmem:s31], [sflag:$0x3], $0x80, $0x38;
	[tilespmem:$0x5980] =	vst v63  }
.Ltmp0:
0x95: {  	_ =	swait.ge [sflag:s4], $0x80;
	(pc) =	sbr.rel @p0 .LBB2_2-.Ltmp0, $3  }
0x96: {  	[sflag:s4] =	ssyncset.done $0x0  }
0x97: {  	[sflag:s4] =	ssyncadd.s32 $0xFFFFFF80  }
0x98: {  	[bflag:$0x0] =	sbarrier.arrive $0xFFFF;
	_ =	sdelay $0x1  }
0x99: {  	s6 =	simm.s32 $0x480  }
0x9a: {  	[tilespmem:s6], [sflag:$0x3] =	stream.linear.gather [spmem:s5], $0x800, $0x38;
	[tilespmem:$0x5980] =	vst v63  }
0x9b: {  	_ =	swait.ge [sflag:s4], $0x800  }
0x9c: {  	[sflag:s4] =	ssyncset.done $0x0  }
0x9d: {  	[sflag:s4] =	ssyncadd.s32 $0xFFFFF800  }
0x9e: {  	v0 =	vld [tilespmem:$0x490]  }
0x9f: {  	v1 =	vld [tilespmem:$0x510]  }
0xa0: {  	v2 =	vld [tilespmem:$0x590]  }
0xa1: {  	v3 =	vld [tilespmem:$0x610]  }
0xa2: {  	v4 =	vld [tilespmem:$0x690]  }
0xa3: {  	v5 =	vld [tilespmem:$0x710];
	(v2sf) =	vpush v0, $0x0  }
0xa4: {  	v0 =	vld [tilespmem:$0x790];
	(v2sf) =	vpush v1, $0x0  }
0xa5: {  	v54 =	vld [tilespmem:$0x810];
	(v2sf) =	vpush v2, $0x0  }
0xa6: {  	v55 =	vld [tilespmem:$0x890];
	(v2sf) =	vpush v3, $0x0  }
0xa7: {  	v56 =	vld [tilespmem:$0x910];
	(v2sf) =	vpush v4, $0x0  }
0xa8: {  	v57 =	vld [tilespmem:$0x990];
	(v2sf) =	vpush v5, $0x0  }
0xa9: {  	v58 =	vld [tilespmem:$0xA10];
	(v2sf) =	vpush v0, $0x0  }
0xaa: {  	v59 =	vld [tilespmem:$0xA90];
	(v2sf) =	vpush v54, $0x0  }
0xab: {  	v60 =	vld [tilespmem:$0xB10];
	(v2sf) =	vpush v55, $0x0  }
0xac: {  	v61 =	vld [tilespmem:$0xB90];
	(v2sf) =	vpush v56, $0x0  }
0xad: {  	v62 =	vld [tilespmem:$0xC10];
	(v2sf) =	vpush v57, $0x0  }
0xae: {  	(v2sf) =	vpush v58, $0x0  }
0xaf: {  	(v2sf) =	vpush v59, $0x0  }
0xb0: {  	(v2sf) =	vpush v60, $0x0  }
0xb1: {  	(v2sf) =	vpush v61, $0x0  }
0xb2: {  	s20 =	spop (v2sf);
	(v2sf) =	vpush v62, $0x0  }
0xb3: {  	v1 =	vld [tilespmem:$0x480];
	s19 =	spop (v2sf)  }
0xb4: {  	v17 =	vld [tilespmem:$0x500];
	s18 =	spop (v2sf)  }
0xb5: {  	v6 =	vld [tilespmem:$0x800];
	s17 =	spop (v2sf)  }
0xb6: {  	v7 =	vld [tilespmem:$0x880];
	s16 =	spop (v2sf)  }
0xb7: {  	v8 =	vld [tilespmem:$0x900];
	s15 =	spop (v2sf)  }
0xb8: {  	v9 =	vld [tilespmem:$0x980];
	s14 =	spop (v2sf)  }
0xb9: {  	v10 =	vld [tilespmem:$0xA00];
	s13 =	spop (v2sf)  }
0xba: {  	v11 =	vld [tilespmem:$0xA80];
	s12 =	spop (v2sf)  }
0xbb: {  	v12 =	vld [tilespmem:$0xB00];
	s11 =	spop (v2sf)  }
0xbc: {  	v13 =	vld [tilespmem:$0xB80];
	s10 =	spop (v2sf)  }
0xbd: {  	v14 =	vld [tilespmem:$0xC00];
	s9 =	spop (v2sf)  }
0xbe: {  	v2 =	vld [tilespmem:$0x600];
	s8 =	spop (v2sf)  }
0xbf: {  	v3 =	vld [tilespmem:$0x680];
	s7 =	spop (v2sf)  }
0xc0: {  	v4 =	vld [tilespmem:$0x700];
	s26 =	spop (v2sf)  }
0xc1: {  	s21 =	simm.s32 $0x1;
	v5 =	vld [tilespmem:$0x780];
	s28 =	spop (v2sf)  }
0xc2: {  	v0 =	vld [tilespmem:$0x580];
	_ =	swait.ge [sflag:s21], $0x880  }
0xc3: {  	[sflag:s21] =	ssyncset.done $0x0  }
0xc4: {  	[sflag:s21] =	ssyncadd.s32 $0xFFFFF780  }
0xc5: {  	v63 =	vld [tilespmem:$0x1320];
	_ =	sdelay $0x4  }
0xc6: {  	[tilespmem:$0x1FAB0] =	vst v63;
	v63 =	vld [tilespmem:$0x13A0];
	_ =	sdelay $0x4  }
0xc7: {  	[tilespmem:$0x1FAC0] =	vst v63;
	v63 =	vld [tilespmem:$0x1420];
	_ =	sdelay $0x4  }
0xc8: {  	[tilespmem:$0x1FAD0] =	vst v63;
	v63 =	vld [tilespmem:$0x14A0];
	_ =	sdelay $0x4  }
0xc9: {  	[tilespmem:$0x1FAE0] =	vst v63;
	v63 =	vld [tilespmem:$0xCB0];
	_ =	sdelay $0x4  }
0xca: {  	[tilespmem:$0x1FAF0] =	vst v63;
	v63 =	vld [tilespmem:$0xD30];
	_ =	sdelay $0x4  }
0xcb: {  	[tilespmem:$0x1FB00] =	vst v63;
	v63 =	vld [tilespmem:$0xDB0];
	_ =	sdelay $0x4  }
0xcc: {  	[tilespmem:$0x1FB10] =	vst v63;
	v63 =	vld [tilespmem:$0xE30];
	_ =	sdelay $0x4  }
0xcd: {  	[tilespmem:$0x1FB20] =	vst v63;
	v63 =	vld [tilespmem:$0xEB0];
	_ =	sdelay $0x4  }
0xce: {  	[tilespmem:$0x1FB30] =	vst v63;
	v63 =	vld [tilespmem:$0xF30];
	_ =	sdelay $0x4  }
0xcf: {  	[tilespmem:$0x1FB40] =	vst v63;
	v63 =	vld [tilespmem:$0xFB0];
	_ =	sdelay $0x4  }
0xd0: {  	[tilespmem:$0x1FB50] =	vst v63;
	v63 =	vld [tilespmem:$0x1030];
	_ =	sdelay $0x4  }
0xd1: {  	[tilespmem:$0x1FB60] =	vst v63;
	v63 =	vld [tilespmem:$0x10B0];
	_ =	sdelay $0x4  }
0xd2: {  	[tilespmem:$0x1FB70] =	vst v63;
	v63 =	vld [tilespmem:$0x1130];
	_ =	sdelay $0x4  }
0xd3: {  	[tilespmem:$0x1FB80] =	vst v63;
	v63 =	vld [tilespmem:$0x11B0];
	_ =	sdelay $0x4  }
0xd4: {  	[tilespmem:$0x1FB90] =	vst v63;
	v63 =	vld [tilespmem:$0x1230];
	_ =	sdelay $0x4  }
0xd5: {  	[tilespmem:$0x1FBA0] =	vst v63;
	v63 =	vld [tilespmem:$0x12B0];
	_ =	sdelay $0x3  }
0xd6: {  	v15 =	vld [tilespmem:$0xC80]  }
0xd7: {  	[tilespmem:$0x1FBB0] =	vst v63;
	v63 =	vld [tilespmem:$0x1330]  }
0xd8: {  	v16 =	vld [tilespmem:$0xD00]  }
0xd9: {  	v18 =	vld [tilespmem:$0xD80]  }
0xda: {  	v19 =	vld [tilespmem:$0xE00]  }
0xdb: {  	v20 =	vld [tilespmem:$0xE80]  }
0xdc: {  	[tilespmem:$0x1FBC0] =	vst v63;
	v63 =	vld [tilespmem:$0x13B0]  }
0xdd: {  	v21 =	vld [tilespmem:$0xF00]  }
0xde: {  	v22 =	vld [tilespmem:$0xF80]  }
0xdf: {  	v23 =	vld [tilespmem:$0x1000]  }
0xe0: {  	v24 =	vld [tilespmem:$0x1080]  }
0xe1: {  	[tilespmem:$0x1FBD0] =	vst v63;
	v63 =	vld [tilespmem:$0x1430]  }
0xe2: {  	v25 =	vld [tilespmem:$0x1100]  }
0xe3: {  	v26 =	vld [tilespmem:$0x1180]  }
0xe4: {  	v27 =	vld [tilespmem:$0x1200]  }
0xe5: {  	v28 =	vld [tilespmem:$0x1280]  }
0xe6: {  	[tilespmem:$0x1FBE0] =	vst v63;
	v63 =	vld [tilespmem:$0x14B0]  }
0xe7: {  	v29 =	vld [tilespmem:$0x1300]  }
0xe8: {  	v30 =	vld [tilespmem:$0x1380]  }
0xe9: {  	v32 =	vld [tilespmem:$0x1400]  }
0xea: {  	v33 =	vld [tilespmem:$0x1480]  }
0xeb: {  	[tilespmem:$0x1FBF0] =	vst v63;
	v63 =	vld [tilespmem:$0xCC0]  }
0xec: {  	v31 =	vld [tilespmem:$0xC90]  }
0xed: {  	v34 =	vld [tilespmem:$0xD10]  }
0xee: {  	v35 =	vld [tilespmem:$0xD90]  }
0xef: {  	v36 =	vld [tilespmem:$0xE10]  }
0xf0: {  	[tilespmem:$0x1FC00] =	vst v63;
	v63 =	vld [tilespmem:$0xD40]  }
0xf1: {  	v37 =	vld [tilespmem:$0xE90]  }
0xf2: {  	v38 =	vld [tilespmem:$0xF10]  }
0xf3: {  	v39 =	vld [tilespmem:$0xF90]  }
0xf4: {  	v40 =	vld [tilespmem:$0x1010]  }
0xf5: {  	[tilespmem:$0x1FC10] =	vst v63;
	v63 =	vld [tilespmem:$0xDC0]  }
0xf6: {  	v41 =	vld [tilespmem:$0x1090]  }
0xf7: {  	v42 =	vld [tilespmem:$0x1110]  }
0xf8: {  	v43 =	vld [tilespmem:$0x1190]  }
0xf9: {  	v44 =	vld [tilespmem:$0x1210]  }
0xfa: {  	[tilespmem:$0x1FC20] =	vst v63;
	v63 =	vld [tilespmem:$0xE40]  }
0xfb: {  	v45 =	vld [tilespmem:$0x1290]  }
0xfc: {  	v46 =	vld [tilespmem:$0x1310]  }
0xfd: {  	v47 =	vld [tilespmem:$0x1390]  }
0xfe: {  	v48 =	vld [tilespmem:$0x1410]  }
0xff: {  	[tilespmem:$0x1FC30] =	vst v63;
	v63 =	vld [tilespmem:$0xEC0]  }
0x100: {  	v50 =	vld [tilespmem:$0x1490]  }
0x101: {  	v49 =	vld [tilespmem:$0xCA0]  }
0x102: {  	v1 =	vadd.f32 $0.0e+00, v1;
	v51 =	vld [tilespmem:$0xD20]  }
0x103: {  	v52 =	vld [tilespmem:$0xDA0]  }
0x104: {  	v1 =	vadd.f32 v17, v1;
	[tilespmem:$0x1FC40] =	vst v63;
	v63 =	vld [tilespmem:$0xF40]  }
0x105: {  	v53 =	vld [tilespmem:$0xE20]  }
0x106: {  	v0 =	vadd.f32 v0, v1;
	v54 =	vld [tilespmem:$0xEA0]  }
0x107: {  	v55 =	vld [tilespmem:$0xF20]  }
0x108: {  	v0 =	vadd.f32 v2, v0;
	v56 =	vld [tilespmem:$0xFA0]  }
0x109: {  	[tilespmem:$0x1FC50] =	vst v63;
	v63 =	vld [tilespmem:$0xFC0]  }
0x10a: {  	v0 =	vadd.f32 v3, v0;
	v57 =	vld [tilespmem:$0x1020]  }
0x10b: {  	v58 =	vld [tilespmem:$0x10A0]  }
0x10c: {  	v0 =	vadd.f32 v4, v0;
	v59 =	vld [tilespmem:$0x1120]  }
0x10d: {  	v17 =	vld [tilespmem:$0x1140]  }
0x10e: {  	v0 =	vadd.f32 v5, v0;
	[tilespmem:$0x1FC60] =	vst v63;
	v63 =	vld [tilespmem:$0x1040]  }
0x10f: {  	v60 =	vld [tilespmem:$0x11A0]  }
0x110: {  	v0 =	vadd.f32 v6, v0;
	v4 =	vld [tilespmem:$0x1440]  }
0x111: {  	v5 =	vld [tilespmem:$0xDD0]  }
0x112: {  	v0 =	vadd.f32 v7, v0;
	[tilespmem:$0x1FC90] =	vst v17;
	v17 =	vld [tilespmem:$0x1240]  }
0x113: {  	[tilespmem:$0x1FC70] =	vst v63;
	v63 =	vld [tilespmem:$0x10C0]  }
0x114: {  	v0 =	vadd.f32 v8, v0;
	v6 =	vld [tilespmem:$0xE50]  }
0x115: {  	v7 =	vld [tilespmem:$0xED0];
	[tilespmem:$0x1FCF0] =	vst v4  }
0x116: {  	v0 =	vadd.f32 v9, v0;
	v8 =	vld [tilespmem:$0x1250];
	[tilespmem:$0x1FD30] =	vst v5  }
0x117: {  	[tilespmem:$0x1FCB0] =	vst v17;
	v17 =	vld [tilespmem:$0x1340]  }
0x118: {  	v0 =	vadd.f32 v10, v0;
	[tilespmem:$0x1FC80] =	vst v63;
	v63 =	vld [tilespmem:$0x11C0]  }
0x119: {  	v9 =	vld [tilespmem:$0x12D0];
	[tilespmem:$0x1FD40] =	vst v6  }
0x11a: {  	v0 =	vadd.f32 v11, v0;
	v10 =	vld [tilespmem:$0x1350];
	[tilespmem:$0x1FD50] =	vst v7  }
0x11b: {  	v11 =	vld [tilespmem:$0x13D0];
	[tilespmem:$0x1FDC0] =	vst v8  }
0x11c: {  	v0 =	vadd.f32 v12, v0;
	[tilespmem:$0x1FCD0] =	vst v17;
	v17 =	vld [tilespmem:$0x14C0]  }
0x11d: {  	[tilespmem:$0x1FCA0] =	vst v63;
	v63 =	vld [tilespmem:$0x12C0]  }
0x11e: {  	v12 =	vld [tilespmem:$0x1450];
	v0 =	vadd.f32 v13, v0;
	[tilespmem:$0x1FDD0] =	vst v9  }
0x11f: {  	v13 =	vld [tilespmem:$0x14D0];
	[tilespmem:$0x1FDE0] =	vst v10  }
0x120: {  	v0 =	vadd.f32 v14, v0;
	v14 =	vld [tilespmem:$0x10E0];
	[tilespmem:$0x1FDF0] =	vst v11  }
0x121: {  	[tilespmem:$0x1FD00] =	vst v17;
	v17 =	vld [tilespmem:$0xF50]  }
0x122: {  	[tilespmem:$0x1FCC0] =	vst v63;
	v63 =	vld [tilespmem:$0x13C0]  }
0x123: {  	v4 =	vld [tilespmem:$0xD50];
	[tilespmem:$0x1FE00] =	vst v12  }
0x124: {  	v5 =	vld [tilespmem:$0x10D0];
	[tilespmem:$0x1FE10] =	vst v13  }
0x125: {  	v6 =	vld [tilespmem:$0x1150];
	[tilespmem:$0x1FEA0] =	vst v14  }
0x126: {  	[tilespmem:$0x1FD60] =	vst v17;
	v17 =	vld [tilespmem:$0xCE0]  }
0x127: {  	[tilespmem:$0x1FCE0] =	vst v63;
	v63 =	vld [tilespmem:$0xCD0]  }
0x128: {  	[tilespmem:$0x1FD20] =	vst v4;
	v4 =	vld [tilespmem:$0x1050]  }
0x129: {  	v7 =	vld [tilespmem:$0x11D0];
	[tilespmem:$0x1FD90] =	vst v5  }
0x12a: {  	v8 =	vld [tilespmem:$0xF60];
	[tilespmem:$0x1FDA0] =	vst v6  }
0x12b: {  	v11 =	vld [tilespmem:$0xFE0];
	[tilespmem:$0x1FE20] =	vst v17  }
0x12c: {  	v17 =	vbroadcast v0, $0x0;
	[tilespmem:$0x1FD10] =	vst v63;
	v63 =	vld [tilespmem:$0xFD0]  }
0x12d: {  	v1 =	vbroadcast v0, $0x1;
	[tilespmem:$0x1FD80] =	vst v4;
	v4 =	vld [tilespmem:$0xDE0]  }
0x12e: {  	s20 =	sadd.f32 $0.0e+00, s20;
	v2 =	vbroadcast v0, $0x2;
	v12 =	vld [tilespmem:$0x1060];
	[tilespmem:$0x1FDB0] =	vst v7;
	v6 =	vmul.f32 v15, v17  }
0x12f: {  	v3 =	vbroadcast v0, $0x3;
	v5 =	vld [tilespmem:$0xE60];
	[tilespmem:$0x1FE70] =	vst v8  }
0x130: {  	s19 =	sadd.f32 s19, s20;
	v10 =	vmul.f32 v16, v1;
	v13 =	vmul.f32 v18, v2;
	v18 =	vld [tilespmem:$0x11E0];
	[tilespmem:$0x1FE80] =	vst v11;
	v9 =	vadd.f32 $0.0e+00, v6  }
0x131: {  	[tilespmem:$0x1FD70] =	vst v63;
	v63 =	vld [tilespmem:$0xD60]  }
0x132: {  	s18 =	sadd.f32 s18, s19;
	v16 =	vmul.f32 v19, v3;
	v19 =	vld [tilespmem:$0x1260];
	[tilespmem:$0x1FE40] =	vst v4;
	v4 =	vadd.f32 v10, v9  }
0x133: {  	v7 =	vld [tilespmem:$0xEE0];
	[tilespmem:$0x1FE90] =	vst v12  }
0x134: {  	s17 =	sadd.f32 s17, s18;
	[tilespmem:$0x1FE50] =	vst v5;
	v15 =	vld [tilespmem:$0x1160];
	v5 =	vadd.f32 v13, v4;
	v4 =	vbroadcast v0, $0x4  }
0x135: {  	v12 =	vld [tilespmem:$0x12E0];
	[tilespmem:$0x1FEC0] =	vst v18  }
0x136: {  	s16 =	sadd.f32 s16, s17;
	v6 =	vadd.f32 v16, v5;
	v5 =	vbroadcast v0, $0x5;
	v16 =	vld [tilespmem:$0x1460];
	[tilespmem:$0x1FE30] =	vst v63;
	v63 =	vmul.f32 v20, v4  }
0x137: {  	[tilespmem:$0x1FED0] =	vst v19;
	v19 =	vld [tilespmem:$0x14E0]  }
0x138: {  	s15 =	sadd.f32 s15, s16;
	[tilespmem:$0x1FE60] =	vst v7;
	v14 =	vmul.f32 v21, v5;
	v20 =	vld [tilespmem:$0xCF0];
	v7 =	vadd.f32 v63, v6;
	v6 =	vbroadcast v0, $0x6  }
0x139: {  	[tilespmem:$0x1FEB0] =	vst v15;
	v15 =	vld [tilespmem:$0x13E0]  }
0x13a: {  	s14 =	sadd.f32 s14, s15;
	[tilespmem:$0x1FEE0] =	vst v12;
	v13 =	vld [tilespmem:$0x1360];
	v8 =	vadd.f32 v14, v7;
	v18 =	vmul.f32 v22, v6;
	v7 =	vbroadcast v0, $0x7  }
0x13b: {  	[tilespmem:$0x1FF10] =	vst v16;
	v16 =	vld [tilespmem:$0xE70]  }
0x13c: {  	s13 =	sadd.f32 s13, s14;
	[tilespmem:$0x1FF20] =	vst v19;
	v22 =	vld [tilespmem:$0xD70];
	v9 =	vadd.f32 v18, v8;
	v21 =	vmul.f32 v23, v7;
	v8 =	vbroadcast v0, $0x8  }
0x13d: {  	[tilespmem:$0x1FF30] =	vst v20;
	v20 =	vld [tilespmem:$0xF70]  }
0x13e: {  	s12 =	sadd.f32 s12, s13;
	[tilespmem:$0x1FF00] =	vst v15;
	v23 =	vld [tilespmem:$0xDF0];
	v10 =	vadd.f32 v21, v9;
	v63 =	vmul.f32 v24, v8;
	v9 =	vbroadcast v0, $0x9  }
0x13f: {  	[tilespmem:$0x1FEF0] =	vst v13;
	v18 =	vld [tilespmem:$0xEF0]  }
0x140: {  	s11 =	sadd.f32 s11, s12;
	[tilespmem:$0x1FF60] =	vst v16;
	v21 =	vld [tilespmem:$0xFF0];
	v11 =	vadd.f32 v63, v10;
	v19 =	vmul.f32 v25, v9;
	v10 =	vbroadcast v0, $0xA  }
0x141: {  	v24 =	vld [tilespmem:$0x10F0];
	[tilespmem:$0x1FF40] =	vst v22  }
0x142: {  	s10 =	sadd.f32 s10, s11;
	[tilespmem:$0x1FF80] =	vst v20;
	v20 =	vld [tilespmem:$0x1270];
	v12 =	vadd.f32 v19, v11;
	v22 =	vmul.f32 v26, v10;
	v11 =	vbroadcast v0, $0xB  }
0x143: {  	[tilespmem:$0x1FF50] =	vst v23;
	v23 =	vld [tilespmem:$0x1070]  }
0x144: {  	s9 =	sadd.f32 s9, s10;
	[tilespmem:$0x1FF70] =	vst v18;
	v26 =	vld [tilespmem:$0x1170];
	v13 =	vadd.f32 v22, v12;
	v25 =	vmul.f32 v27, v11;
	v12 =	vbroadcast v0, $0xC  }
0x145: {  	[tilespmem:$0x1FF90] =	vst v21;
	v21 =	vld [tilespmem:$0x12F0]  }
0x146: {  	s8 =	sadd.f32 s8, s9;
	[tilespmem:$0x1FFB0] =	vst v24;
	v27 =	vld [tilespmem:$0x11F0];
	v14 =	vadd.f32 v25, v13;
	v63 =	vmul.f32 v28, v12;
	v13 =	vbroadcast v0, $0xD  }
0x147: {  	v61 =	vld [tilespmem:$0x1220];
	[tilespmem:$0x1FFE0] =	vst v20  }
0x148: {  	v62 =	vld [tilespmem:$0x12A0];
	s7 =	sadd.f32 s7, s8;
	[tilespmem:$0x1FFA0] =	vst v23;
	v15 =	vadd.f32 v63, v14;
	v22 =	vmul.f32 v29, v13;
	v14 =	vbroadcast v0, $0xE  }
0x149: {  	v28 =	vld [tilespmem:$0x13F0];
	[tilespmem:$0x1FFC0] =	vst v26  }
0x14a: {  	s6 =	sadd.f32 s26, s7;
	v26 =	vld [tilespmem:$0x14F0];
	[tilespmem:$0x1FFF0] =	vst v21;
	v16 =	vadd.f32 v22, v15;
	v23 =	vmul.f32 v30, v14;
	v15 =	vbroadcast v0, $0xF  }
0x14b: {  	s29 =	simm.s32 $0x2;
	v29 =	vld [tilespmem:$0x1370];
	[tilespmem:$0x1FFD0] =	vst v27  }
0x14c: {  	s6 =	sadd.f32 s28, s6;
	v27 =	vld [tilespmem:$0x1470];
	_ =	swait.ge [sflag:s29], $0x4000;
	v25 =	vadd.f32 v23, v16;
	v30 =	vmul.f32 v32, v15  }
0x14d: {  	[sflag:s29] =	ssyncset.done $0x0  }
0x14e: {  	s30 =	sshll.u32 s1, $0x4;
	v33 =	vmul.f32 s6, v33;
	v32 =	vmul.f32 v31, v17;
	[sflag:s29] =	ssyncadd.s32 $0xFFFFC000;
	v0 =	vadd.f32 v30, v25  }
0x14f: {  	v24 =	vld [tilespmem:s30+$0x1880]  }
0x150: {  	v63 =	vmul.f32 v34, v1;
	v18 =	vadd.f32 $0.0e+00, v32;
	v0 =	vadd.f32 v33, v0  }
0x151: {  	v31 =	vld [tilespmem:s30+$0x1900]  }
0x152: {  	v30 =	vmul.f32 v35, v2;
	v25 =	vadd.f32 v63, v18;
	v32 =	vbroadcast v0, $0x0  }
0x153: {  	v34 =	vld [tilespmem:s30+$0x1980];
	v33 =	vmul.f32 v36, v3;
	v36 =	vmul.f32 v37, v4  }
0x154: {  	v37 =	vld [tilespmem:s30+$0x1A00];
	v16 =	vadd.f32 v30, v25;
	v35 =	vbroadcast v0, $0x1;
	v20 =	vmul.f32 v24, v32  }
0x155: {  	v63 =	vbroadcast v0, $0x2;
	v30 =	vmul.f32 v38, v5  }
0x156: {  	v16 =	vadd.f32 v33, v16;
	v19 =	vmul.f32 v31, v35;
	v20 =	vadd.f32 $0.0e+00, v20  }
0x157: {  	v38 =	vmul.f32 v40, v7;
	v31 =	vld [tilespmem:s30+$0x1A80];
	v33 =	vbroadcast v0, $0x3  }
0x158: {  	v32 =	vmul.f32 v34, v63;
	v16 =	vadd.f32 v36, v16;
	v19 =	vadd.f32 v19, v20  }
0x159: {  	v34 =	vmul.f32 v39, v6;
	v35 =	vld [tilespmem:s30+$0x1B00];
	v36 =	vmul.f32 v37, v33  }
0x15a: {  	v37 =	vbroadcast v0, $0x4;
	v16 =	vadd.f32 v30, v16;
	v19 =	vadd.f32 v32, v19  }
0x15b: {  	v25 =	vmul.f32 v45, v12;
	v39 =	vld [tilespmem:s30+$0x1B80];
	v63 =	vbroadcast v0, $0x5  }
0x15c: {  	v40 =	vmul.f32 v31, v37;
	v16 =	vadd.f32 v34, v16;
	v19 =	vadd.f32 v36, v19  }
0x15d: {  	v33 =	vbroadcast v0, $0x6;
	v30 =	vmul.f32 v41, v8;
	v31 =	vld [tilespmem:s30+$0x1C00]  }
0x15e: {  	v32 =	vmul.f32 v35, v63;
	v16 =	vadd.f32 v38, v16;
	v19 =	vadd.f32 v40, v19  }
0x15f: {  	v37 =	vbroadcast v0, $0x7;
	v34 =	vmul.f32 v42, v9;
	v35 =	vld [tilespmem:s30+$0x1C80]  }
0x160: {  	v36 =	vmul.f32 v39, v33;
	v16 =	vadd.f32 v30, v16;
	v19 =	vadd.f32 v32, v19  }
0x161: {  	v41 =	vbroadcast v0, $0x8;
	v38 =	vmul.f32 v43, v10;
	v39 =	vld [tilespmem:s30+$0x1D00]  }
0x162: {  	v43 =	vld [tilespmem:s30+$0x1D80];
	v40 =	vmul.f32 v31, v37;
	v16 =	vadd.f32 v34, v16;
	v19 =	vadd.f32 v36, v19  }
0x163: {  	v42 =	vmul.f32 v44, v11;
	v63 =	vbroadcast v0, $0x9  }
0x164: {  	v44 =	vmul.f32 v35, v41;
	v16 =	vadd.f32 v38, v16;
	v19 =	vadd.f32 v40, v19  }
0x165: {  	v45 =	vmul.f32 s6, v50;
	v30 =	vld [tilespmem:s30+$0x1E00];
	v32 =	vbroadcast v0, $0xA  }
0x166: {  	v34 =	vld [tilespmem:s30+$0x1E80];
	v31 =	vmul.f32 v39, v63;
	v16 =	vadd.f32 v42, v16;
	v19 =	vadd.f32 v44, v19  }
0x167: {  	v33 =	vmul.f32 v46, v13;
	v35 =	vmul.f32 v43, v32  }
0x168: {  	v36 =	vbroadcast v0, $0xB;
	v16 =	vadd.f32 v25, v16;
	v19 =	vadd.f32 v31, v19  }
0x169: {  	v37 =	vmul.f32 v47, v14;
	v38 =	vld [tilespmem:s30+$0x1F00];
	v40 =	vbroadcast v0, $0xC  }
0x16a: {  	v39 =	vmul.f32 v30, v36;
	v16 =	vadd.f32 v33, v16;
	v19 =	vadd.f32 v35, v19  }
0x16b: {  	v41 =	vmul.f32 v48, v15;
	v42 =	vld [tilespmem:s30+$0x1F80];
	v43 =	vmul.f32 v34, v40  }
0x16c: {  	v44 =	vbroadcast v0, $0xD;
	v16 =	vadd.f32 v37, v16;
	v19 =	vadd.f32 v39, v19  }
0x16d: {  	v46 =	vmul.f32 v49, v17;
	v49 =	vbroadcast v0, $0xE;
	v47 =	vld [tilespmem:s30+$0x2000]  }
0x16e: {  	v48 =	vmul.f32 v38, v44;
	v16 =	vadd.f32 v41, v16;
	v19 =	vadd.f32 v43, v19  }
0x16f: {  	v51 =	vmul.f32 v51, v1;
	v50 =	vadd.f32 $0.0e+00, v46;
	v63 =	vld [tilespmem:s30+$0x2080];
	v0 =	vbroadcast v0, $0xF  }
0x170: {  	v30 =	vmul.f32 v42, v49;
	v16 =	vadd.f32 v45, v16;
	v19 =	vadd.f32 v48, v19  }
0x171: {  	v18 =	vadd.f32 v51, v50;
	v32 =	vld [tilespmem:s30+$0x2100];
	v31 =	vmul.f32 v52, v2  }
0x172: {  	v0 =	vmul.f32 v47, v0;
	v33 =	vbroadcast v16, $0x0;
	v19 =	vadd.f32 v30, v19  }
0x173: {  	v34 =	vmul.f32 v53, v3;
	v18 =	vadd.f32 v31, v18;
	v35 =	vld [tilespmem:s30+$0x2180]  }
0x174: {  	v37 =	vbroadcast v16, $0x1;
	v36 =	vmul.f32 v63, v33;
	v0 =	vadd.f32 v0, v19  }
0x175: {  	v46 =	vmul.f32 v56, v6;
	v38 =	vmul.f32 v54, v4;
	v18 =	vadd.f32 v34, v18;
	v39 =	vld [tilespmem:s30+$0x2200]  }
0x176: {  	v47 =	vld [tilespmem:s30+$0x2300];
	v41 =	vbroadcast v16, $0x2;
	v40 =	vmul.f32 v32, v37;
	v0 =	vadd.f32 v36, v0  }
0x177: {  	v54 =	vmul.f32 v58, v8;
	v42 =	vmul.f32 v55, v5;
	v18 =	vadd.f32 v38, v18;
	v43 =	vld [tilespmem:s30+$0x2280]  }
0x178: {  	v51 =	vld [tilespmem:s30+$0x2380];
	v45 =	vbroadcast v16, $0x3;
	v44 =	vmul.f32 v35, v41;
	v0 =	vadd.f32 v40, v0  }
0x179: {  	v58 =	vmul.f32 v59, v9;
	v59 =	vld [tilespmem:s30+$0x2480];
	v18 =	vadd.f32 v42, v18;
	v49 =	vbroadcast v16, $0x4  }
0x17a: {  	v55 =	vld [tilespmem:s30+$0x2400];
	v53 =	vbroadcast v16, $0x5;
	v48 =	vmul.f32 v39, v45;
	v0 =	vadd.f32 v44, v0  }
0x17b: {  	v50 =	vmul.f32 v57, v7;
	v57 =	vbroadcast v16, $0x6;
	v18 =	vadd.f32 v46, v18;
	v32 =	vld [tilespmem:s30+$0x2500]  }
0x17c: {  	v56 =	vmul.f32 v47, v53;
	v47 =	vld [tilespmem:$0x1FAC0];
	v52 =	vmul.f32 v43, v49;
	v0 =	vadd.f32 v48, v0  }
0x17d: {  	v63 =	vmul.f32 v51, v57;
	v51 =	vld [tilespmem:$0x1FAD0];
	v18 =	vadd.f32 v50, v18  }
0x17e: {  	v57 =	vld [tilespmem:s30+$0x2800];
	v0 =	vadd.f32 v52, v0  }
0x17f: {  	v34 =	vbroadcast v16, $0x8;
	v35 =	vmul.f32 v61, v11;
	v61 =	vld [tilespmem:$0x1FB00];
	v18 =	vadd.f32 v54, v18  }
0x180: {  	v30 =	vbroadcast v16, $0x7;
	v39 =	vmul.f32 v62, v12;
	v62 =	vld [tilespmem:s30+$0x2880];
	v0 =	vadd.f32 v56, v0  }
0x181: {  	v31 =	vmul.f32 v60, v10;
	v37 =	vmul.f32 v59, v34;
	v34 =	vld [tilespmem:$0x1FB20];
	v18 =	vadd.f32 v58, v18  }
0x182: {  	v43 =	vld [tilespmem:$0x1FAB0];
	v33 =	vmul.f32 v55, v30;
	v0 =	vadd.f32 v63, v0  }
0x183: {  	v36 =	vld [tilespmem:s30+$0x2580];
	v18 =	vadd.f32 v31, v18  }
0x184: {  	v38 =	vbroadcast v16, $0x9;
	v55 =	vld [tilespmem:$0x1FAE0];
	v0 =	vadd.f32 v33, v0  }
0x185: {  	v40 =	vld [tilespmem:s30+$0x2600];
	v18 =	vadd.f32 v35, v18  }
0x186: {  	v42 =	vbroadcast v16, $0xA;
	v41 =	vmul.f32 v32, v38;
	v32 =	vld [tilespmem:s30+$0x2900];
	v0 =	vadd.f32 v37, v0  }
0x187: {  	v21 =	vmul.f32 v43, v13;
	v44 =	vld [tilespmem:s30+$0x2680];
	v18 =	vadd.f32 v39, v18  }
0x188: {  	v46 =	vbroadcast v16, $0xB;
	v45 =	vmul.f32 v36, v42;
	v48 =	vld [tilespmem:s30+$0x2700];
	v0 =	vadd.f32 v41, v0  }
0x189: {  	v59 =	vbroadcast v16, $0xE;
	v18 =	vadd.f32 v21, v18;
	v21 =	vmul.f32 v47, v14;
	v56 =	vld [tilespmem:$0x1FAF0]  }
0x18a: {  	v50 =	vbroadcast v16, $0xC;
	v49 =	vmul.f32 v40, v46;
	v52 =	vld [tilespmem:s30+$0x2780];
	v0 =	vadd.f32 v45, v0  }
0x18b: {  	v54 =	vbroadcast v16, $0xD;
	v31 =	vld [tilespmem:$0x1FB10];
	v18 =	vadd.f32 v21, v18;
	v21 =	vmul.f32 v51, v15  }
0x18c: {  	v16 =	vbroadcast v16, $0xF;
	v38 =	vld [tilespmem:$0x1FB30];
	v53 =	vmul.f32 v44, v50;
	v0 =	vadd.f32 v49, v0  }
0x18d: {  	v22 =	vmul.f32 v61, v1;
	v43 =	vld [tilespmem:s30+$0x2A80];
	v18 =	vadd.f32 v21, v18;
	v21 =	vmul.f32 s6, v55  }
0x18e: {  	v42 =	vld [tilespmem:$0x1FB40];
	v58 =	vmul.f32 v48, v54;
	v24 =	vmul.f32 v56, v17;
	v0 =	vadd.f32 v53, v0  }
0x18f: {  	v16 =	vmul.f32 v57, v16;
	v35 =	vld [tilespmem:s30+$0x2980];
	v63 =	vmul.f32 v52, v59;
	v18 =	vadd.f32 v21, v18  }
0x190: {  	v46 =	vld [tilespmem:$0x1FB50];
	v21 =	vmul.f32 v31, v2;
	v60 =	vadd.f32 $0.0e+00, v24;
	v0 =	vadd.f32 v58, v0  }
0x191: {  	v39 =	vld [tilespmem:s30+$0x2A00];
	v33 =	vbroadcast v18, $0x0;
	v37 =	vbroadcast v18, $0x1  }
0x192: {  	v50 =	vld [tilespmem:$0x1FB60];
	v41 =	vbroadcast v18, $0x2;
	v30 =	vadd.f32 v22, v60;
	v0 =	vadd.f32 v63, v0  }
0x193: {  	v47 =	vld [tilespmem:s30+$0x2B00];
	v57 =	vbroadcast v18, $0x6;
	v36 =	vmul.f32 v62, v33  }
0x194: {  	v54 =	vld [tilespmem:$0x1FB70];
	v20 =	vadd.f32 v21, v30;
	v21 =	vmul.f32 v34, v3;
	v0 =	vadd.f32 v16, v0  }
0x195: {  	v51 =	vld [tilespmem:s30+$0x2B80];
	v61 =	vbroadcast v18, $0x7;
	v40 =	vmul.f32 v32, v37  }
0x196: {  	v59 =	vld [tilespmem:s30+$0x2C80];
	v20 =	vadd.f32 v21, v20;
	v21 =	vmul.f32 v38, v4;
	v0 =	vadd.f32 v36, v0  }
0x197: {  	v55 =	vld [tilespmem:s30+$0x2C00];
	v44 =	vmul.f32 v35, v41;
	v45 =	vbroadcast v18, $0x3  }
0x198: {  	v31 =	vld [tilespmem:$0x1FBA0];
	v20 =	vadd.f32 v21, v20;
	v21 =	vmul.f32 v42, v5;
	v0 =	vadd.f32 v40, v0  }
0x199: {  	v62 =	vld [tilespmem:$0x1FB90];
	v48 =	vmul.f32 v39, v45;
	v49 =	vbroadcast v18, $0x4  }
0x19a: {  	v32 =	vld [tilespmem:s30+$0x2D80];
	v20 =	vadd.f32 v21, v20;
	v21 =	vmul.f32 v46, v6;
	v0 =	vadd.f32 v44, v0  }
0x19b: {  	v52 =	vmul.f32 v43, v49;
	v53 =	vbroadcast v18, $0x5;
	v58 =	vld [tilespmem:$0x1FB80]  }
0x19c: {  	v35 =	vld [tilespmem:$0x1FBB0];
	v20 =	vadd.f32 v21, v20;
	v21 =	vmul.f32 v50, v7;
	v0 =	vadd.f32 v48, v0  }
0x19d: {  	v60 =	vmul.f32 v51, v57;
	v51 =	vld [tilespmem:$0x1FBF0];
	v56 =	vmul.f32 v47, v53  }
0x19e: {  	v57 =	vld [tilespmem:$0x1FC10];
	v20 =	vadd.f32 v21, v20;
	v21 =	vmul.f32 v54, v8;
	v0 =	vadd.f32 v52, v0  }
0x19f: {  	v25 =	vmul.f32 v55, v61;
	v61 =	vld [tilespmem:$0x1FC20];
	v30 =	vbroadcast v18, $0x8  }
0x1a0: {  	v63 =	vld [tilespmem:s30+$0x2D00];
	v20 =	vadd.f32 v21, v20;
	v21 =	vmul.f32 v58, v9;
	v0 =	vadd.f32 v56, v0  }
0x1a1: {  	v39 =	vld [tilespmem:$0x1FBC0];
	v33 =	vmul.f32 v59, v30  }
0x1a2: {  	v30 =	vld [tilespmem:$0x1FC30];
	v20 =	vadd.f32 v21, v20;
	v21 =	vmul.f32 v62, v10;
	v0 =	vadd.f32 v60, v0  }
0x1a3: {  	v55 =	vbroadcast v18, $0xE;
	v34 =	vbroadcast v18, $0x9;
	v43 =	vld [tilespmem:$0x1FBD0]  }
0x1a4: {  	v36 =	vld [tilespmem:s30+$0x2E00];
	v20 =	vadd.f32 v21, v20;
	v21 =	vmul.f32 v31, v11;
	v0 =	vadd.f32 v25, v0  }
0x1a5: {  	v38 =	vbroadcast v18, $0xA;
	v47 =	vld [tilespmem:$0x1FBE0];
	v37 =	vmul.f32 v63, v34  }
0x1a6: {  	v40 =	vld [tilespmem:s30+$0x2E80];
	v20 =	vadd.f32 v21, v20;
	v21 =	vmul.f32 v35, v12;
	v0 =	vadd.f32 v33, v0  }
0x1a7: {  	v41 =	vmul.f32 v32, v38;
	v42 =	vbroadcast v18, $0xB;
	v44 =	vld [tilespmem:s30+$0x2F00]  }
0x1a8: {  	v52 =	vld [tilespmem:$0x1FC00];
	v20 =	vadd.f32 v21, v20;
	v21 =	vmul.f32 v39, v13;
	v0 =	vadd.f32 v37, v0  }
0x1a9: {  	v38 =	vld [tilespmem:$0x1FC50];
	v46 =	vbroadcast v18, $0xC;
	v45 =	vmul.f32 v36, v42  }
0x1aa: {  	v53 =	vld [tilespmem:s30+$0x3000];
	v20 =	vadd.f32 v21, v20;
	v21 =	vmul.f32 v43, v14;
	v0 =	vadd.f32 v41, v0  }
0x1ab: {  	v50 =	vbroadcast v18, $0xD;
	v48 =	vld [tilespmem:s30+$0x2F80];
	v49 =	vmul.f32 v40, v46  }
0x1ac: {  	v58 =	vld [tilespmem:s30+$0x3080];
	v20 =	vadd.f32 v21, v20;
	v21 =	vmul.f32 v47, v15;
	v0 =	vadd.f32 v45, v0  }
0x1ad: {  	v34 =	vld [tilespmem:$0x1FC40];
	v54 =	vmul.f32 v44, v50;
	v24 =	vmul.f32 v52, v17  }
0x1ae: {  	v62 =	vld [tilespmem:s30+$0x3100];
	v20 =	vadd.f32 v21, v20;
	v21 =	vmul.f32 s6, v51;
	v0 =	vadd.f32 v49, v0  }
0x1af: {  	v22 =	vmul.f32 v57, v1;
	v18 =	vbroadcast v18, $0xF;
	v31 =	vld [tilespmem:s30+$0x3180];
	v56 =	vadd.f32 $0.0e+00, v24  }
0x1b0: {  	v42 =	vld [tilespmem:$0x1FC60];
	v59 =	vmul.f32 v48, v55;
	v20 =	vadd.f32 v21, v20;
	v0 =	vadd.f32 v54, v0  }
0x1b1: {  	v35 =	vld [tilespmem:s30+$0x3200];
	v60 =	vadd.f32 v22, v56;
	v21 =	vmul.f32 v61, v2  }
0x1b2: {  	v63 =	vmul.f32 v53, v18;
	v46 =	vld [tilespmem:$0x1FC70];
	v25 =	vbroadcast v20, $0x0;
	v0 =	vadd.f32 v59, v0  }
0x1b3: {  	v39 =	vld [tilespmem:s30+$0x3280];
	v19 =	vadd.f32 v21, v60;
	v21 =	vmul.f32 v30, v3;
	v33 =	vbroadcast v20, $0x1  }
0x1b4: {  	v50 =	vld [tilespmem:$0x1FC80];
	v37 =	vbroadcast v20, $0x2;
	v32 =	vmul.f32 v58, v25;
	v0 =	vadd.f32 v63, v0  }
0x1b5: {  	v43 =	vld [tilespmem:s30+$0x3300];
	v53 =	vbroadcast v20, $0x6;
	v57 =	vbroadcast v20, $0x7;
	v19 =	vadd.f32 v21, v19  }
0x1b6: {  	v55 =	vld [tilespmem:s30+$0x3480];
	v21 =	vmul.f32 v34, v4;
	v36 =	vmul.f32 v62, v33;
	v0 =	vadd.f32 v32, v0  }
0x1b7: {  	v47 =	vld [tilespmem:s30+$0x3380];
	v41 =	vbroadcast v20, $0x3;
	v40 =	vmul.f32 v31, v37  }
0x1b8: {  	v51 =	vld [tilespmem:s30+$0x3400];
	v19 =	vadd.f32 v21, v19;
	v21 =	vmul.f32 v38, v5;
	v0 =	vadd.f32 v36, v0  }
0x1b9: {  	v58 =	vld [tilespmem:$0x1FCA0];
	v44 =	vmul.f32 v35, v41;
	v45 =	vbroadcast v20, $0x4  }
0x1ba: {  	v62 =	vld [tilespmem:$0x1FCB0];
	v19 =	vadd.f32 v21, v19;
	v21 =	vmul.f32 v42, v6;
	v0 =	vadd.f32 v40, v0  }
0x1bb: {  	v48 =	vmul.f32 v39, v45;
	v49 =	vbroadcast v20, $0x5;
	v54 =	vld [tilespmem:$0x1FC90]  }
0x1bc: {  	v31 =	vld [tilespmem:$0x1FCC0];
	v19 =	vadd.f32 v21, v19;
	v21 =	vmul.f32 v46, v7;
	v0 =	vadd.f32 v44, v0  }
0x1bd: {  	v56 =	vmul.f32 v47, v53;
	v47 =	vld [tilespmem:$0x1FD00];
	v52 =	vmul.f32 v43, v49  }
0x1be: {  	v53 =	vld [tilespmem:$0x1FD20];
	v19 =	vadd.f32 v21, v19;
	v21 =	vmul.f32 v50, v8;
	v0 =	vadd.f32 v48, v0  }
0x1bf: {  	v61 =	vbroadcast v20, $0x8;
	v30 =	vbroadcast v20, $0x9;
	v35 =	vld [tilespmem:$0x1FCD0]  }
0x1c0: {  	v59 =	vld [tilespmem:s30+$0x3500];
	v19 =	vadd.f32 v21, v19;
	v21 =	vmul.f32 v54, v9;
	v0 =	vadd.f32 v52, v0  }
0x1c1: {  	v60 =	vmul.f32 v51, v57;
	v25 =	vmul.f32 v55, v61;
	v39 =	vld [tilespmem:$0x1FCE0]  }
0x1c2: {  	v63 =	vld [tilespmem:s30+$0x3580];
	v19 =	vadd.f32 v21, v19;
	v21 =	vmul.f32 v58, v10;
	v0 =	vadd.f32 v56, v0  }
0x1c3: {  	v34 =	vbroadcast v20, $0xA;
	v51 =	vbroadcast v20, $0xE;
	v43 =	vld [tilespmem:$0x1FCF0]  }
0x1c4: {  	v32 =	vld [tilespmem:s30+$0x3600];
	v19 =	vadd.f32 v21, v19;
	v21 =	vmul.f32 v62, v11;
	v0 =	vadd.f32 v60, v0  }
0x1c5: {  	v38 =	vbroadcast v20, $0xB;
	v49 =	vld [tilespmem:s30+$0x3800];
	v33 =	vmul.f32 v59, v30  }
0x1c6: {  	v36 =	vld [tilespmem:s30+$0x3680];
	v19 =	vadd.f32 v21, v19;
	v21 =	vmul.f32 v31, v12;
	v0 =	vadd.f32 v25, v0  }
0x1c7: {  	v42 =	vbroadcast v20, $0xC;
	v37 =	vmul.f32 v63, v34;
	v40 =	vld [tilespmem:s30+$0x3700]  }
0x1c8: {  	v19 =	vadd.f32 v21, v19;
	v21 =	vmul.f32 v35, v13;
	v48 =	vld [tilespmem:$0x1FD10];
	v0 =	vadd.f32 v33, v0  }
0x1c9: {  	v22 =	vmul.f32 v53, v1;
	v53 =	vld [tilespmem:s30+$0x3C80];
	v41 =	vmul.f32 v32, v38  }
0x1ca: {  	v54 =	vld [tilespmem:s30+$0x3880];
	v19 =	vadd.f32 v21, v19;
	v21 =	vmul.f32 v39, v14;
	v0 =	vadd.f32 v37, v0  }
0x1cb: {  	v46 =	vbroadcast v20, $0xD;
	v44 =	vld [tilespmem:s30+$0x3780];
	v45 =	vmul.f32 v36, v42  }
0x1cc: {  	v58 =	vld [tilespmem:$0x1FD30];
	v19 =	vadd.f32 v21, v19;
	v21 =	vmul.f32 v43, v15;
	v0 =	vadd.f32 v41, v0  }
0x1cd: {  	v59 =	vld [tilespmem:s30+$0x3900];
	v50 =	vmul.f32 v40, v46;
	v24 =	vmul.f32 v48, v17  }
0x1ce: {  	v62 =	vld [tilespmem:$0x1FD40];
	v19 =	vadd.f32 v21, v19;
	v21 =	vmul.f32 s6, v47;
	v0 =	vadd.f32 v45, v0  }
0x1cf: {  	v63 =	vld [tilespmem:s30+$0x3980];
	v56 =	vbroadcast v20, $0xF;
	v52 =	vadd.f32 $0.0e+00, v24  }
0x1d0: {  	v32 =	vld [tilespmem:$0x1FD50];
	v55 =	vmul.f32 v44, v51;
	v19 =	vadd.f32 v21, v19;
	v0 =	vadd.f32 v50, v0  }
0x1d1: {  	v36 =	vld [tilespmem:$0x1FD60];
	v60 =	vmul.f32 v49, v56;
	v21 =	vmul.f32 v58, v2;
	v57 =	vadd.f32 v22, v52  }
0x1d2: {  	v40 =	vld [tilespmem:$0x1FD70];
	v61 =	vbroadcast v19, $0x0;
	v31 =	vbroadcast v19, $0x1;
	v0 =	vadd.f32 v55, v0  }
0x1d3: {  	v44 =	vld [tilespmem:$0x1FD80];
	v35 =	vbroadcast v19, $0x2;
	v39 =	vbroadcast v19, $0x3;
	v20 =	vadd.f32 v21, v57  }
0x1d4: {  	v33 =	vld [tilespmem:s30+$0x3A00];
	v21 =	vmul.f32 v62, v3;
	v30 =	vmul.f32 v54, v61;
	v0 =	vadd.f32 v60, v0  }
0x1d5: {  	v48 =	vld [tilespmem:$0x1FD90];
	v43 =	vbroadcast v19, $0x4;
	v34 =	vmul.f32 v59, v31  }
0x1d6: {  	v37 =	vld [tilespmem:s30+$0x3A80];
	v20 =	vadd.f32 v21, v20;
	v21 =	vmul.f32 v32, v4;
	v0 =	vadd.f32 v30, v0  }
0x1d7: {  	v49 =	vld [tilespmem:s30+$0x3C00];
	v47 =	vbroadcast v19, $0x5;
	v38 =	vmul.f32 v63, v35  }
0x1d8: {  	v41 =	vld [tilespmem:s30+$0x3B00];
	v20 =	vadd.f32 v21, v20;
	v21 =	vmul.f32 v36, v5;
	v0 =	vadd.f32 v34, v0  }
0x1d9: {  	v56 =	vld [tilespmem:$0x1FDB0];
	v51 =	vbroadcast v19, $0x6;
	v42 =	vmul.f32 v33, v39  }
0x1da: {  	v45 =	vld [tilespmem:s30+$0x3B80];
	v20 =	vadd.f32 v21, v20;
	v21 =	vmul.f32 v40, v6;
	v0 =	vadd.f32 v38, v0  }
0x1db: {  	v52 =	vld [tilespmem:$0x1FDA0];
	v59 =	vbroadcast v19, $0x8;
	v46 =	vmul.f32 v37, v43  }
0x1dc: {  	v57 =	vld [tilespmem:s30+$0x3D00];
	v20 =	vadd.f32 v21, v20;
	v21 =	vmul.f32 v44, v7;
	v0 =	vadd.f32 v42, v0  }
0x1dd: {  	v25 =	vld [tilespmem:$0x1FDD0];
	v63 =	vbroadcast v19, $0x9;
	v50 =	vmul.f32 v41, v47  }
0x1de: {  	v61 =	vld [tilespmem:s30+$0x3D80];
	v20 =	vadd.f32 v21, v20;
	v21 =	vmul.f32 v48, v8;
	v0 =	vadd.f32 v46, v0  }
0x1df: {  	v55 =	vbroadcast v19, $0x7;
	v54 =	vmul.f32 v45, v51;
	v60 =	vld [tilespmem:$0x1FDC0]  }
0x1e0: {  	v33 =	vld [tilespmem:$0x1FDE0];
	v20 =	vadd.f32 v21, v20;
	v21 =	vmul.f32 v52, v9;
	v0 =	vadd.f32 v50, v0  }
0x1e1: {  	v31 =	vmul.f32 v57, v63;
	v57 =	vld [tilespmem:s30+$0x4100];
	v58 =	vmul.f32 v49, v55  }
0x1e2: {  	v37 =	vld [tilespmem:$0x1FDF0];
	v20 =	vadd.f32 v21, v20;
	v21 =	vmul.f32 v56, v10;
	v0 =	vadd.f32 v54, v0  }
0x1e3: {  	v62 =	vmul.f32 v53, v59;
	v41 =	vld [tilespmem:$0x1FE00]  }
0x1e4: {  	v30 =	vld [tilespmem:s30+$0x3E00];
	v20 =	vadd.f32 v21, v20;
	v21 =	vmul.f32 v60, v11;
	v0 =	vadd.f32 v58, v0  }
0x1e5: {  	v32 =	vbroadcast v19, $0xA;
	v36 =	vbroadcast v19, $0xB;
	v45 =	vld [tilespmem:$0x1FE10]  }
0x1e6: {  	v34 =	vld [tilespmem:s30+$0x3E80];
	v20 =	vadd.f32 v21, v20;
	v21 =	vmul.f32 v25, v12;
	v0 =	vadd.f32 v62, v0  }
0x1e7: {  	v35 =	vmul.f32 v61, v32;
	v40 =	vbroadcast v19, $0xC;
	v38 =	vld [tilespmem:s30+$0x3F00]  }
0x1e8: {  	v20 =	vadd.f32 v21, v20;
	v21 =	vmul.f32 v33, v13;
	v46 =	vld [tilespmem:$0x1FE20];
	v0 =	vadd.f32 v31, v0  }
0x1e9: {  	v44 =	vbroadcast v19, $0xD;
	v51 =	vld [tilespmem:$0x1FE30];
	v39 =	vmul.f32 v30, v36  }
0x1ea: {  	v42 =	vld [tilespmem:s30+$0x3F80];
	v20 =	vadd.f32 v21, v20;
	v21 =	vmul.f32 v37, v14;
	v0 =	vadd.f32 v35, v0  }
0x1eb: {  	v61 =	vld [tilespmem:s30+$0x4180];
	v49 =	vbroadcast v19, $0xE;
	v43 =	vmul.f32 v34, v40  }
0x1ec: {  	v56 =	vld [tilespmem:$0x1FE40];
	v20 =	vadd.f32 v21, v20;
	v21 =	vmul.f32 v41, v15;
	v0 =	vadd.f32 v39, v0  }
0x1ed: {  	v47 =	vld [tilespmem:s30+$0x4000];
	v48 =	vmul.f32 v38, v44;
	v24 =	vmul.f32 v46, v17  }
0x1ee: {  	v52 =	vld [tilespmem:s30+$0x4080];
	v20 =	vadd.f32 v21, v20;
	v21 =	vmul.f32 s6, v45;
	v0 =	vadd.f32 v43, v0  }
0x1ef: {  	v22 =	vmul.f32 v51, v1;
	v60 =	vld [tilespmem:$0x1FE50];
	v53 =	vmul.f32 v42, v49;
	v50 =	vadd.f32 $0.0e+00, v24  }
0x1f0: {  	v25 =	vld [tilespmem:$0x1FE60];
	v54 =	vbroadcast v19, $0xF;
	v20 =	vadd.f32 v21, v20;
	v0 =	vadd.f32 v48, v0  }
0x1f1: {  	v30 =	vld [tilespmem:s30+$0x4200];
	v21 =	vmul.f32 v56, v2;
	v55 =	vadd.f32 v22, v50  }
0x1f2: {  	v33 =	vld [tilespmem:$0x1FE70];
	v58 =	vmul.f32 v47, v54;
	v59 =	vbroadcast v20, $0x0;
	v0 =	vadd.f32 v53, v0  }
0x1f3: {  	v34 =	vld [tilespmem:s30+$0x4280];
	v63 =	vbroadcast v20, $0x1;
	v32 =	vbroadcast v20, $0x2;
	v19 =	vadd.f32 v21, v55  }
0x1f4: {  	v37 =	vld [tilespmem:$0x1FE80];
	v21 =	vmul.f32 v60, v3;
	v62 =	vmul.f32 v52, v59;
	v0 =	vadd.f32 v58, v0  }
0x1f5: {  	v38 =	vld [tilespmem:s30+$0x4300];
	v36 =	vbroadcast v20, $0x3;
	v31 =	vmul.f32 v57, v63  }
0x1f6: {  	v41 =	vld [tilespmem:$0x1FE90];
	v19 =	vadd.f32 v21, v19;
	v21 =	vmul.f32 v25, v4;
	v0 =	vadd.f32 v62, v0  }
0x1f7: {  	v42 =	vld [tilespmem:s30+$0x4380];
	v40 =	vbroadcast v20, $0x4;
	v35 =	vmul.f32 v61, v32  }
0x1f8: {  	v49 =	vld [tilespmem:$0x1FEB0];
	v19 =	vadd.f32 v21, v19;
	v21 =	vmul.f32 v33, v5;
	v0 =	vadd.f32 v31, v0  }
0x1f9: {  	v45 =	vld [tilespmem:$0x1FEA0];
	v44 =	vbroadcast v20, $0x5;
	v39 =	vmul.f32 v30, v36  }
0x1fa: {  	v46 =	vld [tilespmem:s30+$0x4400];
	v19 =	vadd.f32 v21, v19;
	v21 =	vmul.f32 v37, v6;
	v0 =	vadd.f32 v35, v0  }
0x1fb: {  	v54 =	vld [tilespmem:s30+$0x4500];
	v56 =	vbroadcast v20, $0x8;
	v43 =	vmul.f32 v34, v40  }
0x1fc: {  	v50 =	vld [tilespmem:s30+$0x4480];
	v19 =	vadd.f32 v21, v19;
	v21 =	vmul.f32 v41, v7;
	v0 =	vadd.f32 v39, v0  }
0x1fd: {  	v47 =	vmul.f32 v38, v44;
	v48 =	vbroadcast v20, $0x6;
	v53 =	vld [tilespmem:$0x1FEC0]  }
0x1fe: {  	v57 =	vld [tilespmem:$0x1FED0];
	v19 =	vadd.f32 v21, v19;
	v21 =	vmul.f32 v45, v8;
	v0 =	vadd.f32 v43, v0  }
0x1ff: {  	v52 =	vbroadcast v20, $0x7;
	v44 =	vld [tilespmem:$0x1FF30];
	v51 =	vmul.f32 v42, v48  }
0x200: {  	v61 =	vld [tilespmem:$0x1FEE0];
	v19 =	vadd.f32 v21, v19;
	v21 =	vmul.f32 v49, v9;
	v0 =	vadd.f32 v47, v0  }
0x201: {  	v60 =	vbroadcast v20, $0x9;
	v32 =	vld [tilespmem:s30+$0x4680];
	v55 =	vmul.f32 v46, v52  }
0x202: {  	v58 =	vld [tilespmem:s30+$0x4580];
	v19 =	vadd.f32 v21, v19;
	v21 =	vmul.f32 v53, v10;
	v0 =	vadd.f32 v51, v0  }
0x203: {  	v38 =	vbroadcast v20, $0xC;
	v59 =	vmul.f32 v50, v56;
	v31 =	vld [tilespmem:$0x1FEF0]  }
0x204: {  	v62 =	vld [tilespmem:s30+$0x4600];
	v19 =	vadd.f32 v21, v19;
	v21 =	vmul.f32 v57, v11;
	v0 =	vadd.f32 v55, v0  }
0x205: {  	v63 =	vmul.f32 v54, v60;
	v30 =	vbroadcast v20, $0xA;
	v35 =	vld [tilespmem:$0x1FF00]  }
0x206: {  	v36 =	vld [tilespmem:s30+$0x4700];
	v19 =	vadd.f32 v21, v19;
	v21 =	vmul.f32 v61, v12;
	v0 =	vadd.f32 v59, v0  }
0x207: {  	v34 =	vbroadcast v20, $0xB;
	v33 =	vmul.f32 v58, v30;
	v39 =	vld [tilespmem:$0x1FF10]  }
0x208: {  	v40 =	vld [tilespmem:s30+$0x4780];
	v19 =	vadd.f32 v21, v19;
	v21 =	vmul.f32 v31, v13;
	v0 =	vadd.f32 v63, v0  }
0x209: {  	v17 =	vmul.f32 v44, v17;
	v37 =	vmul.f32 v62, v34;
	v43 =	vld [tilespmem:$0x1FF20]  }
0x20a: {  	v48 =	vld [tilespmem:$0x1FF40];
	v19 =	vadd.f32 v21, v19;
	v21 =	vmul.f32 v35, v14;
	v0 =	vadd.f32 v33, v0  }
0x20b: {  	v41 =	vmul.f32 v32, v38;
	v42 =	vbroadcast v20, $0xD  }
0x20c: {  	v52 =	vld [tilespmem:$0x1FF50];
	v19 =	vadd.f32 v21, v19;
	v21 =	vmul.f32 v39, v15;
	v0 =	vadd.f32 v37, v0  }
0x20d: {  	v45 =	vld [tilespmem:s30+$0x4800];
	v46 =	vmul.f32 v36, v42;
	v47 =	vbroadcast v20, $0xE  }
0x20e: {  	v56 =	vld [tilespmem:$0x1FF60];
	v19 =	vadd.f32 v21, v19;
	v21 =	vmul.f32 s6, v43;
	v0 =	vadd.f32 v41, v0  }
0x20f: {  	v17 =	vadd.f32 $0.0e+00, v17;
	v49 =	vld [tilespmem:s30+$0x4880];
	v1 =	vmul.f32 v48, v1;
	v50 =	vmul.f32 v40, v47  }
0x210: {  	v60 =	vld [tilespmem:$0x1FF70];
	v51 =	vbroadcast v20, $0xF;
	v19 =	vadd.f32 v21, v19;
	v0 =	vadd.f32 v46, v0  }
0x211: {  	v2 =	vmul.f32 v52, v2;
	v53 =	vld [tilespmem:s30+$0x4900];
	v1 =	vadd.f32 v1, v17  }
0x212: {  	v20 =	vld [tilespmem:$0x1FF80];
	v54 =	vmul.f32 v45, v51;
	v55 =	vbroadcast v19, $0x0;
	v0 =	vadd.f32 v50, v0  }
0x213: {  	v57 =	vld [tilespmem:s30+$0x4980];
	v1 =	vadd.f32 v2, v1;
	v2 =	vmul.f32 v56, v3  }
0x214: {  	v23 =	vld [tilespmem:$0x1FF90];
	v59 =	vbroadcast v19, $0x1;
	v58 =	vmul.f32 v49, v55;
	v0 =	vadd.f32 v54, v0  }
0x215: {  	v61 =	vld [tilespmem:s30+$0x4A00];
	v1 =	vadd.f32 v2, v1;
	v2 =	vmul.f32 v60, v4  }
0x216: {  	v21 =	vld [tilespmem:s30+$0x4A80];
	v63 =	vbroadcast v19, $0x2;
	v62 =	vmul.f32 v53, v59;
	v0 =	vadd.f32 v58, v0  }
0x217: {  	v31 =	vld [tilespmem:$0x1FFA0];
	v1 =	vadd.f32 v2, v1;
	v2 =	vmul.f32 v20, v5  }
0x218: {  	v24 =	vld [tilespmem:s30+$0x4B00];
	v22 =	vbroadcast v19, $0x3;
	v3 =	vmul.f32 v57, v63;
	v0 =	vadd.f32 v62, v0  }
0x219: {  	v35 =	vld [tilespmem:$0x1FFB0];
	v30 =	vbroadcast v19, $0x4;
	v1 =	vadd.f32 v2, v1  }
0x21a: {  	v32 =	vld [tilespmem:s30+$0x4B80];
	v2 =	vmul.f32 v23, v6;
	v25 =	vmul.f32 v61, v22;
	v0 =	vadd.f32 v3, v0  }
0x21b: {  	v39 =	vld [tilespmem:$0x1FFC0];
	v34 =	vbroadcast v19, $0x5;
	v33 =	vmul.f32 v21, v30  }
0x21c: {  	v36 =	vld [tilespmem:s30+$0x4C00];
	v1 =	vadd.f32 v2, v1;
	v2 =	vmul.f32 v31, v7;
	v0 =	vadd.f32 v25, v0  }
0x21d: {  	v43 =	vld [tilespmem:$0x1FFD0];
	v38 =	vbroadcast v19, $0x6;
	v37 =	vmul.f32 v24, v34  }
0x21e: {  	v40 =	vld [tilespmem:s30+$0x4C80];
	v1 =	vadd.f32 v2, v1;
	v2 =	vmul.f32 v35, v8;
	v0 =	vadd.f32 v33, v0  }
0x21f: {  	v47 =	vld [tilespmem:$0x1FFE0];
	v42 =	vbroadcast v19, $0x7;
	v41 =	vmul.f32 v32, v38  }
0x220: {  	v44 =	vld [tilespmem:s30+$0x4D00];
	v1 =	vadd.f32 v2, v1;
	v2 =	vmul.f32 v39, v9;
	v0 =	vadd.f32 v37, v0  }
0x221: {  	v51 =	vld [tilespmem:$0x1FFF0];
	v45 =	vmul.f32 v36, v42;
	v46 =	vbroadcast v19, $0x8  }
0x222: {  	v1 =	vadd.f32 v2, v1;
	v2 =	vmul.f32 v43, v10;
	v0 =	vadd.f32 v41, v0  }
0x223: {  	v48 =	vld [tilespmem:s30+$0x4D80];
	v49 =	vmul.f32 v40, v46;
	v50 =	vbroadcast v19, $0x9  }
0x224: {  	v52 =	vld [tilespmem:s30+$0x4E00];
	v1 =	vadd.f32 v2, v1;
	v2 =	vmul.f32 v47, v11;
	v0 =	vadd.f32 v45, v0  }
0x225: {  	v53 =	vmul.f32 v44, v50;
	v54 =	vbroadcast v19, $0xA  }
0x226: {  	v1 =	vadd.f32 v2, v1;
	v2 =	vmul.f32 v51, v12;
	v0 =	vadd.f32 v49, v0  }
0x227: {  	v56 =	vld [tilespmem:s30+$0x4E80];
	v55 =	vmul.f32 v29, v13;
	v58 =	vbroadcast v19, $0xB  }
0x228: {  	v57 =	vmul.f32 v48, v54;
	v1 =	vadd.f32 v2, v1;
	v0 =	vadd.f32 v53, v0  }
0x229: {  	v60 =	vld [tilespmem:s30+$0x4F00];
	v59 =	vmul.f32 v28, v14;
	v61 =	vmul.f32 v52, v58  }
0x22a: {  	v62 =	vbroadcast v19, $0xC;
	v1 =	vadd.f32 v55, v1;
	v0 =	vadd.f32 v57, v0  }
0x22b: {  	v63 =	vmul.f32 v27, v15;
	v9 =	vld [tilespmem:s30+$0x4F80];
	v11 =	vbroadcast v19, $0xD  }
0x22c: {  	v10 =	vmul.f32 v56, v62;
	v1 =	vadd.f32 v59, v1;
	v0 =	vadd.f32 v61, v0  }
0x22d: {  	v13 =	vld [tilespmem:s30+$0x5000];
	v15 =	vbroadcast v19, $0xE;
	v12 =	vmul.f32 s6, v26  }
0x22e: {  	v14 =	vmul.f32 v60, v11;
	v1 =	vadd.f32 v63, v1;
	v0 =	vadd.f32 v10, v0  }
0x22f: {  	v16 =	vld [tilespmem:s30+$0x5080];
	v18 =	vbroadcast v19, $0xF  }
0x230: {  	v17 =	vmul.f32 v9, v15;
	v1 =	vadd.f32 v12, v1;
	v0 =	vadd.f32 v14, v0  }
0x231: {  	v19 =	vld [tilespmem:s30+$0x5100]  }
0x232: {  	v20 =	vmul.f32 v13, v18;
	v21 =	vbroadcast v1, $0x0;
	v0 =	vadd.f32 v17, v0  }
0x233: {  	v22 =	vld [tilespmem:s30+$0x5180]  }
0x234: {  	v23 =	vbroadcast v1, $0x1;
	v2 =	vmul.f32 v16, v21;
	v0 =	vadd.f32 v20, v0  }
0x235: {  	v24 =	vld [tilespmem:s30+$0x5200]  }
0x236: {  	v26 =	vbroadcast v1, $0x2;
	v25 =	vmul.f32 v19, v23;
	v0 =	vadd.f32 v2, v0  }
0x237: {  	v27 =	vld [tilespmem:s30+$0x5280]  }
0x238: {  	v29 =	vbroadcast v1, $0x3;
	v28 =	vmul.f32 v22, v26;
	v0 =	vadd.f32 v25, v0  }
0x239: {  	v30 =	vld [tilespmem:s30+$0x5300]  }
0x23a: {  	v32 =	vbroadcast v1, $0x4;
	v31 =	vmul.f32 v24, v29;
	v0 =	vadd.f32 v28, v0  }
0x23b: {  	v33 =	vld [tilespmem:s30+$0x5380]  }
0x23c: {  	v35 =	vbroadcast v1, $0x5;
	v34 =	vmul.f32 v27, v32;
	v0 =	vadd.f32 v31, v0  }
0x23d: {  	v36 =	vld [tilespmem:s30+$0x5400]  }
0x23e: {  	v38 =	vbroadcast v1, $0x6;
	v37 =	vmul.f32 v30, v35;
	v0 =	vadd.f32 v34, v0  }
0x23f: {  	v39 =	vld [tilespmem:s30+$0x5480]  }
0x240: {  	v41 =	vbroadcast v1, $0x7;
	v40 =	vmul.f32 v33, v38;
	v0 =	vadd.f32 v37, v0  }
0x241: {  	v42 =	vld [tilespmem:s30+$0x5500]  }
0x242: {  	v44 =	vbroadcast v1, $0x8;
	v43 =	vmul.f32 v36, v41;
	v0 =	vadd.f32 v40, v0  }
0x243: {  	v45 =	vld [tilespmem:s30+$0x5580]  }
0x244: {  	v47 =	vbroadcast v1, $0x9;
	v46 =	vmul.f32 v39, v44;
	v0 =	vadd.f32 v43, v0  }
0x245: {  	v48 =	vld [tilespmem:s30+$0x5600]  }
0x246: {  	v50 =	vbroadcast v1, $0xA;
	v49 =	vmul.f32 v42, v47;
	v0 =	vadd.f32 v46, v0  }
0x247: {  	v51 =	vld [tilespmem:s30+$0x5680]  }
0x248: {  	v53 =	vbroadcast v1, $0xB;
	v52 =	vmul.f32 v45, v50;
	v0 =	vadd.f32 v49, v0  }
0x249: {  	v54 =	vld [tilespmem:s30+$0x5700]  }
0x24a: {  	v56 =	vbroadcast v1, $0xC;
	v55 =	vmul.f32 v48, v53;
	v0 =	vadd.f32 v52, v0  }
0x24b: {  	v57 =	vld [tilespmem:s30+$0x5780]  }
0x24c: {  	v59 =	vbroadcast v1, $0xD;
	v58 =	vmul.f32 v51, v56;
	v0 =	vadd.f32 v55, v0  }
0x24d: {  	v60 =	vld [tilespmem:s30+$0x5800]  }
0x24e: {  	v62 =	vbroadcast v1, $0xE;
	v61 =	vmul.f32 v54, v59;
	v0 =	vadd.f32 v58, v0;
	_ =	sdelay $0x1  }
0x24f: {  	v1 =	vbroadcast v1, $0xF;
	v63 =	vmul.f32 v57, v62;
	v0 =	vadd.f32 v61, v0;
	_ =	sdelay $0x1  }
0x250: {  	v1 =	vmul.f32 v60, v1;
	v0 =	vadd.f32 v63, v0;
	_ =	sdelay $0x1  }
0x251: {  	v0 =	vadd.f32 v1, v0  }
0x252: {  	s3 =	sadd.s32 s30, s3  }
0x253: {  	s31 =	simm.s32 $0x5880;
	s3 =	sadd.s32 $0x400, s3;
	[tilespmem:$0x5880] =	vst v0  }
0x254: {  	[hbm4b:s3+s2] =	stream.linear.scatter [tilespmem:s31], [sflag:$0x3], $0x80, $0x38;
	[tilespmem:$0x5980] =	vst v63  }
0x255: {  	_ =	swait.ge [sflag:s4], $0x80  }
0x256: {  	[sflag:s4] =	ssyncset.done $0x0  }
0x257: {  	[sflag:s4] =	ssyncadd.s32 $0xFFFFFF80  }
.LBB2_2:
0x258: {  	_ =	sfence.sel $0x180000  }
0x259: {  	[bflag:$0x0] =	sbarrier.arrive $0xFFFF  }
0x25a: {  	p0 =	sne.s32 s1, $0x0;
	_ =	strace $0x90000047  }
0x25b: {  	s0 =	sadd.s32 @!p0 $0x100000, s0;
	[bflag:$0x2] =	sbarrier.arrive $0xFFFF  }
0x25c: {  	[sflag:s0] =	ssyncadd.tile.s32 @!p0 $0x1;
	_ =	shalt  }
.Lfunc_end2:
_tile_overlayer_lowered:
.L_overlay_start_2:
0x25d: {  	(tag) =	ssettag $0x2  }
0x25e: {  	s0 =	rddreg [dreg:$0x0];
	s2 =	stileid.u32  }
0x25f: {  	s1 =	rddreg [dreg:$0x1];
	p0 =	sne.s32 s2, $0x0  }
0x260: {  	s3 =	rddreg [dreg:$0x2];
	[bflag:$0x3] =	sbarrier.arrive $0xFFFF;
	s2 =	simm.s32 @!p0 $0x1C03  }
0x261: {  	[timem:s3], [sflag:s2] =	dma.local @!p0 [hbm:s0], s1  }
0x262: {  	s0 =	simm.s32 @!p0 $0x3  }
0x263: {  	_ =	swait.ge @!p0 [sflag:s0], s1  }
0x264: {  	s1 =	ssub.s32 @!p0 $0x0, s1;
	[sflag:s0] =	ssyncset.done @!p0 $0x0  }
0x265: {  	[sflag:s0] =	ssyncadd.s32 @!p0 s1  }
0x266: {  	[bflag:$0x3] =	sbarrier.arrive $0xFFFF  }
0x267: {  	_ =	shalt  }

</sc_bundles>
